<compile_context>
chip_gen: v7x
topology: tpu7x:2x2x1
jax: 0.10.2.dev20260603
libtpu: 0.0.44.dev20260713+nightly
codegen_flags: <defaults>
</compile_context>

<pallas_src>
import functools

import jax
import jax.numpy as jnp
from jax import lax
from jax.experimental import pallas as pl
from jax.experimental.pallas import tpu as pltpu
from jax.experimental.pallas import tpu_sc as plsc

N_NODES = 10000
DIM = 128
NUM_EDGES = 320000
NC = 2
NS = 16
LANES = 16
NTILE = NC * NS

EPT = NUM_EDGES // NTILE
K = 80
CPT = EPT // K

RSTEP = 624
RSPAN = 640

_mesh = plsc.VectorSubcoreMesh(core_axis_name="c", subcore_axis_name="s")


def _zero_fill(zbuf):
    zero16 = jnp.zeros((LANES,), dtype=jnp.float32)

    @pl.loop(0, 64)
    def _(r):
        @pl.loop(0, DIM, step=LANES)
        def _(c0):
            zbuf[r, pl.ds(c0, LANES)] = zero16


def _zero_shared(zbuf, sh, sid):
    @pl.loop(0, RSPAN, step=64)
    def _(r):
        pltpu.sync_copy(zbuf, sh.at[pl.ds(sid * RSTEP + r, 64)])


def _copy_out(sh, out_hbm, cid, sid):
    pltpu.sync_copy(
        sh.at[pl.ds(sid * RSTEP, RSPAN)],
        out_hbm.at[cid, pl.ds(sid * RSTEP, RSPAN)],
    )


@functools.partial(
    pl.kernel,
    out_type=jax.ShapeDtypeStruct((NC, N_NODES, DIM), jnp.float32),
    mesh=_mesh,
    scratch_types=[
        pltpu.VMEM((CPT, K), jnp.int32),
        pltpu.VMEM((K, DIM), jnp.float32),
        pltpu.VMEM((64, DIM), jnp.float32),
        pltpu.VMEM_SHARED((N_NODES, DIM), jnp.float32),
        pltpu.SemaphoreType.DMA,
    ],
)
def _deg_sc(dst3_hbm, out_hbm, didx2, ones_v, zbuf, deg_sh, sem):
    cid = lax.axis_index("c")
    sid = lax.axis_index("s")
    wid = cid * NS + sid
    one16 = jnp.full((LANES,), 1.0, dtype=jnp.float32)

    @pl.loop(0, K)
    def _(r):
        @pl.loop(0, DIM, step=LANES)
        def _(c0):
            ones_v[r, pl.ds(c0, LANES)] = one16

    pltpu.sync_copy(dst3_hbm.at[wid], didx2)
    _zero_fill(zbuf)
    _zero_shared(zbuf, deg_sh, sid)
    plsc.subcore_barrier()

    W = 8

    def _fire(j):
        pltpu.async_copy(ones_v, deg_sh.at[didx2.at[j]], sem, add=True)

    def _drain(j):
        pltpu.make_async_copy(ones_v, deg_sh.at[didx2.at[j]], sem).wait()

    @pl.loop(0, W)
    def _(j):
        _fire(j)

    @pl.loop(0, CPT - W)
    def _(j):
        _drain(j)
        _fire(j + W)

    @pl.loop(CPT - W, CPT)
    def _(j):
        _drain(j)

    plsc.subcore_barrier()
    _copy_out(deg_sh, out_hbm, cid, sid)


@functools.partial(
    pl.kernel,
    out_type=jax.ShapeDtypeStruct((NC, N_NODES, DIM), jnp.float32),
    mesh=_mesh,
    scratch_types=[
        pltpu.VMEM((CPT, K), jnp.int32),
        pltpu.VMEM((1, K), jnp.int32),
        pltpu.VMEM((1, K), jnp.int32),
        pltpu.VMEM((K, DIM), jnp.float32),
        pltpu.VMEM((K, DIM), jnp.float32),
        pltpu.VMEM_SHARED((N_NODES, DIM), jnp.float32),
        pltpu.SemaphoreType.DMA,
        pltpu.SemaphoreType.DMA,
        pltpu.SemaphoreType.DMA,
        pltpu.SemaphoreType.DMA,
        pltpu.SemaphoreType.DMA,
        pltpu.SemaphoreType.DMA,
        pltpu.SemaphoreType.DMA,
        pltpu.SemaphoreType.DMA,
        pltpu.SemaphoreType.DMA,
        pltpu.SemaphoreType.DMA,
    ],
)
def _agg_sc(u_hbm, src3_hbm, dst3_hbm, out_hbm,
            sidx2, didxA, didxB, rows0, rows1, agg_sh,
            sem0, sem1, semA, semB, sem0b, sem1b, sem0c, sem0d,
            sem1c, sem1d):
    cid = lax.axis_index("c")
    sid = lax.axis_index("s")
    wid = cid * NS + sid

    pltpu.sync_copy(src3_hbm.at[wid], sidx2)
    zero16 = jnp.zeros((LANES,), dtype=jnp.float32)

    @pl.loop(0, K)
    def _(r):
        @pl.loop(0, DIM, step=LANES)
        def _(c0):
            rows0[r, pl.ds(c0, LANES)] = zero16

    @pl.loop(0, RSPAN, step=K)
    def _(r):
        pltpu.sync_copy(rows0, agg_sh.at[pl.ds(sid * RSTEP + r, K)])

    plsc.subcore_barrier()

    def _dload(j, dbuf, dsem):
        pltpu.async_copy(dst3_hbm.at[wid, pl.ds(j, 1)], dbuf, dsem)

    def _dwait(j, dbuf, dsem):
        pltpu.make_async_copy(dst3_hbm.at[wid, pl.ds(j, 1)], dbuf, dsem).wait()

    QUARTERS = ((0, 24), (24, 24), (48, 16), (64, 16))

    def _gather(j, buf, sems):
        for q, (o, n) in enumerate(QUARTERS):
            pltpu.async_copy(
                u_hbm.at[sidx2.at[j, pl.ds(o, n)]],
                buf.at[pl.ds(o, n)], sems[q])

    def _gwait(j, buf, sems):
        for q, (o, n) in enumerate(QUARTERS):
            pltpu.make_async_copy(
                u_hbm.at[sidx2.at[j, pl.ds(o, n)]],
                buf.at[pl.ds(o, n)], sems[q]).wait()

    def _scatter(j, buf, dbuf, dsem):
        _dwait(j, dbuf, dsem)
        pltpu.sync_copy(buf, agg_sh.at[dbuf.at[0]], add=True)

    _dload(0, didxA, semA)
    _gather(0, rows0, (sem0, sem0b, sem0c, sem0d))

    @pl.loop(0, CPT - 3, step=2)
    def _(j):
        _dload(j + 1, didxB, semB)
        _gather(j + 1, rows1, (sem1, sem1b, sem1c, sem1d))
        _gwait(j, rows0, (sem0, sem0b, sem0c, sem0d))
        _scatter(j, rows0, didxA, semA)
        _dload(j + 2, didxA, semA)
        _gather(j + 2, rows0, (sem0, sem0b, sem0c, sem0d))
        _gwait(j + 1, rows1, (sem1, sem1b, sem1c, sem1d))
        _scatter(j + 1, rows1, didxB, semB)

    _dload(CPT - 2, didxB, semB)
    _gather(CPT - 2, rows1, (sem1, sem1b, sem1c, sem1d))
    _gwait(CPT - 3, rows0, (sem0, sem0b, sem0c, sem0d))
    _scatter(CPT - 3, rows0, didxA, semA)
    _dload(CPT - 1, didxA, semA)
    _gather(CPT - 1, rows0, (sem0, sem0b, sem0c, sem0d))
    _gwait(CPT - 2, rows1, (sem1, sem1b, sem1c, sem1d))
    _scatter(CPT - 2, rows1, didxB, semB)
    _gwait(CPT - 1, rows0, (sem0, sem0b, sem0c, sem0d))
    _scatter(CPT - 1, rows0, didxA, semA)

    plsc.subcore_barrier()
    _copy_out(agg_sh, out_hbm, cid, sid)



def _dinv_from(degp_ref):
    deg = degp_ref[0] + degp_ref[1] + 1.0
    return lax.rsqrt(deg)


def _tc_in_body(x_ref, win_ref, bin_ref, w1_ref, degp_ref, o_ref):
    dinv = _dinv_from(degp_ref)
    h = (
        jnp.dot(x_ref[...], win_ref[...], preferred_element_type=jnp.float32)
        + bin_ref[...]
    )
    o_ref[...] = (
        jnp.dot(h, w1_ref[...], preferred_element_type=jnp.float32) * dinv
    )


def _tc_layer_body(aggp_ref, u_ref, degp_ref, b_ref, w_ref, o_ref):
    dinv = _dinv_from(degp_ref)
    agg = aggp_ref[0] + aggp_ref[1] + u_ref[...]
    hl = jnp.maximum(agg * dinv + b_ref[...], 0.0)
    o_ref[...] = (
        jnp.dot(hl, w_ref[...], preferred_element_type=jnp.float32) * dinv
    )


def _tc_final_body(aggp_ref, u_ref, degp_ref, b_ref, o_ref):
    dinv = _dinv_from(degp_ref)
    agg = aggp_ref[0] + aggp_ref[1] + u_ref[...]
    o_ref[...] = jnp.maximum(agg * dinv + b_ref[...], 0.0)


_out_nd = jax.ShapeDtypeStruct((N_NODES, DIM), jnp.float32)

_tc_in = pl.pallas_call(_tc_in_body, out_shape=_out_nd)
_tc_layer = pl.pallas_call(_tc_layer_body, out_shape=_out_nd)
_tc_final = pl.pallas_call(_tc_final_body, out_shape=_out_nd)


def kernel(x, edge_index, W_in, b_in, W1, b1, W2, b2):
    src3 = edge_index[0].reshape(NTILE, CPT, K)
    dst3 = edge_index[1].reshape(NTILE, CPT, K)
    b_in2 = b_in.reshape(1, DIM)
    b1_2 = b1.reshape(1, DIM)
    b2_2 = b2.reshape(1, DIM)

    degp = _deg_sc(dst3)
    degs = degp[:, :, 0:1]
    u1 = _tc_in(x, W_in, b_in2, W1, degs)
    aggp1 = _agg_sc(u1, src3, dst3)
    u2 = _tc_layer(aggp1, u1, degs, b1_2, W2)
    aggp2 = _agg_sc(u2, src3, dst3)
    return _tc_final(aggp2, u2, degs, b2_2)

# --- scband reference (transcript-rebuilt; emitter-appended) ---
"""Pipeline reference for scband-gcnmodel-base-55224689492698 (READ-ONLY COPY).

The authoritative reference and input builder live on the scoring server;
editing this copy changes nothing except your own understanding.
"""

import jax, jax.numpy as jnp
import numpy as np

N = 10000
E = 320000
D = 128

def _lin_init(key, fan_in, shape):
    bound = 1.0 / np.sqrt(fan_in)
    return jax.random.uniform(key, shape, minval=-bound, maxval=bound, dtype=jnp.float32)

def setup_inputs(seed: int = 0):
    key = jax.random.key(seed)
    ks = jax.random.split(key, 8)
    return {
        "x": jax.random.normal(ks[0], (N, D), dtype=jnp.float32),
        "edge_index": jax.random.randint(ks[1], (2, E), 0, N, dtype=jnp.int32),
        "W_in": _lin_init(ks[2], D, (D, D)),
        "b_in": _lin_init(ks[3], D, (D,)),
        "W1": _lin_init(ks[4], D, (D, D)),
        "b1": _lin_init(ks[5], D, (D,)),
        "W2": _lin_init(ks[6], D, (D, D)),
        "b2": _lin_init(ks[7], D, (D,)),
    }

def reference(x, edge_index, W_in, b_in, W1, b1, W2, b2):
    n = x.shape[0]
    # GCN symmetric normalization with self-loops (as in PyG GCNConv)
    loop = jnp.arange(n, dtype=edge_index.dtype)
    src = jnp.concatenate([edge_index[0], loop])
    dst = jnp.concatenate([edge_index[1], loop])
    deg = jax.ops.segment_sum(jnp.ones(src.shape[0], dtype=x.dtype), dst, num_segments=n)
    dinv = jnp.where(deg > 0, jax.lax.rsqrt(jnp.where(deg > 0, deg, 1.0)), 0.0)
    norm = dinv[src] * dinv[dst]

    def gcn_conv(h, W, b):
        hw = h @ W
        msg = jnp.take(hw, src, axis=0) * norm[:, None]
        agg = jax.ops.segment_sum(msg, dst, num_segments=n)
        return agg + b

    # input linear projection
    h = x @ W_in + b_in
    # layer 1: conv -> relu (dropout=0, no batch_norm, no residual)
    h = jax.nn.relu(gcn_conv(h, W1, b1))
    # layer 2 (output layer): conv -> relu
    h = jax.nn.relu(gcn_conv(h, W2, b2))
    return h

if __name__ == "__main__":
    import jax
    _d = setup_inputs()
    print(jax.jit(kernel)(*tuple(_d.values())))

</pallas_src>

<mosaic_0001>
#map = affine_map<(d0, d1) -> (0, 0)>
#map1 = affine_map<(d0, d1) -> (0, 0, 0)>
module attributes {stable_mosaic.version = 14 : i64} {
  func.func @_agg_sc(%arg0: i32, %arg1: i32, %arg2: memref<10000x128xf32, #tpu.memory_space<hbm>>, %arg3: memref<32x125x80xi32, #tpu.memory_space<hbm>>, %arg4: memref<32x125x80xi32, #tpu.memory_space<hbm>>, %arg5: memref<2x10000x128xf32, #tpu.memory_space<hbm>>, %arg6: memref<125x80xi32, #tpu.memory_space<vmem>>, %arg7: memref<1x80xi32, #tpu.memory_space<vmem>>, %arg8: memref<1x80xi32, #tpu.memory_space<vmem>>, %arg9: memref<80x128xf32, #tpu.memory_space<vmem>>, %arg10: memref<80x128xf32, #tpu.memory_space<vmem>>, %arg11: memref<10000x128xf32, #tpu.memory_space<vmem_shared>>, %arg12: memref<!tpu.dma_semaphore, #tpu.memory_space<semaphore_mem>>, %arg13: memref<!tpu.dma_semaphore, #tpu.memory_space<semaphore_mem>>, %arg14: memref<!tpu.dma_semaphore, #tpu.memory_space<semaphore_mem>>, %arg15: memref<!tpu.dma_semaphore, #tpu.memory_space<semaphore_mem>>, %arg16: memref<!tpu.dma_semaphore, #tpu.memory_space<semaphore_mem>>, %arg17: memref<!tpu.dma_semaphore, #tpu.memory_space<semaphore_mem>>, %arg18: memref<!tpu.dma_semaphore, #tpu.memory_space<semaphore_mem>>, %arg19: memref<!tpu.dma_semaphore, #tpu.memory_space<semaphore_mem>>, %arg20: memref<!tpu.dma_semaphore, #tpu.memory_space<semaphore_mem>>, %arg21: memref<!tpu.dma_semaphore, #tpu.memory_space<semaphore_mem>>) attributes {dimension_semantics = [#tpu.dimension_semantics<core_parallel>, #tpu.dimension_semantics<subcore_parallel>], iteration_bounds = array<i64: 2, 16>, scalar_prefetch = 0 : i64, scratch_operands = 16 : i64, tpu.core_type = #tpu.core_type<sc_vector_subcore>, window_params = [{transform_indices = #map}, {transform_indices = #map1}, {transform_indices = #map1}, {transform_indices = #map1}]} {
    %mul3A = arith.constant 16 : i32
    %mul3A_0 = arith.muli %arg0, %mul3A : i32
    %add3A = arith.addi %mul3A_0, %arg1 : i32
    "tpu.region"() ({
      %run_scoped3A_309 = tpu.sem_alloc : memref<!tpu.dma_semaphore, #tpu.memory_space<semaphore_mem>>
      %dma_start3A_310 = arith.constant 0 : i32
      %dma_start3A_311 = arith.constant 0 : i32
      %dma_start3A_312 = tpu.memref_slice %arg3[%add3A, %dma_start3A_310, %dma_start3A_311] : memref<32x125x80xi32, #tpu.memory_space<hbm>> -> memref<1x125x80xi32, #tpu.memory_space<hbm>>
      %dma_start3A_313 = tpu.memref_squeeze %dma_start3A_312 : memref<1x125x80xi32, #tpu.memory_space<hbm>> -> memref<125x80xi32, #tpu.memory_space<hbm>>
      %dma_start3A_314 = arith.constant 0 : i32
      %dma_start3A_315 = arith.constant 0 : i32
      %dma_start3A_316 = tpu.memref_slice %arg3[%add3A, %dma_start3A_314, %dma_start3A_315] : memref<32x125x80xi32, #tpu.memory_space<hbm>> -> memref<1x125x80xi32, #tpu.memory_space<hbm>>
      %dma_start3A_317 = tpu.memref_squeeze %dma_start3A_316 : memref<1x125x80xi32, #tpu.memory_space<hbm>> -> memref<125x80xi32, #tpu.memory_space<hbm>>
      tpu.enqueue_dma source(%dma_start3A_317 : memref<125x80xi32, #tpu.memory_space<hbm>>) target(%arg6 : memref<125x80xi32, #tpu.memory_space<vmem>>) target_semaphore(%run_scoped3A_309 : memref<!tpu.dma_semaphore, #tpu.memory_space<semaphore_mem>>)
      %dma_wait3A_318 = arith.constant 0 : i32
      %dma_wait3A_319 = arith.constant 0 : i32
      %dma_wait3A_320 = tpu.memref_slice %arg3[%add3A, %dma_wait3A_318, %dma_wait3A_319] : memref<32x125x80xi32, #tpu.memory_space<hbm>> -> memref<1x125x80xi32, #tpu.memory_space<hbm>>
      %dma_wait3A_321 = tpu.memref_squeeze %dma_wait3A_320 : memref<1x125x80xi32, #tpu.memory_space<hbm>> -> memref<125x80xi32, #tpu.memory_space<hbm>>
      %dma_wait3A_322 = arith.constant 0 : i32
      %dma_wait3A_323 = arith.constant 0 : i32
      %dma_wait3A_324 = tpu.memref_slice %arg3[%add3A, %dma_wait3A_322, %dma_wait3A_323] : memref<32x125x80xi32, #tpu.memory_space<hbm>> -> memref<1x125x80xi32, #tpu.memory_space<hbm>>
      %dma_wait3A_325 = tpu.memref_squeeze %dma_wait3A_324 : memref<1x125x80xi32, #tpu.memory_space<hbm>> -> memref<125x80xi32, #tpu.memory_space<hbm>>
      tpu.wait_dma2 semaphore(%run_scoped3A_309 : memref<!tpu.dma_semaphore, #tpu.memory_space<semaphore_mem>>) src(%dma_wait3A_325 : memref<125x80xi32, #tpu.memory_space<hbm>>) dst(%arg6 : memref<125x80xi32, #tpu.memory_space<vmem>>)
      tpu.yield
    }) : () -> ()
    %broadcast_in_dim3A = arith.constant 0.000000e+00 : f32
    %broadcast_in_dim3A_1 = vector.broadcast %broadcast_in_dim3A : f32 to vector<16xf32>
    %scan3A = arith.constant 0 : i32
    %scan3A_2 = arith.constant 80 : i32
    %scan3A_3 = arith.addi %scan3A, %scan3A_2 : i32
    %scan3A_4 = arith.constant 1 : i32
    scf.for %scan3A_309 = %scan3A to %scan3A_3 step %scan3A_4  : i32 {
      %mul3A_310 = arith.constant 1 : i32
      %mul3A_311 = arith.muli %scan3A_309, %mul3A_310 : i32
      %add3A_312 = arith.constant 0 : i32
      %add3A_313 = arith.addi %add3A_312, %mul3A_311 : i32
      %scan3A_314 = arith.constant 0 : i32
      %scan3A_315 = arith.constant 8 : i32
      %scan3A_316 = arith.addi %scan3A_314, %scan3A_315 : i32
      %scan3A_317 = arith.constant 1 : i32
      scf.for %scan3A_319 = %scan3A_314 to %scan3A_316 step %scan3A_317  : i32 {
        %mul3A_320 = arith.constant 16 : i32
        %mul3A_321 = arith.muli %scan3A_319, %mul3A_320 : i32
        %add3A_322 = arith.constant 0 : i32
        %add3A_323 = arith.addi %add3A_322, %mul3A_321 : i32
        %swap3A = arith.index_cast %add3A_313 : i32 to index
        %swap3A_324 = arith.index_cast %add3A_323 : i32 to index
        %swap3A_325 = tpu.vector_load %arg9[%swap3A, %swap3A_324] {strides = array<i32>} : memref<80x128xf32, #tpu.memory_space<vmem>>, vector<1x16xf32>,
        %swap3A_326 = vector.shape_cast %swap3A_325 : vector<1x16xf32> to vector<16xf32>
        %swap3A_327 = vector.shape_cast %broadcast_in_dim3A_1 : vector<16xf32> to vector<1x16xf32>
        tpu.vector_store %arg9[%swap3A, %swap3A_324], %swap3A_327 {strides = array<i32>} : memref<80x128xf32, #tpu.memory_space<vmem>>, vector<1x16xf32>,
      }
      %scan3A_318 = arith.constant 8 : i32
    }
    %scan3A_5 = arith.constant 80 : i32
    %scan3A_6 = arith.constant 0 : i32
    %scan3A_7 = arith.constant 8 : i32
    %scan3A_8 = arith.addi %scan3A_6, %scan3A_7 : i32
    %scan3A_9 = arith.constant 1 : i32
    scf.for %scan3A_309 = %scan3A_6 to %scan3A_8 step %scan3A_9  : i32 {
      %mul3A_310 = arith.constant 80 : i32
      %mul3A_311 = arith.muli %scan3A_309, %mul3A_310 : i32
      %add3A_312 = arith.constant 0 : i32
      %add3A_313 = arith.addi %add3A_312, %mul3A_311 : i32
      %mul3A_314 = arith.constant 624 : i32
      %mul3A_315 = arith.muli %arg1, %mul3A_314 : i32
      %add3A_316 = arith.addi %mul3A_315, %add3A_313 : i32
      "tpu.region"() ({
        %run_scoped3A_317 = tpu.sem_alloc : memref<!tpu.dma_semaphore, #tpu.memory_space<semaphore_mem>>
        %dma_start3A_318 = arith.constant 0 : i32
        %dma_start3A_319 = tpu.memref_slice %arg11[%add3A_316, %dma_start3A_318] : memref<10000x128xf32, #tpu.memory_space<vmem_shared>> -> memref<80x128xf32, #tpu.memory_space<vmem_shared>>
        %dma_start3A_320 = arith.constant 0 : i32
        %dma_start3A_321 = tpu.memref_slice %arg11[%add3A_316, %dma_start3A_320] : memref<10000x128xf32, #tpu.memory_space<vmem_shared>> -> memref<80x128xf32, #tpu.memory_space<vmem_shared>>
        tpu.enqueue_dma source(%arg9 : memref<80x128xf32, #tpu.memory_space<vmem>>) target(%dma_start3A_321 : memref<80x128xf32, #tpu.memory_space<vmem_shared>>) target_semaphore(%run_scoped3A_317 : memref<!tpu.dma_semaphore, #tpu.memory_space<semaphore_mem>>)
        %dma_wait3A_322 = arith.constant 0 : i32
        %dma_wait3A_323 = tpu.memref_slice %arg11[%add3A_316, %dma_wait3A_322] : memref<10000x128xf32, #tpu.memory_space<vmem_shared>> -> memref<80x128xf32, #tpu.memory_space<vmem_shared>>
        %dma_wait3A_324 = arith.constant 0 : i32
        %dma_wait3A_325 = tpu.memref_slice %arg11[%add3A_316, %dma_wait3A_324] : memref<10000x128xf32, #tpu.memory_space<vmem_shared>> -> memref<80x128xf32, #tpu.memory_space<vmem_shared>>
        tpu.wait_dma2 semaphore(%run_scoped3A_317 : memref<!tpu.dma_semaphore, #tpu.memory_space<semaphore_mem>>) src(%arg9 : memref<80x128xf32, #tpu.memory_space<vmem>>) dst(%dma_wait3A_325 : memref<80x128xf32, #tpu.memory_space<vmem_shared>>)
        tpu.yield
      }) : () -> ()
    }
    %scan3A_10 = arith.constant 8 : i32
    %barrier3A = arith.constant 0 : index
    tpu.barrier barrier_id(%barrier3A)
    %dma_start3A = arith.constant 0 : i32
    %dma_start3A_11 = arith.constant 0 : i32
    %dma_start3A_12 = tpu.memref_slice %arg4[%add3A, %dma_start3A, %dma_start3A_11] : memref<32x125x80xi32, #tpu.memory_space<hbm>> -> memref<1x1x80xi32, #tpu.memory_space<hbm>>
    %dma_start3A_13 = tpu.memref_squeeze %dma_start3A_12 : memref<1x1x80xi32, #tpu.memory_space<hbm>> -> memref<1x80xi32, #tpu.memory_space<hbm>>
    %dma_start3A_14 = arith.constant 0 : i32
    %dma_start3A_15 = arith.constant 0 : i32
    %dma_start3A_16 = tpu.memref_slice %arg4[%add3A, %dma_start3A_14, %dma_start3A_15] : memref<32x125x80xi32, #tpu.memory_space<hbm>> -> memref<1x1x80xi32, #tpu.memory_space<hbm>>
    %dma_start3A_17 = tpu.memref_squeeze %dma_start3A_16 : memref<1x1x80xi32, #tpu.memory_space<hbm>> -> memref<1x80xi32, #tpu.memory_space<hbm>>
    tpu.enqueue_dma source(%dma_start3A_17 : memref<1x80xi32, #tpu.memory_space<hbm>>) target(%arg7 : memref<1x80xi32, #tpu.memory_space<vmem>>) target_semaphore(%arg14 : memref<!tpu.dma_semaphore, #tpu.memory_space<semaphore_mem>>)
    %dma_start3A_18 = arith.constant 0 : i32
    %dma_start3A_19 = arith.constant 0 : i32
    %dma_start3A_20 = arith.constant 0 : i32
    %dma_start3A_21 = tpu.memref_slice %arg9[%dma_start3A_19, %dma_start3A_20] : memref<80x128xf32, #tpu.memory_space<vmem>> -> memref<24x128xf32, #tpu.memory_space<vmem>>
    %dma_start3A_22 = arith.constant 0 : i32
    %dma_start3A_23 = tpu.memref_slice %arg6[%dma_start3A_18, %dma_start3A_22] : memref<125x80xi32, #tpu.memory_space<vmem>> -> memref<1x24xi32, #tpu.memory_space<vmem>>
    %dma_start3A_24 = tpu.memref_squeeze %dma_start3A_23 : memref<1x24xi32, #tpu.memory_space<vmem>> -> memref<24xi32, #tpu.memory_space<vmem>>
    %dma_start3A_25 = arith.constant 0 : i32
    %dma_start3A_26 = arith.constant 0 : i32
    %dma_start3A_27 = tpu.memref_slice %arg2[%dma_start3A_25, %dma_start3A_26] : memref<10000x128xf32, #tpu.memory_space<hbm>> -> memref<10000x128xf32, #tpu.memory_space<hbm>>
    tpu.enqueue_indirect_dma source(%dma_start3A_27 : memref<10000x128xf32, #tpu.memory_space<hbm>>) target(%dma_start3A_21 : memref<24x128xf32, #tpu.memory_space<vmem>>) offsets(%dma_start3A_24 : memref<24xi32, #tpu.memory_space<vmem>>) semaphore(%arg12 : memref<!tpu.dma_semaphore, #tpu.memory_space<semaphore_mem>>)
    %dma_start3A_28 = arith.constant 0 : i32
    %dma_start3A_29 = arith.constant 24 : i32
    %dma_start3A_30 = arith.constant 0 : i32
    %dma_start3A_31 = tpu.memref_slice %arg9[%dma_start3A_29, %dma_start3A_30] : memref<80x128xf32, #tpu.memory_space<vmem>> -> memref<24x128xf32, #tpu.memory_space<vmem>>
    %dma_start3A_32 = arith.constant 24 : i32
    %dma_start3A_33 = tpu.memref_slice %arg6[%dma_start3A_28, %dma_start3A_32] : memref<125x80xi32, #tpu.memory_space<vmem>> -> memref<1x24xi32, #tpu.memory_space<vmem>>
    %dma_start3A_34 = tpu.memref_squeeze %dma_start3A_33 : memref<1x24xi32, #tpu.memory_space<vmem>> -> memref<24xi32, #tpu.memory_space<vmem>>
    %dma_start3A_35 = arith.constant 0 : i32
    %dma_start3A_36 = arith.constant 0 : i32
    %dma_start3A_37 = tpu.memref_slice %arg2[%dma_start3A_35, %dma_start3A_36] : memref<10000x128xf32, #tpu.memory_space<hbm>> -> memref<10000x128xf32, #tpu.memory_space<hbm>>
    tpu.enqueue_indirect_dma source(%dma_start3A_37 : memref<10000x128xf32, #tpu.memory_space<hbm>>) target(%dma_start3A_31 : memref<24x128xf32, #tpu.memory_space<vmem>>) offsets(%dma_start3A_34 : memref<24xi32, #tpu.memory_space<vmem>>) semaphore(%arg16 : memref<!tpu.dma_semaphore, #tpu.memory_space<semaphore_mem>>)
    %dma_start3A_38 = arith.constant 0 : i32
    %dma_start3A_39 = arith.constant 48 : i32
    %dma_start3A_40 = arith.constant 0 : i32
    %dma_start3A_41 = tpu.memref_slice %arg9[%dma_start3A_39, %dma_start3A_40] : memref<80x128xf32, #tpu.memory_space<vmem>> -> memref<16x128xf32, #tpu.memory_space<vmem>>
    %dma_start3A_42 = arith.constant 48 : i32
    %dma_start3A_43 = tpu.memref_slice %arg6[%dma_start3A_38, %dma_start3A_42] : memref<125x80xi32, #tpu.memory_space<vmem>> -> memref<1x16xi32, #tpu.memory_space<vmem>>
    %dma_start3A_44 = tpu.memref_squeeze %dma_start3A_43 : memref<1x16xi32, #tpu.memory_space<vmem>> -> memref<16xi32, #tpu.memory_space<vmem>>
    %dma_start3A_45 = arith.constant 0 : i32
    %dma_start3A_46 = arith.constant 0 : i32
    %dma_start3A_47 = tpu.memref_slice %arg2[%dma_start3A_45, %dma_start3A_46] : memref<10000x128xf32, #tpu.memory_space<hbm>> -> memref<10000x128xf32, #tpu.memory_space<hbm>>
    tpu.enqueue_indirect_dma source(%dma_start3A_47 : memref<10000x128xf32, #tpu.memory_space<hbm>>) target(%dma_start3A_41 : memref<16x128xf32, #tpu.memory_space<vmem>>) offsets(%dma_start3A_44 : memref<16xi32, #tpu.memory_space<vmem>>) semaphore(%arg18 : memref<!tpu.dma_semaphore, #tpu.memory_space<semaphore_mem>>)
    %dma_start3A_48 = arith.constant 0 : i32
    %dma_start3A_49 = arith.constant 64 : i32
    %dma_start3A_50 = arith.constant 0 : i32
    %dma_start3A_51 = tpu.memref_slice %arg9[%dma_start3A_49, %dma_start3A_50] : memref<80x128xf32, #tpu.memory_space<vmem>> -> memref<16x128xf32, #tpu.memory_space<vmem>>
    %dma_start3A_52 = arith.constant 64 : i32
    %dma_start3A_53 = tpu.memref_slice %arg6[%dma_start3A_48, %dma_start3A_52] : memref<125x80xi32, #tpu.memory_space<vmem>> -> memref<1x16xi32, #tpu.memory_space<vmem>>
    %dma_start3A_54 = tpu.memref_squeeze %dma_start3A_53 : memref<1x16xi32, #tpu.memory_space<vmem>> -> memref<16xi32, #tpu.memory_space<vmem>>
    %dma_start3A_55 = arith.constant 0 : i32
    %dma_start3A_56 = arith.constant 0 : i32
    %dma_start3A_57 = tpu.memref_slice %arg2[%dma_start3A_55, %dma_start3A_56] : memref<10000x128xf32, #tpu.memory_space<hbm>> -> memref<10000x128xf32, #tpu.memory_space<hbm>>
    tpu.enqueue_indirect_dma source(%dma_start3A_57 : memref<10000x128xf32, #tpu.memory_space<hbm>>) target(%dma_start3A_51 : memref<16x128xf32, #tpu.memory_space<vmem>>) offsets(%dma_start3A_54 : memref<16xi32, #tpu.memory_space<vmem>>) semaphore(%arg19 : memref<!tpu.dma_semaphore, #tpu.memory_space<semaphore_mem>>)
    %scan3A_58 = arith.constant 0 : i32
    %scan3A_59 = arith.constant 61 : i32
    %scan3A_60 = arith.addi %scan3A_58, %scan3A_59 : i32
    %scan3A_61 = arith.constant 1 : i32
    scf.for %scan3A_309 = %scan3A_58 to %scan3A_60 step %scan3A_61  : i32 {
      %mul3A_310 = arith.constant 2 : i32
      %mul3A_311 = arith.muli %scan3A_309, %mul3A_310 : i32
      %add3A_312 = arith.constant 0 : i32
      %add3A_313 = arith.addi %add3A_312, %mul3A_311 : i32
      %add3A_314 = arith.constant 1 : i32
      %add3A_315 = arith.addi %add3A_313, %add3A_314 : i32
      %dma_start3A_316 = arith.constant 0 : i32
      %dma_start3A_317 = tpu.memref_slice %arg4[%add3A, %add3A_315, %dma_start3A_316] : memref<32x125x80xi32, #tpu.memory_space<hbm>> -> memref<1x1x80xi32, #tpu.memory_space<hbm>>
      %dma_start3A_318 = tpu.memref_squeeze %dma_start3A_317 : memref<1x1x80xi32, #tpu.memory_space<hbm>> -> memref<1x80xi32, #tpu.memory_space<hbm>>
      %dma_start3A_319 = arith.constant 0 : i32
      %dma_start3A_320 = tpu.memref_slice %arg4[%add3A, %add3A_315, %dma_start3A_319] : memref<32x125x80xi32, #tpu.memory_space<hbm>> -> memref<1x1x80xi32, #tpu.memory_space<hbm>>
      %dma_start3A_321 = tpu.memref_squeeze %dma_start3A_320 : memref<1x1x80xi32, #tpu.memory_space<hbm>> -> memref<1x80xi32, #tpu.memory_space<hbm>>
      tpu.enqueue_dma source(%dma_start3A_321 : memref<1x80xi32, #tpu.memory_space<hbm>>) target(%arg8 : memref<1x80xi32, #tpu.memory_space<vmem>>) target_semaphore(%arg15 : memref<!tpu.dma_semaphore, #tpu.memory_space<semaphore_mem>>)
      %add3A_322 = arith.constant 1 : i32
      %add3A_323 = arith.addi %add3A_313, %add3A_322 : i32
      %dma_start3A_324 = arith.constant 0 : i32
      %dma_start3A_325 = arith.constant 0 : i32
      %dma_start3A_326 = tpu.memref_slice %arg10[%dma_start3A_324, %dma_start3A_325] : memref<80x128xf32, #tpu.memory_space<vmem>> -> memref<24x128xf32, #tpu.memory_space<vmem>>
      %dma_start3A_327 = arith.constant 0 : i32
      %dma_start3A_328 = tpu.memref_slice %arg6[%add3A_323, %dma_start3A_327] : memref<125x80xi32, #tpu.memory_space<vmem>> -> memref<1x24xi32, #tpu.memory_space<vmem>>
      %dma_start3A_329 = tpu.memref_squeeze %dma_start3A_328 : memref<1x24xi32, #tpu.memory_space<vmem>> -> memref<24xi32, #tpu.memory_space<vmem>>
      %dma_start3A_330 = arith.constant 0 : i32
      %dma_start3A_331 = arith.constant 0 : i32
      %dma_start3A_332 = tpu.memref_slice %arg2[%dma_start3A_330, %dma_start3A_331] : memref<10000x128xf32, #tpu.memory_space<hbm>> -> memref<10000x128xf32, #tpu.memory_space<hbm>>
      tpu.enqueue_indirect_dma source(%dma_start3A_332 : memref<10000x128xf32, #tpu.memory_space<hbm>>) target(%dma_start3A_326 : memref<24x128xf32, #tpu.memory_space<vmem>>) offsets(%dma_start3A_329 : memref<24xi32, #tpu.memory_space<vmem>>) semaphore(%arg13 : memref<!tpu.dma_semaphore, #tpu.memory_space<semaphore_mem>>)
      %dma_start3A_333 = arith.constant 24 : i32
      %dma_start3A_334 = arith.constant 0 : i32
      %dma_start3A_335 = tpu.memref_slice %arg10[%dma_start3A_333, %dma_start3A_334] : memref<80x128xf32, #tpu.memory_space<vmem>> -> memref<24x128xf32, #tpu.memory_space<vmem>>
      %dma_start3A_336 = arith.constant 24 : i32
      %dma_start3A_337 = tpu.memref_slice %arg6[%add3A_323, %dma_start3A_336] : memref<125x80xi32, #tpu.memory_space<vmem>> -> memref<1x24xi32, #tpu.memory_space<vmem>>
      %dma_start3A_338 = tpu.memref_squeeze %dma_start3A_337 : memref<1x24xi32, #tpu.memory_space<vmem>> -> memref<24xi32, #tpu.memory_space<vmem>>
      %dma_start3A_339 = arith.constant 0 : i32
      %dma_start3A_340 = arith.constant 0 : i32
      %dma_start3A_341 = tpu.memref_slice %arg2[%dma_start3A_339, %dma_start3A_340] : memref<10000x128xf32, #tpu.memory_space<hbm>> -> memref<10000x128xf32, #tpu.memory_space<hbm>>
      tpu.enqueue_indirect_dma source(%dma_start3A_341 : memref<10000x128xf32, #tpu.memory_space<hbm>>) target(%dma_start3A_335 : memref<24x128xf32, #tpu.memory_space<vmem>>) offsets(%dma_start3A_338 : memref<24xi32, #tpu.memory_space<vmem>>) semaphore(%arg17 : memref<!tpu.dma_semaphore, #tpu.memory_space<semaphore_mem>>)
      %dma_start3A_342 = arith.constant 48 : i32
      %dma_start3A_343 = arith.constant 0 : i32
      %dma_start3A_344 = tpu.memref_slice %arg10[%dma_start3A_342, %dma_start3A_343] : memref<80x128xf32, #tpu.memory_space<vmem>> -> memref<16x128xf32, #tpu.memory_space<vmem>>
      %dma_start3A_345 = arith.constant 48 : i32
      %dma_start3A_346 = tpu.memref_slice %arg6[%add3A_323, %dma_start3A_345] : memref<125x80xi32, #tpu.memory_space<vmem>> -> memref<1x16xi32, #tpu.memory_space<vmem>>
      %dma_start3A_347 = tpu.memref_squeeze %dma_start3A_346 : memref<1x16xi32, #tpu.memory_space<vmem>> -> memref<16xi32, #tpu.memory_space<vmem>>
      %dma_start3A_348 = arith.constant 0 : i32
      %dma_start3A_349 = arith.constant 0 : i32
      %dma_start3A_350 = tpu.memref_slice %arg2[%dma_start3A_348, %dma_start3A_349] : memref<10000x128xf32, #tpu.memory_space<hbm>> -> memref<10000x128xf32, #tpu.memory_space<hbm>>
      tpu.enqueue_indirect_dma source(%dma_start3A_350 : memref<10000x128xf32, #tpu.memory_space<hbm>>) target(%dma_start3A_344 : memref<16x128xf32, #tpu.memory_space<vmem>>) offsets(%dma_start3A_347 : memref<16xi32, #tpu.memory_space<vmem>>) semaphore(%arg20 : memref<!tpu.dma_semaphore, #tpu.memory_space<semaphore_mem>>)
      %dma_start3A_351 = arith.constant 64 : i32
      %dma_start3A_352 = arith.constant 0 : i32
      %dma_start3A_353 = tpu.memref_slice %arg10[%dma_start3A_351, %dma_start3A_352] : memref<80x128xf32, #tpu.memory_space<vmem>> -> memref<16x128xf32, #tpu.memory_space<vmem>>
      %dma_start3A_354 = arith.constant 64 : i32
      %dma_start3A_355 = tpu.memref_slice %arg6[%add3A_323, %dma_start3A_354] : memref<125x80xi32, #tpu.memory_space<vmem>> -> memref<1x16xi32, #tpu.memory_space<vmem>>
      %dma_start3A_356 = tpu.memref_squeeze %dma_start3A_355 : memref<1x16xi32, #tpu.memory_space<vmem>> -> memref<16xi32, #tpu.memory_space<vmem>>
      %dma_start3A_357 = arith.constant 0 : i32
      %dma_start3A_358 = arith.constant 0 : i32
      %dma_start3A_359 = tpu.memref_slice %arg2[%dma_start3A_357, %dma_start3A_358] : memref<10000x128xf32, #tpu.memory_space<hbm>> -> memref<10000x128xf32, #tpu.memory_space<hbm>>
      tpu.enqueue_indirect_dma source(%dma_start3A_359 : memref<10000x128xf32, #tpu.memory_space<hbm>>) target(%dma_start3A_353 : memref<16x128xf32, #tpu.memory_space<vmem>>) offsets(%dma_start3A_356 : memref<16xi32, #tpu.memory_space<vmem>>) semaphore(%arg21 : memref<!tpu.dma_semaphore, #tpu.memory_space<semaphore_mem>>)
      %dma_wait3A_360 = arith.constant 0 : i32
      %dma_wait3A_361 = arith.constant 0 : i32
      %dma_wait3A_362 = tpu.memref_slice %arg9[%dma_wait3A_360, %dma_wait3A_361] : memref<80x128xf32, #tpu.memory_space<vmem>> -> memref<24x128xf32, #tpu.memory_space<vmem>>
      %dma_wait3A_363 = arith.constant 0 : i32
      %dma_wait3A_364 = tpu.memref_slice %arg6[%add3A_313, %dma_wait3A_363] : memref<125x80xi32, #tpu.memory_space<vmem>> -> memref<1x24xi32, #tpu.memory_space<vmem>>
      %dma_wait3A_365 = tpu.memref_squeeze %dma_wait3A_364 : memref<1x24xi32, #tpu.memory_space<vmem>> -> memref<24xi32, #tpu.memory_space<vmem>>
      %dma_wait3A_366 = arith.constant 0 : i32
      %dma_wait3A_367 = arith.constant 0 : i32
      %dma_wait3A_368 = tpu.memref_slice %arg2[%dma_wait3A_366, %dma_wait3A_367] : memref<10000x128xf32, #tpu.memory_space<hbm>> -> memref<10000x128xf32, #tpu.memory_space<hbm>>
      tpu.wait_indirect_dma semaphore(%arg12 : memref<!tpu.dma_semaphore, #tpu.memory_space<semaphore_mem>>) src(%dma_wait3A_368 : memref<10000x128xf32, #tpu.memory_space<hbm>>) dst(%dma_wait3A_362 : memref<24x128xf32, #tpu.memory_space<vmem>>)
      %dma_wait3A_369 = arith.constant 24 : i32
      %dma_wait3A_370 = arith.constant 0 : i32
      %dma_wait3A_371 = tpu.memref_slice %arg9[%dma_wait3A_369, %dma_wait3A_370] : memref<80x128xf32, #tpu.memory_space<vmem>> -> memref<24x128xf32, #tpu.memory_space<vmem>>
      %dma_wait3A_372 = arith.constant 24 : i32
      %dma_wait3A_373 = tpu.memref_slice %arg6[%add3A_313, %dma_wait3A_372] : memref<125x80xi32, #tpu.memory_space<vmem>> -> memref<1x24xi32, #tpu.memory_space<vmem>>
      %dma_wait3A_374 = tpu.memref_squeeze %dma_wait3A_373 : memref<1x24xi32, #tpu.memory_space<vmem>> -> memref<24xi32, #tpu.memory_space<vmem>>
      %dma_wait3A_375 = arith.constant 0 : i32
      %dma_wait3A_376 = arith.constant 0 : i32
      %dma_wait3A_377 = tpu.memref_slice %arg2[%dma_wait3A_375, %dma_wait3A_376] : memref<10000x128xf32, #tpu.memory_space<hbm>> -> memref<10000x128xf32, #tpu.memory_space<hbm>>
      tpu.wait_indirect_dma semaphore(%arg16 : memref<!tpu.dma_semaphore, #tpu.memory_space<semaphore_mem>>) src(%dma_wait3A_377 : memref<10000x128xf32, #tpu.memory_space<hbm>>) dst(%dma_wait3A_371 : memref<24x128xf32, #tpu.memory_space<vmem>>)
      %dma_wait3A_378 = arith.constant 48 : i32
      %dma_wait3A_379 = arith.constant 0 : i32
      %dma_wait3A_380 = tpu.memref_slice %arg9[%dma_wait3A_378, %dma_wait3A_379] : memref<80x128xf32, #tpu.memory_space<vmem>> -> memref<16x128xf32, #tpu.memory_space<vmem>>
      %dma_wait3A_381 = arith.constant 48 : i32
      %dma_wait3A_382 = tpu.memref_slice %arg6[%add3A_313, %dma_wait3A_381] : memref<125x80xi32, #tpu.memory_space<vmem>> -> memref<1x16xi32, #tpu.memory_space<vmem>>
      %dma_wait3A_383 = tpu.memref_squeeze %dma_wait3A_382 : memref<1x16xi32, #tpu.memory_space<vmem>> -> memref<16xi32, #tpu.memory_space<vmem>>
      %dma_wait3A_384 = arith.constant 0 : i32
      %dma_wait3A_385 = arith.constant 0 : i32
      %dma_wait3A_386 = tpu.memref_slice %arg2[%dma_wait3A_384, %dma_wait3A_385] : memref<10000x128xf32, #tpu.memory_space<hbm>> -> memref<10000x128xf32, #tpu.memory_space<hbm>>
      tpu.wait_indirect_dma semaphore(%arg18 : memref<!tpu.dma_semaphore, #tpu.memory_space<semaphore_mem>>) src(%dma_wait3A_386 : memref<10000x128xf32, #tpu.memory_space<hbm>>) dst(%dma_wait3A_380 : memref<16x128xf32, #tpu.memory_space<vmem>>)
      %dma_wait3A_387 = arith.constant 64 : i32
      %dma_wait3A_388 = arith.constant 0 : i32
      %dma_wait3A_389 = tpu.memref_slice %arg9[%dma_wait3A_387, %dma_wait3A_388] : memref<80x128xf32, #tpu.memory_space<vmem>> -> memref<16x128xf32, #tpu.memory_space<vmem>>
      %dma_wait3A_390 = arith.constant 64 : i32
      %dma_wait3A_391 = tpu.memref_slice %arg6[%add3A_313, %dma_wait3A_390] : memref<125x80xi32, #tpu.memory_space<vmem>> -> memref<1x16xi32, #tpu.memory_space<vmem>>
      %dma_wait3A_392 = tpu.memref_squeeze %dma_wait3A_391 : memref<1x16xi32, #tpu.memory_space<vmem>> -> memref<16xi32, #tpu.memory_space<vmem>>
      %dma_wait3A_393 = arith.constant 0 : i32
      %dma_wait3A_394 = arith.constant 0 : i32
      %dma_wait3A_395 = tpu.memref_slice %arg2[%dma_wait3A_393, %dma_wait3A_394] : memref<10000x128xf32, #tpu.memory_space<hbm>> -> memref<10000x128xf32, #tpu.memory_space<hbm>>
      tpu.wait_indirect_dma semaphore(%arg19 : memref<!tpu.dma_semaphore, #tpu.memory_space<semaphore_mem>>) src(%dma_wait3A_395 : memref<10000x128xf32, #tpu.memory_space<hbm>>) dst(%dma_wait3A_389 : memref<16x128xf32, #tpu.memory_space<vmem>>)
      %dma_wait3A_396 = arith.constant 0 : i32
      %dma_wait3A_397 = tpu.memref_slice %arg4[%add3A, %add3A_313, %dma_wait3A_396] : memref<32x125x80xi32, #tpu.memory_space<hbm>> -> memref<1x1x80xi32, #tpu.memory_space<hbm>>
      %dma_wait3A_398 = tpu.memref_squeeze %dma_wait3A_397 : memref<1x1x80xi32, #tpu.memory_space<hbm>> -> memref<1x80xi32, #tpu.memory_space<hbm>>
      %dma_wait3A_399 = arith.constant 0 : i32
      %dma_wait3A_400 = tpu.memref_slice %arg4[%add3A, %add3A_313, %dma_wait3A_399] : memref<32x125x80xi32, #tpu.memory_space<hbm>> -> memref<1x1x80xi32, #tpu.memory_space<hbm>>
      %dma_wait3A_401 = tpu.memref_squeeze %dma_wait3A_400 : memref<1x1x80xi32, #tpu.memory_space<hbm>> -> memref<1x80xi32, #tpu.memory_space<hbm>>
      tpu.wait_dma2 semaphore(%arg14 : memref<!tpu.dma_semaphore, #tpu.memory_space<semaphore_mem>>) src(%dma_wait3A_401 : memref<1x80xi32, #tpu.memory_space<hbm>>) dst(%arg7 : memref<1x80xi32, #tpu.memory_space<vmem>>)
      %run_scoped3A_402 = arith.constant 0 : i32
      "tpu.region"() ({
        %run_scoped3A_496 = tpu.sem_alloc : memref<!tpu.dma_semaphore, #tpu.memory_space<semaphore_mem>>
        %dma_start3A_497 = arith.constant 0 : i32
        %dma_start3A_498 = tpu.memref_slice %arg7[%run_scoped3A_402, %dma_start3A_497] : memref<1x80xi32, #tpu.memory_space<vmem>> -> memref<1x80xi32, #tpu.memory_space<vmem>>
        %dma_start3A_499 = tpu.memref_squeeze %dma_start3A_498 : memref<1x80xi32, #tpu.memory_space<vmem>> -> memref<80xi32, #tpu.memory_space<vmem>>
        %dma_start3A_500 = arith.constant 0 : i32
        %dma_start3A_501 = arith.constant 0 : i32
        %dma_start3A_502 = tpu.memref_slice %arg11[%dma_start3A_500, %dma_start3A_501] : memref<10000x128xf32, #tpu.memory_space<vmem_shared>> -> memref<10000x128xf32, #tpu.memory_space<vmem_shared>>
        tpu.enqueue_indirect_dma source(%arg9 : memref<80x128xf32, #tpu.memory_space<vmem>>) target(%dma_start3A_502 : memref<10000x128xf32, #tpu.memory_space<vmem_shared>>) offsets(%dma_start3A_499 : memref<80xi32, #tpu.memory_space<vmem>>) semaphore(%run_scoped3A_496 : memref<!tpu.dma_semaphore, #tpu.memory_space<semaphore_mem>>) {add = true}
        %dma_wait3A_503 = arith.constant 0 : i32
        %dma_wait3A_504 = tpu.memref_slice %arg7[%run_scoped3A_402, %dma_wait3A_503] : memref<1x80xi32, #tpu.memory_space<vmem>> -> memref<1x80xi32, #tpu.memory_space<vmem>>
        %dma_wait3A_505 = tpu.memref_squeeze %dma_wait3A_504 : memref<1x80xi32, #tpu.memory_space<vmem>> -> memref<80xi32, #tpu.memory_space<vmem>>
        %dma_wait3A_506 = arith.constant 0 : i32
        %dma_wait3A_507 = arith.constant 0 : i32
        %dma_wait3A_508 = tpu.memref_slice %arg11[%dma_wait3A_506, %dma_wait3A_507] : memref<10000x128xf32, #tpu.memory_space<vmem_shared>> -> memref<10000x128xf32, #tpu.memory_space<vmem_shared>>
        tpu.wait_indirect_dma semaphore(%run_scoped3A_496 : memref<!tpu.dma_semaphore, #tpu.memory_space<semaphore_mem>>) src(%arg9 : memref<80x128xf32, #tpu.memory_space<vmem>>) dst(%dma_wait3A_508 : memref<10000x128xf32, #tpu.memory_space<vmem_shared>>)
        tpu.yield
      }) : () -> ()
      %add3A_403 = arith.constant 2 : i32
      %add3A_404 = arith.addi %add3A_313, %add3A_403 : i32
      %dma_start3A_405 = arith.constant 0 : i32
      %dma_start3A_406 = tpu.memref_slice %arg4[%add3A, %add3A_404, %dma_start3A_405] : memref<32x125x80xi32, #tpu.memory_space<hbm>> -> memref<1x1x80xi32, #tpu.memory_space<hbm>>
      %dma_start3A_407 = tpu.memref_squeeze %dma_start3A_406 : memref<1x1x80xi32, #tpu.memory_space<hbm>> -> memref<1x80xi32, #tpu.memory_space<hbm>>
      %dma_start3A_408 = arith.constant 0 : i32
      %dma_start3A_409 = tpu.memref_slice %arg4[%add3A, %add3A_404, %dma_start3A_408] : memref<32x125x80xi32, #tpu.memory_space<hbm>> -> memref<1x1x80xi32, #tpu.memory_space<hbm>>
      %dma_start3A_410 = tpu.memref_squeeze %dma_start3A_409 : memref<1x1x80xi32, #tpu.memory_space<hbm>> -> memref<1x80xi32, #tpu.memory_space<hbm>>
      tpu.enqueue_dma source(%dma_start3A_410 : memref<1x80xi32, #tpu.memory_space<hbm>>) target(%arg7 : memref<1x80xi32, #tpu.memory_space<vmem>>) target_semaphore(%arg14 : memref<!tpu.dma_semaphore, #tpu.memory_space<semaphore_mem>>)
      %add3A_411 = arith.constant 2 : i32
      %add3A_412 = arith.addi %add3A_313, %add3A_411 : i32
      %dma_start3A_413 = arith.constant 0 : i32
      %dma_start3A_414 = arith.constant 0 : i32
      %dma_start3A_415 = tpu.memref_slice %arg9[%dma_start3A_413, %dma_start3A_414] : memref<80x128xf32, #tpu.memory_space<vmem>> -> memref<24x128xf32, #tpu.memory_space<vmem>>
      %dma_start3A_416 = arith.constant 0 : i32
      %dma_start3A_417 = tpu.memref_slice %arg6[%add3A_412, %dma_start3A_416] : memref<125x80xi32, #tpu.memory_space<vmem>> -> memref<1x24xi32, #tpu.memory_space<vmem>>
      %dma_start3A_418 = tpu.memref_squeeze %dma_start3A_417 : memref<1x24xi32, #tpu.memory_space<vmem>> -> memref<24xi32, #tpu.memory_space<vmem>>
      %dma_start3A_419 = arith.constant 0 : i32
      %dma_start3A_420 = arith.constant 0 : i32
      %dma_start3A_421 = tpu.memref_slice %arg2[%dma_start3A_419, %dma_start3A_420] : memref<10000x128xf32, #tpu.memory_space<hbm>> -> memref<10000x128xf32, #tpu.memory_space<hbm>>
      tpu.enqueue_indirect_dma source(%dma_start3A_421 : memref<10000x128xf32, #tpu.memory_space<hbm>>) target(%dma_start3A_415 : memref<24x128xf32, #tpu.memory_space<vmem>>) offsets(%dma_start3A_418 : memref<24xi32, #tpu.memory_space<vmem>>) semaphore(%arg12 : memref<!tpu.dma_semaphore, #tpu.memory_space<semaphore_mem>>)
      %dma_start3A_422 = arith.constant 24 : i32
      %dma_start3A_423 = arith.constant 0 : i32
      %dma_start3A_424 = tpu.memref_slice %arg9[%dma_start3A_422, %dma_start3A_423] : memref<80x128xf32, #tpu.memory_space<vmem>> -> memref<24x128xf32, #tpu.memory_space<vmem>>
      %dma_start3A_425 = arith.constant 24 : i32
      %dma_start3A_426 = tpu.memref_slice %arg6[%add3A_412, %dma_start3A_425] : memref<125x80xi32, #tpu.memory_space<vmem>> -> memref<1x24xi32, #tpu.memory_space<vmem>>
      %dma_start3A_427 = tpu.memref_squeeze %dma_start3A_426 : memref<1x24xi32, #tpu.memory_space<vmem>> -> memref<24xi32, #tpu.memory_space<vmem>>
      %dma_start3A_428 = arith.constant 0 : i32
      %dma_start3A_429 = arith.constant 0 : i32
      %dma_start3A_430 = tpu.memref_slice %arg2[%dma_start3A_428, %dma_start3A_429] : memref<10000x128xf32, #tpu.memory_space<hbm>> -> memref<10000x128xf32, #tpu.memory_space<hbm>>
      tpu.enqueue_indirect_dma source(%dma_start3A_430 : memref<10000x128xf32, #tpu.memory_space<hbm>>) target(%dma_start3A_424 : memref<24x128xf32, #tpu.memory_space<vmem>>) offsets(%dma_start3A_427 : memref<24xi32, #tpu.memory_space<vmem>>) semaphore(%arg16 : memref<!tpu.dma_semaphore, #tpu.memory_space<semaphore_mem>>)
      %dma_start3A_431 = arith.constant 48 : i32
      %dma_start3A_432 = arith.constant 0 : i32
      %dma_start3A_433 = tpu.memref_slice %arg9[%dma_start3A_431, %dma_start3A_432] : memref<80x128xf32, #tpu.memory_space<vmem>> -> memref<16x128xf32, #tpu.memory_space<vmem>>
      %dma_start3A_434 = arith.constant 48 : i32
      %dma_start3A_435 = tpu.memref_slice %arg6[%add3A_412, %dma_start3A_434] : memref<125x80xi32, #tpu.memory_space<vmem>> -> memref<1x16xi32, #tpu.memory_space<vmem>>
      %dma_start3A_436 = tpu.memref_squeeze %dma_start3A_435 : memref<1x16xi32, #tpu.memory_space<vmem>> -> memref<16xi32, #tpu.memory_space<vmem>>
      %dma_start3A_437 = arith.constant 0 : i32
      %dma_start3A_438 = arith.constant 0 : i32
      %dma_start3A_439 = tpu.memref_slice %arg2[%dma_start3A_437, %dma_start3A_438] : memref<10000x128xf32, #tpu.memory_space<hbm>> -> memref<10000x128xf32, #tpu.memory_space<hbm>>
      tpu.enqueue_indirect_dma source(%dma_start3A_439 : memref<10000x128xf32, #tpu.memory_space<hbm>>) target(%dma_start3A_433 : memref<16x128xf32, #tpu.memory_space<vmem>>) offsets(%dma_start3A_436 : memref<16xi32, #tpu.memory_space<vmem>>) semaphore(%arg18 : memref<!tpu.dma_semaphore, #tpu.memory_space<semaphore_mem>>)
      %dma_start3A_440 = arith.constant 64 : i32
      %dma_start3A_441 = arith.constant 0 : i32
      %dma_start3A_442 = tpu.memref_slice %arg9[%dma_start3A_440, %dma_start3A_441] : memref<80x128xf32, #tpu.memory_space<vmem>> -> memref<16x128xf32, #tpu.memory_space<vmem>>
      %dma_start3A_443 = arith.constant 64 : i32
      %dma_start3A_444 = tpu.memref_slice %arg6[%add3A_412, %dma_start3A_443] : memref<125x80xi32, #tpu.memory_space<vmem>> -> memref<1x16xi32, #tpu.memory_space<vmem>>
      %dma_start3A_445 = tpu.memref_squeeze %dma_start3A_444 : memref<1x16xi32, #tpu.memory_space<vmem>> -> memref<16xi32, #tpu.memory_space<vmem>>
      %dma_start3A_446 = arith.constant 0 : i32
      %dma_start3A_447 = arith.constant 0 : i32
      %dma_start3A_448 = tpu.memref_slice %arg2[%dma_start3A_446, %dma_start3A_447] : memref<10000x128xf32, #tpu.memory_space<hbm>> -> memref<10000x128xf32, #tpu.memory_space<hbm>>
      tpu.enqueue_indirect_dma source(%dma_start3A_448 : memref<10000x128xf32, #tpu.memory_space<hbm>>) target(%dma_start3A_442 : memref<16x128xf32, #tpu.memory_space<vmem>>) offsets(%dma_start3A_445 : memref<16xi32, #tpu.memory_space<vmem>>) semaphore(%arg19 : memref<!tpu.dma_semaphore, #tpu.memory_space<semaphore_mem>>)
      %add3A_449 = arith.constant 1 : i32
      %add3A_450 = arith.addi %add3A_313, %add3A_449 : i32
      %dma_wait3A_451 = arith.constant 0 : i32
      %dma_wait3A_452 = arith.constant 0 : i32
      %dma_wait3A_453 = tpu.memref_slice %arg10[%dma_wait3A_451, %dma_wait3A_452] : memref<80x128xf32, #tpu.memory_space<vmem>> -> memref<24x128xf32, #tpu.memory_space<vmem>>
      %dma_wait3A_454 = arith.constant 0 : i32
      %dma_wait3A_455 = tpu.memref_slice %arg6[%add3A_450, %dma_wait3A_454] : memref<125x80xi32, #tpu.memory_space<vmem>> -> memref<1x24xi32, #tpu.memory_space<vmem>>
      %dma_wait3A_456 = tpu.memref_squeeze %dma_wait3A_455 : memref<1x24xi32, #tpu.memory_space<vmem>> -> memref<24xi32, #tpu.memory_space<vmem>>
      %dma_wait3A_457 = arith.constant 0 : i32
      %dma_wait3A_458 = arith.constant 0 : i32
      %dma_wait3A_459 = tpu.memref_slice %arg2[%dma_wait3A_457, %dma_wait3A_458] : memref<10000x128xf32, #tpu.memory_space<hbm>> -> memref<10000x128xf32, #tpu.memory_space<hbm>>
      tpu.wait_indirect_dma semaphore(%arg13 : memref<!tpu.dma_semaphore, #tpu.memory_space<semaphore_mem>>) src(%dma_wait3A_459 : memref<10000x128xf32, #tpu.memory_space<hbm>>) dst(%dma_wait3A_453 : memref<24x128xf32, #tpu.memory_space<vmem>>)
      %dma_wait3A_460 = arith.constant 24 : i32
      %dma_wait3A_461 = arith.constant 0 : i32
      %dma_wait3A_462 = tpu.memref_slice %arg10[%dma_wait3A_460, %dma_wait3A_461] : memref<80x128xf32, #tpu.memory_space<vmem>> -> memref<24x128xf32, #tpu.memory_space<vmem>>
      %dma_wait3A_463 = arith.constant 24 : i32
      %dma_wait3A_464 = tpu.memref_slice %arg6[%add3A_450, %dma_wait3A_463] : memref<125x80xi32, #tpu.memory_space<vmem>> -> memref<1x24xi32, #tpu.memory_space<vmem>>
      %dma_wait3A_465 = tpu.memref_squeeze %dma_wait3A_464 : memref<1x24xi32, #tpu.memory_space<vmem>> -> memref<24xi32, #tpu.memory_space<vmem>>
      %dma_wait3A_466 = arith.constant 0 : i32
      %dma_wait3A_467 = arith.constant 0 : i32
      %dma_wait3A_468 = tpu.memref_slice %arg2[%dma_wait3A_466, %dma_wait3A_467] : memref<10000x128xf32, #tpu.memory_space<hbm>> -> memref<10000x128xf32, #tpu.memory_space<hbm>>
      tpu.wait_indirect_dma semaphore(%arg17 : memref<!tpu.dma_semaphore, #tpu.memory_space<semaphore_mem>>) src(%dma_wait3A_468 : memref<10000x128xf32, #tpu.memory_space<hbm>>) dst(%dma_wait3A_462 : memref<24x128xf32, #tpu.memory_space<vmem>>)
      %dma_wait3A_469 = arith.constant 48 : i32
      %dma_wait3A_470 = arith.constant 0 : i32
      %dma_wait3A_471 = tpu.memref_slice %arg10[%dma_wait3A_469, %dma_wait3A_470] : memref<80x128xf32, #tpu.memory_space<vmem>> -> memref<16x128xf32, #tpu.memory_space<vmem>>
      %dma_wait3A_472 = arith.constant 48 : i32
      %dma_wait3A_473 = tpu.memref_slice %arg6[%add3A_450, %dma_wait3A_472] : memref<125x80xi32, #tpu.memory_space<vmem>> -> memref<1x16xi32, #tpu.memory_space<vmem>>
      %dma_wait3A_474 = tpu.memref_squeeze %dma_wait3A_473 : memref<1x16xi32, #tpu.memory_space<vmem>> -> memref<16xi32, #tpu.memory_space<vmem>>
      %dma_wait3A_475 = arith.constant 0 : i32
      %dma_wait3A_476 = arith.constant 0 : i32
      %dma_wait3A_477 = tpu.memref_slice %arg2[%dma_wait3A_475, %dma_wait3A_476] : memref<10000x128xf32, #tpu.memory_space<hbm>> -> memref<10000x128xf32, #tpu.memory_space<hbm>>
      tpu.wait_indirect_dma semaphore(%arg20 : memref<!tpu.dma_semaphore, #tpu.memory_space<semaphore_mem>>) src(%dma_wait3A_477 : memref<10000x128xf32, #tpu.memory_space<hbm>>) dst(%dma_wait3A_471 : memref<16x128xf32, #tpu.memory_space<vmem>>)
      %dma_wait3A_478 = arith.constant 64 : i32
      %dma_wait3A_479 = arith.constant 0 : i32
      %dma_wait3A_480 = tpu.memref_slice %arg10[%dma_wait3A_478, %dma_wait3A_479] : memref<80x128xf32, #tpu.memory_space<vmem>> -> memref<16x128xf32, #tpu.memory_space<vmem>>
      %dma_wait3A_481 = arith.constant 64 : i32
      %dma_wait3A_482 = tpu.memref_slice %arg6[%add3A_450, %dma_wait3A_481] : memref<125x80xi32, #tpu.memory_space<vmem>> -> memref<1x16xi32, #tpu.memory_space<vmem>>
      %dma_wait3A_483 = tpu.memref_squeeze %dma_wait3A_482 : memref<1x16xi32, #tpu.memory_space<vmem>> -> memref<16xi32, #tpu.memory_space<vmem>>
      %dma_wait3A_484 = arith.constant 0 : i32
      %dma_wait3A_485 = arith.constant 0 : i32
      %dma_wait3A_486 = tpu.memref_slice %arg2[%dma_wait3A_484, %dma_wait3A_485] : memref<10000x128xf32, #tpu.memory_space<hbm>> -> memref<10000x128xf32, #tpu.memory_space<hbm>>
      tpu.wait_indirect_dma semaphore(%arg21 : memref<!tpu.dma_semaphore, #tpu.memory_space<semaphore_mem>>) src(%dma_wait3A_486 : memref<10000x128xf32, #tpu.memory_space<hbm>>) dst(%dma_wait3A_480 : memref<16x128xf32, #tpu.memory_space<vmem>>)
      %add3A_487 = arith.constant 1 : i32
      %add3A_488 = arith.addi %add3A_313, %add3A_487 : i32
      %dma_wait3A_489 = arith.constant 0 : i32
      %dma_wait3A_490 = tpu.memref_slice %arg4[%add3A, %add3A_488, %dma_wait3A_489] : memref<32x125x80xi32, #tpu.memory_space<hbm>> -> memref<1x1x80xi32, #tpu.memory_space<hbm>>
      %dma_wait3A_491 = tpu.memref_squeeze %dma_wait3A_490 : memref<1x1x80xi32, #tpu.memory_space<hbm>> -> memref<1x80xi32, #tpu.memory_space<hbm>>
      %dma_wait3A_492 = arith.constant 0 : i32
      %dma_wait3A_493 = tpu.memref_slice %arg4[%add3A, %add3A_488, %dma_wait3A_492] : memref<32x125x80xi32, #tpu.memory_space<hbm>> -> memref<1x1x80xi32, #tpu.memory_space<hbm>>
      %dma_wait3A_494 = tpu.memref_squeeze %dma_wait3A_493 : memref<1x1x80xi32, #tpu.memory_space<hbm>> -> memref<1x80xi32, #tpu.memory_space<hbm>>
      tpu.wait_dma2 semaphore(%arg15 : memref<!tpu.dma_semaphore, #tpu.memory_space<semaphore_mem>>) src(%dma_wait3A_494 : memref<1x80xi32, #tpu.memory_space<hbm>>) dst(%arg8 : memref<1x80xi32, #tpu.memory_space<vmem>>)
      %run_scoped3A_495 = arith.constant 0 : i32
      "tpu.region"() ({
        %run_scoped3A_496 = tpu.sem_alloc : memref<!tpu.dma_semaphore, #tpu.memory_space<semaphore_mem>>
        %dma_start3A_497 = arith.constant 0 : i32
        %dma_start3A_498 = tpu.memref_slice %arg8[%run_scoped3A_495, %dma_start3A_497] : memref<1x80xi32, #tpu.memory_space<vmem>> -> memref<1x80xi32, #tpu.memory_space<vmem>>
        %dma_start3A_499 = tpu.memref_squeeze %dma_start3A_498 : memref<1x80xi32, #tpu.memory_space<vmem>> -> memref<80xi32, #tpu.memory_space<vmem>>
        %dma_start3A_500 = arith.constant 0 : i32
        %dma_start3A_501 = arith.constant 0 : i32
        %dma_start3A_502 = tpu.memref_slice %arg11[%dma_start3A_500, %dma_start3A_501] : memref<10000x128xf32, #tpu.memory_space<vmem_shared>> -> memref<10000x128xf32, #tpu.memory_space<vmem_shared>>
        tpu.enqueue_indirect_dma source(%arg10 : memref<80x128xf32, #tpu.memory_space<vmem>>) target(%dma_start3A_502 : memref<10000x128xf32, #tpu.memory_space<vmem_shared>>) offsets(%dma_start3A_499 : memref<80xi32, #tpu.memory_space<vmem>>) semaphore(%run_scoped3A_496 : memref<!tpu.dma_semaphore, #tpu.memory_space<semaphore_mem>>) {add = true}
        %dma_wait3A_503 = arith.constant 0 : i32
        %dma_wait3A_504 = tpu.memref_slice %arg8[%run_scoped3A_495, %dma_wait3A_503] : memref<1x80xi32, #tpu.memory_space<vmem>> -> memref<1x80xi32, #tpu.memory_space<vmem>>
        %dma_wait3A_505 = tpu.memref_squeeze %dma_wait3A_504 : memref<1x80xi32, #tpu.memory_space<vmem>> -> memref<80xi32, #tpu.memory_space<vmem>>
        %dma_wait3A_506 = arith.constant 0 : i32
        %dma_wait3A_507 = arith.constant 0 : i32
        %dma_wait3A_508 = tpu.memref_slice %arg11[%dma_wait3A_506, %dma_wait3A_507] : memref<10000x128xf32, #tpu.memory_space<vmem_shared>> -> memref<10000x128xf32, #tpu.memory_space<vmem_shared>>
        tpu.wait_indirect_dma semaphore(%run_scoped3A_496 : memref<!tpu.dma_semaphore, #tpu.memory_space<semaphore_mem>>) src(%arg10 : memref<80x128xf32, #tpu.memory_space<vmem>>) dst(%dma_wait3A_508 : memref<10000x128xf32, #tpu.memory_space<vmem_shared>>)
        tpu.yield
      }) : () -> ()
    }
    %scan3A_62 = arith.constant 61 : i32
    %dma_start3A_63 = arith.constant 123 : i32
    %dma_start3A_64 = arith.constant 0 : i32
    %dma_start3A_65 = tpu.memref_slice %arg4[%add3A, %dma_start3A_63, %dma_start3A_64] : memref<32x125x80xi32, #tpu.memory_space<hbm>> -> memref<1x1x80xi32, #tpu.memory_space<hbm>>
    %dma_start3A_66 = tpu.memref_squeeze %dma_start3A_65 : memref<1x1x80xi32, #tpu.memory_space<hbm>> -> memref<1x80xi32, #tpu.memory_space<hbm>>
    %dma_start3A_67 = arith.constant 123 : i32
    %dma_start3A_68 = arith.constant 0 : i32
    %dma_start3A_69 = tpu.memref_slice %arg4[%add3A, %dma_start3A_67, %dma_start3A_68] : memref<32x125x80xi32, #tpu.memory_space<hbm>> -> memref<1x1x80xi32, #tpu.memory_space<hbm>>
    %dma_start3A_70 = tpu.memref_squeeze %dma_start3A_69 : memref<1x1x80xi32, #tpu.memory_space<hbm>> -> memref<1x80xi32, #tpu.memory_space<hbm>>
    tpu.enqueue_dma source(%dma_start3A_70 : memref<1x80xi32, #tpu.memory_space<hbm>>) target(%arg8 : memref<1x80xi32, #tpu.memory_space<vmem>>) target_semaphore(%arg15 : memref<!tpu.dma_semaphore, #tpu.memory_space<semaphore_mem>>)
    %dma_start3A_71 = arith.constant 123 : i32
    %dma_start3A_72 = arith.constant 0 : i32
    %dma_start3A_73 = arith.constant 0 : i32
    %dma_start3A_74 = tpu.memref_slice %arg10[%dma_start3A_72, %dma_start3A_73] : memref<80x128xf32, #tpu.memory_space<vmem>> -> memref<24x128xf32, #tpu.memory_space<vmem>>
    %dma_start3A_75 = arith.constant 0 : i32
    %dma_start3A_76 = tpu.memref_slice %arg6[%dma_start3A_71, %dma_start3A_75] : memref<125x80xi32, #tpu.memory_space<vmem>> -> memref<1x24xi32, #tpu.memory_space<vmem>>
    %dma_start3A_77 = tpu.memref_squeeze %dma_start3A_76 : memref<1x24xi32, #tpu.memory_space<vmem>> -> memref<24xi32, #tpu.memory_space<vmem>>
    %dma_start3A_78 = arith.constant 0 : i32
    %dma_start3A_79 = arith.constant 0 : i32
    %dma_start3A_80 = tpu.memref_slice %arg2[%dma_start3A_78, %dma_start3A_79] : memref<10000x128xf32, #tpu.memory_space<hbm>> -> memref<10000x128xf32, #tpu.memory_space<hbm>>
    tpu.enqueue_indirect_dma source(%dma_start3A_80 : memref<10000x128xf32, #tpu.memory_space<hbm>>) target(%dma_start3A_74 : memref<24x128xf32, #tpu.memory_space<vmem>>) offsets(%dma_start3A_77 : memref<24xi32, #tpu.memory_space<vmem>>) semaphore(%arg13 : memref<!tpu.dma_semaphore, #tpu.memory_space<semaphore_mem>>)
    %dma_start3A_81 = arith.constant 123 : i32
    %dma_start3A_82 = arith.constant 24 : i32
    %dma_start3A_83 = arith.constant 0 : i32
    %dma_start3A_84 = tpu.memref_slice %arg10[%dma_start3A_82, %dma_start3A_83] : memref<80x128xf32, #tpu.memory_space<vmem>> -> memref<24x128xf32, #tpu.memory_space<vmem>>
    %dma_start3A_85 = arith.constant 24 : i32
    %dma_start3A_86 = tpu.memref_slice %arg6[%dma_start3A_81, %dma_start3A_85] : memref<125x80xi32, #tpu.memory_space<vmem>> -> memref<1x24xi32, #tpu.memory_space<vmem>>
    %dma_start3A_87 = tpu.memref_squeeze %dma_start3A_86 : memref<1x24xi32, #tpu.memory_space<vmem>> -> memref<24xi32, #tpu.memory_space<vmem>>
    %dma_start3A_88 = arith.constant 0 : i32
    %dma_start3A_89 = arith.constant 0 : i32
    %dma_start3A_90 = tpu.memref_slice %arg2[%dma_start3A_88, %dma_start3A_89] : memref<10000x128xf32, #tpu.memory_space<hbm>> -> memref<10000x128xf32, #tpu.memory_space<hbm>>
    tpu.enqueue_indirect_dma source(%dma_start3A_90 : memref<10000x128xf32, #tpu.memory_space<hbm>>) target(%dma_start3A_84 : memref<24x128xf32, #tpu.memory_space<vmem>>) offsets(%dma_start3A_87 : memref<24xi32, #tpu.memory_space<vmem>>) semaphore(%arg17 : memref<!tpu.dma_semaphore, #tpu.memory_space<semaphore_mem>>)
    %dma_start3A_91 = arith.constant 123 : i32
    %dma_start3A_92 = arith.constant 48 : i32
    %dma_start3A_93 = arith.constant 0 : i32
    %dma_start3A_94 = tpu.memref_slice %arg10[%dma_start3A_92, %dma_start3A_93] : memref<80x128xf32, #tpu.memory_space<vmem>> -> memref<16x128xf32, #tpu.memory_space<vmem>>
    %dma_start3A_95 = arith.constant 48 : i32
    %dma_start3A_96 = tpu.memref_slice %arg6[%dma_start3A_91, %dma_start3A_95] : memref<125x80xi32, #tpu.memory_space<vmem>> -> memref<1x16xi32, #tpu.memory_space<vmem>>
    %dma_start3A_97 = tpu.memref_squeeze %dma_start3A_96 : memref<1x16xi32, #tpu.memory_space<vmem>> -> memref<16xi32, #tpu.memory_space<vmem>>
    %dma_start3A_98 = arith.constant 0 : i32
    %dma_start3A_99 = arith.constant 0 : i32
    %dma_start3A_100 = tpu.memref_slice %arg2[%dma_start3A_98, %dma_start3A_99] : memref<10000x128xf32, #tpu.memory_space<hbm>> -> memref<10000x128xf32, #tpu.memory_space<hbm>>
    tpu.enqueue_indirect_dma source(%dma_start3A_100 : memref<10000x128xf32, #tpu.memory_space<hbm>>) target(%dma_start3A_94 : memref<16x128xf32, #tpu.memory_space<vmem>>) offsets(%dma_start3A_97 : memref<16xi32, #tpu.memory_space<vmem>>) semaphore(%arg20 : memref<!tpu.dma_semaphore, #tpu.memory_space<semaphore_mem>>)
    %dma_start3A_101 = arith.constant 123 : i32
    %dma_start3A_102 = arith.constant 64 : i32
    %dma_start3A_103 = arith.constant 0 : i32
    %dma_start3A_104 = tpu.memref_slice %arg10[%dma_start3A_102, %dma_start3A_103] : memref<80x128xf32, #tpu.memory_space<vmem>> -> memref<16x128xf32, #tpu.memory_space<vmem>>
    %dma_start3A_105 = arith.constant 64 : i32
    %dma_start3A_106 = tpu.memref_slice %arg6[%dma_start3A_101, %dma_start3A_105] : memref<125x80xi32, #tpu.memory_space<vmem>> -> memref<1x16xi32, #tpu.memory_space<vmem>>
    %dma_start3A_107 = tpu.memref_squeeze %dma_start3A_106 : memref<1x16xi32, #tpu.memory_space<vmem>> -> memref<16xi32, #tpu.memory_space<vmem>>
    %dma_start3A_108 = arith.constant 0 : i32
    %dma_start3A_109 = arith.constant 0 : i32
    %dma_start3A_110 = tpu.memref_slice %arg2[%dma_start3A_108, %dma_start3A_109] : memref<10000x128xf32, #tpu.memory_space<hbm>> -> memref<10000x128xf32, #tpu.memory_space<hbm>>
    tpu.enqueue_indirect_dma source(%dma_start3A_110 : memref<10000x128xf32, #tpu.memory_space<hbm>>) target(%dma_start3A_104 : memref<16x128xf32, #tpu.memory_space<vmem>>) offsets(%dma_start3A_107 : memref<16xi32, #tpu.memory_space<vmem>>) semaphore(%arg21 : memref<!tpu.dma_semaphore, #tpu.memory_space<semaphore_mem>>)
    %dma_wait3A = arith.constant 122 : i32
    %dma_wait3A_111 = arith.constant 0 : i32
    %dma_wait3A_112 = arith.constant 0 : i32
    %dma_wait3A_113 = tpu.memref_slice %arg9[%dma_wait3A_111, %dma_wait3A_112] : memref<80x128xf32, #tpu.memory_space<vmem>> -> memref<24x128xf32, #tpu.memory_space<vmem>>
    %dma_wait3A_114 = arith.constant 0 : i32
    %dma_wait3A_115 = tpu.memref_slice %arg6[%dma_wait3A, %dma_wait3A_114] : memref<125x80xi32, #tpu.memory_space<vmem>> -> memref<1x24xi32, #tpu.memory_space<vmem>>
    %dma_wait3A_116 = tpu.memref_squeeze %dma_wait3A_115 : memref<1x24xi32, #tpu.memory_space<vmem>> -> memref<24xi32, #tpu.memory_space<vmem>>
    %dma_wait3A_117 = arith.constant 0 : i32
    %dma_wait3A_118 = arith.constant 0 : i32
    %dma_wait3A_119 = tpu.memref_slice %arg2[%dma_wait3A_117, %dma_wait3A_118] : memref<10000x128xf32, #tpu.memory_space<hbm>> -> memref<10000x128xf32, #tpu.memory_space<hbm>>
    tpu.wait_indirect_dma semaphore(%arg12 : memref<!tpu.dma_semaphore, #tpu.memory_space<semaphore_mem>>) src(%dma_wait3A_119 : memref<10000x128xf32, #tpu.memory_space<hbm>>) dst(%dma_wait3A_113 : memref<24x128xf32, #tpu.memory_space<vmem>>)
    %dma_wait3A_120 = arith.constant 122 : i32
    %dma_wait3A_121 = arith.constant 24 : i32
    %dma_wait3A_122 = arith.constant 0 : i32
    %dma_wait3A_123 = tpu.memref_slice %arg9[%dma_wait3A_121, %dma_wait3A_122] : memref<80x128xf32, #tpu.memory_space<vmem>> -> memref<24x128xf32, #tpu.memory_space<vmem>>
    %dma_wait3A_124 = arith.constant 24 : i32
    %dma_wait3A_125 = tpu.memref_slice %arg6[%dma_wait3A_120, %dma_wait3A_124] : memref<125x80xi32, #tpu.memory_space<vmem>> -> memref<1x24xi32, #tpu.memory_space<vmem>>
    %dma_wait3A_126 = tpu.memref_squeeze %dma_wait3A_125 : memref<1x24xi32, #tpu.memory_space<vmem>> -> memref<24xi32, #tpu.memory_space<vmem>>
    %dma_wait3A_127 = arith.constant 0 : i32
    %dma_wait3A_128 = arith.constant 0 : i32
    %dma_wait3A_129 = tpu.memref_slice %arg2[%dma_wait3A_127, %dma_wait3A_128] : memref<10000x128xf32, #tpu.memory_space<hbm>> -> memref<10000x128xf32, #tpu.memory_space<hbm>>
    tpu.wait_indirect_dma semaphore(%arg16 : memref<!tpu.dma_semaphore, #tpu.memory_space<semaphore_mem>>) src(%dma_wait3A_129 : memref<10000x128xf32, #tpu.memory_space<hbm>>) dst(%dma_wait3A_123 : memref<24x128xf32, #tpu.memory_space<vmem>>)
    %dma_wait3A_130 = arith.constant 122 : i32
    %dma_wait3A_131 = arith.constant 48 : i32
    %dma_wait3A_132 = arith.constant 0 : i32
    %dma_wait3A_133 = tpu.memref_slice %arg9[%dma_wait3A_131, %dma_wait3A_132] : memref<80x128xf32, #tpu.memory_space<vmem>> -> memref<16x128xf32, #tpu.memory_space<vmem>>
    %dma_wait3A_134 = arith.constant 48 : i32
    %dma_wait3A_135 = tpu.memref_slice %arg6[%dma_wait3A_130, %dma_wait3A_134] : memref<125x80xi32, #tpu.memory_space<vmem>> -> memref<1x16xi32, #tpu.memory_space<vmem>>
    %dma_wait3A_136 = tpu.memref_squeeze %dma_wait3A_135 : memref<1x16xi32, #tpu.memory_space<vmem>> -> memref<16xi32, #tpu.memory_space<vmem>>
    %dma_wait3A_137 = arith.constant 0 : i32
    %dma_wait3A_138 = arith.constant 0 : i32
    %dma_wait3A_139 = tpu.memref_slice %arg2[%dma_wait3A_137, %dma_wait3A_138] : memref<10000x128xf32, #tpu.memory_space<hbm>> -> memref<10000x128xf32, #tpu.memory_space<hbm>>
    tpu.wait_indirect_dma semaphore(%arg18 : memref<!tpu.dma_semaphore, #tpu.memory_space<semaphore_mem>>) src(%dma_wait3A_139 : memref<10000x128xf32, #tpu.memory_space<hbm>>) dst(%dma_wait3A_133 : memref<16x128xf32, #tpu.memory_space<vmem>>)
    %dma_wait3A_140 = arith.constant 122 : i32
    %dma_wait3A_141 = arith.constant 64 : i32
    %dma_wait3A_142 = arith.constant 0 : i32
    %dma_wait3A_143 = tpu.memref_slice %arg9[%dma_wait3A_141, %dma_wait3A_142] : memref<80x128xf32, #tpu.memory_space<vmem>> -> memref<16x128xf32, #tpu.memory_space<vmem>>
    %dma_wait3A_144 = arith.constant 64 : i32
    %dma_wait3A_145 = tpu.memref_slice %arg6[%dma_wait3A_140, %dma_wait3A_144] : memref<125x80xi32, #tpu.memory_space<vmem>> -> memref<1x16xi32, #tpu.memory_space<vmem>>
    %dma_wait3A_146 = tpu.memref_squeeze %dma_wait3A_145 : memref<1x16xi32, #tpu.memory_space<vmem>> -> memref<16xi32, #tpu.memory_space<vmem>>
    %dma_wait3A_147 = arith.constant 0 : i32
    %dma_wait3A_148 = arith.constant 0 : i32
    %dma_wait3A_149 = tpu.memref_slice %arg2[%dma_wait3A_147, %dma_wait3A_148] : memref<10000x128xf32, #tpu.memory_space<hbm>> -> memref<10000x128xf32, #tpu.memory_space<hbm>>
    tpu.wait_indirect_dma semaphore(%arg19 : memref<!tpu.dma_semaphore, #tpu.memory_space<semaphore_mem>>) src(%dma_wait3A_149 : memref<10000x128xf32, #tpu.memory_space<hbm>>) dst(%dma_wait3A_143 : memref<16x128xf32, #tpu.memory_space<vmem>>)
    %dma_wait3A_150 = arith.constant 122 : i32
    %dma_wait3A_151 = arith.constant 0 : i32
    %dma_wait3A_152 = tpu.memref_slice %arg4[%add3A, %dma_wait3A_150, %dma_wait3A_151] : memref<32x125x80xi32, #tpu.memory_space<hbm>> -> memref<1x1x80xi32, #tpu.memory_space<hbm>>
    %dma_wait3A_153 = tpu.memref_squeeze %dma_wait3A_152 : memref<1x1x80xi32, #tpu.memory_space<hbm>> -> memref<1x80xi32, #tpu.memory_space<hbm>>
    %dma_wait3A_154 = arith.constant 122 : i32
    %dma_wait3A_155 = arith.constant 0 : i32
    %dma_wait3A_156 = tpu.memref_slice %arg4[%add3A, %dma_wait3A_154, %dma_wait3A_155] : memref<32x125x80xi32, #tpu.memory_space<hbm>> -> memref<1x1x80xi32, #tpu.memory_space<hbm>>
    %dma_wait3A_157 = tpu.memref_squeeze %dma_wait3A_156 : memref<1x1x80xi32, #tpu.memory_space<hbm>> -> memref<1x80xi32, #tpu.memory_space<hbm>>
    tpu.wait_dma2 semaphore(%arg14 : memref<!tpu.dma_semaphore, #tpu.memory_space<semaphore_mem>>) src(%dma_wait3A_157 : memref<1x80xi32, #tpu.memory_space<hbm>>) dst(%arg7 : memref<1x80xi32, #tpu.memory_space<vmem>>)
    %run_scoped3A = arith.constant 0 : i32
    "tpu.region"() ({
      %run_scoped3A_309 = tpu.sem_alloc : memref<!tpu.dma_semaphore, #tpu.memory_space<semaphore_mem>>
      %dma_start3A_310 = arith.constant 0 : i32
      %dma_start3A_311 = tpu.memref_slice %arg7[%run_scoped3A, %dma_start3A_310] : memref<1x80xi32, #tpu.memory_space<vmem>> -> memref<1x80xi32, #tpu.memory_space<vmem>>
      %dma_start3A_312 = tpu.memref_squeeze %dma_start3A_311 : memref<1x80xi32, #tpu.memory_space<vmem>> -> memref<80xi32, #tpu.memory_space<vmem>>
      %dma_start3A_313 = arith.constant 0 : i32
      %dma_start3A_314 = arith.constant 0 : i32
      %dma_start3A_315 = tpu.memref_slice %arg11[%dma_start3A_313, %dma_start3A_314] : memref<10000x128xf32, #tpu.memory_space<vmem_shared>> -> memref<10000x128xf32, #tpu.memory_space<vmem_shared>>
      tpu.enqueue_indirect_dma source(%arg9 : memref<80x128xf32, #tpu.memory_space<vmem>>) target(%dma_start3A_315 : memref<10000x128xf32, #tpu.memory_space<vmem_shared>>) offsets(%dma_start3A_312 : memref<80xi32, #tpu.memory_space<vmem>>) semaphore(%run_scoped3A_309 : memref<!tpu.dma_semaphore, #tpu.memory_space<semaphore_mem>>) {add = true}
      %dma_wait3A_316 = arith.constant 0 : i32
      %dma_wait3A_317 = tpu.memref_slice %arg7[%run_scoped3A, %dma_wait3A_316] : memref<1x80xi32, #tpu.memory_space<vmem>> -> memref<1x80xi32, #tpu.memory_space<vmem>>
      %dma_wait3A_318 = tpu.memref_squeeze %dma_wait3A_317 : memref<1x80xi32, #tpu.memory_space<vmem>> -> memref<80xi32, #tpu.memory_space<vmem>>
      %dma_wait3A_319 = arith.constant 0 : i32
      %dma_wait3A_320 = arith.constant 0 : i32
      %dma_wait3A_321 = tpu.memref_slice %arg11[%dma_wait3A_319, %dma_wait3A_320] : memref<10000x128xf32, #tpu.memory_space<vmem_shared>> -> memref<10000x128xf32, #tpu.memory_space<vmem_shared>>
      tpu.wait_indirect_dma semaphore(%run_scoped3A_309 : memref<!tpu.dma_semaphore, #tpu.memory_space<semaphore_mem>>) src(%arg9 : memref<80x128xf32, #tpu.memory_space<vmem>>) dst(%dma_wait3A_321 : memref<10000x128xf32, #tpu.memory_space<vmem_shared>>)
      tpu.yield
    }) : () -> ()
    %dma_start3A_158 = arith.constant 124 : i32
    %dma_start3A_159 = arith.constant 0 : i32
    %dma_start3A_160 = tpu.memref_slice %arg4[%add3A, %dma_start3A_158, %dma_start3A_159] : memref<32x125x80xi32, #tpu.memory_space<hbm>> -> memref<1x1x80xi32, #tpu.memory_space<hbm>>
    %dma_start3A_161 = tpu.memref_squeeze %dma_start3A_160 : memref<1x1x80xi32, #tpu.memory_space<hbm>> -> memref<1x80xi32, #tpu.memory_space<hbm>>
    %dma_start3A_162 = arith.constant 124 : i32
    %dma_start3A_163 = arith.constant 0 : i32
    %dma_start3A_164 = tpu.memref_slice %arg4[%add3A, %dma_start3A_162, %dma_start3A_163] : memref<32x125x80xi32, #tpu.memory_space<hbm>> -> memref<1x1x80xi32, #tpu.memory_space<hbm>>
    %dma_start3A_165 = tpu.memref_squeeze %dma_start3A_164 : memref<1x1x80xi32, #tpu.memory_space<hbm>> -> memref<1x80xi32, #tpu.memory_space<hbm>>
    tpu.enqueue_dma source(%dma_start3A_165 : memref<1x80xi32, #tpu.memory_space<hbm>>) target(%arg7 : memref<1x80xi32, #tpu.memory_space<vmem>>) target_semaphore(%arg14 : memref<!tpu.dma_semaphore, #tpu.memory_space<semaphore_mem>>)
    %dma_start3A_166 = arith.constant 124 : i32
    %dma_start3A_167 = arith.constant 0 : i32
    %dma_start3A_168 = arith.constant 0 : i32
    %dma_start3A_169 = tpu.memref_slice %arg9[%dma_start3A_167, %dma_start3A_168] : memref<80x128xf32, #tpu.memory_space<vmem>> -> memref<24x128xf32, #tpu.memory_space<vmem>>
    %dma_start3A_170 = arith.constant 0 : i32
    %dma_start3A_171 = tpu.memref_slice %arg6[%dma_start3A_166, %dma_start3A_170] : memref<125x80xi32, #tpu.memory_space<vmem>> -> memref<1x24xi32, #tpu.memory_space<vmem>>
    %dma_start3A_172 = tpu.memref_squeeze %dma_start3A_171 : memref<1x24xi32, #tpu.memory_space<vmem>> -> memref<24xi32, #tpu.memory_space<vmem>>
    %dma_start3A_173 = arith.constant 0 : i32
    %dma_start3A_174 = arith.constant 0 : i32
    %dma_start3A_175 = tpu.memref_slice %arg2[%dma_start3A_173, %dma_start3A_174] : memref<10000x128xf32, #tpu.memory_space<hbm>> -> memref<10000x128xf32, #tpu.memory_space<hbm>>
    tpu.enqueue_indirect_dma source(%dma_start3A_175 : memref<10000x128xf32, #tpu.memory_space<hbm>>) target(%dma_start3A_169 : memref<24x128xf32, #tpu.memory_space<vmem>>) offsets(%dma_start3A_172 : memref<24xi32, #tpu.memory_space<vmem>>) semaphore(%arg12 : memref<!tpu.dma_semaphore, #tpu.memory_space<semaphore_mem>>)
    %dma_start3A_176 = arith.constant 124 : i32
    %dma_start3A_177 = arith.constant 24 : i32
    %dma_start3A_178 = arith.constant 0 : i32
    %dma_start3A_179 = tpu.memref_slice %arg9[%dma_start3A_177, %dma_start3A_178] : memref<80x128xf32, #tpu.memory_space<vmem>> -> memref<24x128xf32, #tpu.memory_space<vmem>>
    %dma_start3A_180 = arith.constant 24 : i32
    %dma_start3A_181 = tpu.memref_slice %arg6[%dma_start3A_176, %dma_start3A_180] : memref<125x80xi32, #tpu.memory_space<vmem>> -> memref<1x24xi32, #tpu.memory_space<vmem>>
    %dma_start3A_182 = tpu.memref_squeeze %dma_start3A_181 : memref<1x24xi32, #tpu.memory_space<vmem>> -> memref<24xi32, #tpu.memory_space<vmem>>
    %dma_start3A_183 = arith.constant 0 : i32
    %dma_start3A_184 = arith.constant 0 : i32
    %dma_start3A_185 = tpu.memref_slice %arg2[%dma_start3A_183, %dma_start3A_184] : memref<10000x128xf32, #tpu.memory_space<hbm>> -> memref<10000x128xf32, #tpu.memory_space<hbm>>
    tpu.enqueue_indirect_dma source(%dma_start3A_185 : memref<10000x128xf32, #tpu.memory_space<hbm>>) target(%dma_start3A_179 : memref<24x128xf32, #tpu.memory_space<vmem>>) offsets(%dma_start3A_182 : memref<24xi32, #tpu.memory_space<vmem>>) semaphore(%arg16 : memref<!tpu.dma_semaphore, #tpu.memory_space<semaphore_mem>>)
    %dma_start3A_186 = arith.constant 124 : i32
    %dma_start3A_187 = arith.constant 48 : i32
    %dma_start3A_188 = arith.constant 0 : i32
    %dma_start3A_189 = tpu.memref_slice %arg9[%dma_start3A_187, %dma_start3A_188] : memref<80x128xf32, #tpu.memory_space<vmem>> -> memref<16x128xf32, #tpu.memory_space<vmem>>
    %dma_start3A_190 = arith.constant 48 : i32
    %dma_start3A_191 = tpu.memref_slice %arg6[%dma_start3A_186, %dma_start3A_190] : memref<125x80xi32, #tpu.memory_space<vmem>> -> memref<1x16xi32, #tpu.memory_space<vmem>>
    %dma_start3A_192 = tpu.memref_squeeze %dma_start3A_191 : memref<1x16xi32, #tpu.memory_space<vmem>> -> memref<16xi32, #tpu.memory_space<vmem>>
    %dma_start3A_193 = arith.constant 0 : i32
    %dma_start3A_194 = arith.constant 0 : i32
    %dma_start3A_195 = tpu.memref_slice %arg2[%dma_start3A_193, %dma_start3A_194] : memref<10000x128xf32, #tpu.memory_space<hbm>> -> memref<10000x128xf32, #tpu.memory_space<hbm>>
    tpu.enqueue_indirect_dma source(%dma_start3A_195 : memref<10000x128xf32, #tpu.memory_space<hbm>>) target(%dma_start3A_189 : memref<16x128xf32, #tpu.memory_space<vmem>>) offsets(%dma_start3A_192 : memref<16xi32, #tpu.memory_space<vmem>>) semaphore(%arg18 : memref<!tpu.dma_semaphore, #tpu.memory_space<semaphore_mem>>)
    %dma_start3A_196 = arith.constant 124 : i32
    %dma_start3A_197 = arith.constant 64 : i32
    %dma_start3A_198 = arith.constant 0 : i32
    %dma_start3A_199 = tpu.memref_slice %arg9[%dma_start3A_197, %dma_start3A_198] : memref<80x128xf32, #tpu.memory_space<vmem>> -> memref<16x128xf32, #tpu.memory_space<vmem>>
    %dma_start3A_200 = arith.constant 64 : i32
    %dma_start3A_201 = tpu.memref_slice %arg6[%dma_start3A_196, %dma_start3A_200] : memref<125x80xi32, #tpu.memory_space<vmem>> -> memref<1x16xi32, #tpu.memory_space<vmem>>
    %dma_start3A_202 = tpu.memref_squeeze %dma_start3A_201 : memref<1x16xi32, #tpu.memory_space<vmem>> -> memref<16xi32, #tpu.memory_space<vmem>>
    %dma_start3A_203 = arith.constant 0 : i32
    %dma_start3A_204 = arith.constant 0 : i32
    %dma_start3A_205 = tpu.memref_slice %arg2[%dma_start3A_203, %dma_start3A_204] : memref<10000x128xf32, #tpu.memory_space<hbm>> -> memref<10000x128xf32, #tpu.memory_space<hbm>>
    tpu.enqueue_indirect_dma source(%dma_start3A_205 : memref<10000x128xf32, #tpu.memory_space<hbm>>) target(%dma_start3A_199 : memref<16x128xf32, #tpu.memory_space<vmem>>) offsets(%dma_start3A_202 : memref<16xi32, #tpu.memory_space<vmem>>) semaphore(%arg19 : memref<!tpu.dma_semaphore, #tpu.memory_space<semaphore_mem>>)
    %dma_wait3A_206 = arith.constant 123 : i32
    %dma_wait3A_207 = arith.constant 0 : i32
    %dma_wait3A_208 = arith.constant 0 : i32
    %dma_wait3A_209 = tpu.memref_slice %arg10[%dma_wait3A_207, %dma_wait3A_208] : memref<80x128xf32, #tpu.memory_space<vmem>> -> memref<24x128xf32, #tpu.memory_space<vmem>>
    %dma_wait3A_210 = arith.constant 0 : i32
    %dma_wait3A_211 = tpu.memref_slice %arg6[%dma_wait3A_206, %dma_wait3A_210] : memref<125x80xi32, #tpu.memory_space<vmem>> -> memref<1x24xi32, #tpu.memory_space<vmem>>
    %dma_wait3A_212 = tpu.memref_squeeze %dma_wait3A_211 : memref<1x24xi32, #tpu.memory_space<vmem>> -> memref<24xi32, #tpu.memory_space<vmem>>
    %dma_wait3A_213 = arith.constant 0 : i32
    %dma_wait3A_214 = arith.constant 0 : i32
    %dma_wait3A_215 = tpu.memref_slice %arg2[%dma_wait3A_213, %dma_wait3A_214] : memref<10000x128xf32, #tpu.memory_space<hbm>> -> memref<10000x128xf32, #tpu.memory_space<hbm>>
    tpu.wait_indirect_dma semaphore(%arg13 : memref<!tpu.dma_semaphore, #tpu.memory_space<semaphore_mem>>) src(%dma_wait3A_215 : memref<10000x128xf32, #tpu.memory_space<hbm>>) dst(%dma_wait3A_209 : memref<24x128xf32, #tpu.memory_space<vmem>>)
    %dma_wait3A_216 = arith.constant 123 : i32
    %dma_wait3A_217 = arith.constant 24 : i32
    %dma_wait3A_218 = arith.constant 0 : i32
    %dma_wait3A_219 = tpu.memref_slice %arg10[%dma_wait3A_217, %dma_wait3A_218] : memref<80x128xf32, #tpu.memory_space<vmem>> -> memref<24x128xf32, #tpu.memory_space<vmem>>
    %dma_wait3A_220 = arith.constant 24 : i32
    %dma_wait3A_221 = tpu.memref_slice %arg6[%dma_wait3A_216, %dma_wait3A_220] : memref<125x80xi32, #tpu.memory_space<vmem>> -> memref<1x24xi32, #tpu.memory_space<vmem>>
    %dma_wait3A_222 = tpu.memref_squeeze %dma_wait3A_221 : memref<1x24xi32, #tpu.memory_space<vmem>> -> memref<24xi32, #tpu.memory_space<vmem>>
    %dma_wait3A_223 = arith.constant 0 : i32
    %dma_wait3A_224 = arith.constant 0 : i32
    %dma_wait3A_225 = tpu.memref_slice %arg2[%dma_wait3A_223, %dma_wait3A_224] : memref<10000x128xf32, #tpu.memory_space<hbm>> -> memref<10000x128xf32, #tpu.memory_space<hbm>>
    tpu.wait_indirect_dma semaphore(%arg17 : memref<!tpu.dma_semaphore, #tpu.memory_space<semaphore_mem>>) src(%dma_wait3A_225 : memref<10000x128xf32, #tpu.memory_space<hbm>>) dst(%dma_wait3A_219 : memref<24x128xf32, #tpu.memory_space<vmem>>)
    %dma_wait3A_226 = arith.constant 123 : i32
    %dma_wait3A_227 = arith.constant 48 : i32
    %dma_wait3A_228 = arith.constant 0 : i32
    %dma_wait3A_229 = tpu.memref_slice %arg10[%dma_wait3A_227, %dma_wait3A_228] : memref<80x128xf32, #tpu.memory_space<vmem>> -> memref<16x128xf32, #tpu.memory_space<vmem>>
    %dma_wait3A_230 = arith.constant 48 : i32
    %dma_wait3A_231 = tpu.memref_slice %arg6[%dma_wait3A_226, %dma_wait3A_230] : memref<125x80xi32, #tpu.memory_space<vmem>> -> memref<1x16xi32, #tpu.memory_space<vmem>>
    %dma_wait3A_232 = tpu.memref_squeeze %dma_wait3A_231 : memref<1x16xi32, #tpu.memory_space<vmem>> -> memref<16xi32, #tpu.memory_space<vmem>>
    %dma_wait3A_233 = arith.constant 0 : i32
    %dma_wait3A_234 = arith.constant 0 : i32
    %dma_wait3A_235 = tpu.memref_slice %arg2[%dma_wait3A_233, %dma_wait3A_234] : memref<10000x128xf32, #tpu.memory_space<hbm>> -> memref<10000x128xf32, #tpu.memory_space<hbm>>
    tpu.wait_indirect_dma semaphore(%arg20 : memref<!tpu.dma_semaphore, #tpu.memory_space<semaphore_mem>>) src(%dma_wait3A_235 : memref<10000x128xf32, #tpu.memory_space<hbm>>) dst(%dma_wait3A_229 : memref<16x128xf32, #tpu.memory_space<vmem>>)
    %dma_wait3A_236 = arith.constant 123 : i32
    %dma_wait3A_237 = arith.constant 64 : i32
    %dma_wait3A_238 = arith.constant 0 : i32
    %dma_wait3A_239 = tpu.memref_slice %arg10[%dma_wait3A_237, %dma_wait3A_238] : memref<80x128xf32, #tpu.memory_space<vmem>> -> memref<16x128xf32, #tpu.memory_space<vmem>>
    %dma_wait3A_240 = arith.constant 64 : i32
    %dma_wait3A_241 = tpu.memref_slice %arg6[%dma_wait3A_236, %dma_wait3A_240] : memref<125x80xi32, #tpu.memory_space<vmem>> -> memref<1x16xi32, #tpu.memory_space<vmem>>
    %dma_wait3A_242 = tpu.memref_squeeze %dma_wait3A_241 : memref<1x16xi32, #tpu.memory_space<vmem>> -> memref<16xi32, #tpu.memory_space<vmem>>
    %dma_wait3A_243 = arith.constant 0 : i32
    %dma_wait3A_244 = arith.constant 0 : i32
    %dma_wait3A_245 = tpu.memref_slice %arg2[%dma_wait3A_243, %dma_wait3A_244] : memref<10000x128xf32, #tpu.memory_space<hbm>> -> memref<10000x128xf32, #tpu.memory_space<hbm>>
    tpu.wait_indirect_dma semaphore(%arg21 : memref<!tpu.dma_semaphore, #tpu.memory_space<semaphore_mem>>) src(%dma_wait3A_245 : memref<10000x128xf32, #tpu.memory_space<hbm>>) dst(%dma_wait3A_239 : memref<16x128xf32, #tpu.memory_space<vmem>>)
    %dma_wait3A_246 = arith.constant 123 : i32
    %dma_wait3A_247 = arith.constant 0 : i32
    %dma_wait3A_248 = tpu.memref_slice %arg4[%add3A, %dma_wait3A_246, %dma_wait3A_247] : memref<32x125x80xi32, #tpu.memory_space<hbm>> -> memref<1x1x80xi32, #tpu.memory_space<hbm>>
    %dma_wait3A_249 = tpu.memref_squeeze %dma_wait3A_248 : memref<1x1x80xi32, #tpu.memory_space<hbm>> -> memref<1x80xi32, #tpu.memory_space<hbm>>
    %dma_wait3A_250 = arith.constant 123 : i32
    %dma_wait3A_251 = arith.constant 0 : i32
    %dma_wait3A_252 = tpu.memref_slice %arg4[%add3A, %dma_wait3A_250, %dma_wait3A_251] : memref<32x125x80xi32, #tpu.memory_space<hbm>> -> memref<1x1x80xi32, #tpu.memory_space<hbm>>
    %dma_wait3A_253 = tpu.memref_squeeze %dma_wait3A_252 : memref<1x1x80xi32, #tpu.memory_space<hbm>> -> memref<1x80xi32, #tpu.memory_space<hbm>>
    tpu.wait_dma2 semaphore(%arg15 : memref<!tpu.dma_semaphore, #tpu.memory_space<semaphore_mem>>) src(%dma_wait3A_253 : memref<1x80xi32, #tpu.memory_space<hbm>>) dst(%arg8 : memref<1x80xi32, #tpu.memory_space<vmem>>)
    %run_scoped3A_254 = arith.constant 0 : i32
    "tpu.region"() ({
      %run_scoped3A_309 = tpu.sem_alloc : memref<!tpu.dma_semaphore, #tpu.memory_space<semaphore_mem>>
      %dma_start3A_310 = arith.constant 0 : i32
      %dma_start3A_311 = tpu.memref_slice %arg8[%run_scoped3A_254, %dma_start3A_310] : memref<1x80xi32, #tpu.memory_space<vmem>> -> memref<1x80xi32, #tpu.memory_space<vmem>>
      %dma_start3A_312 = tpu.memref_squeeze %dma_start3A_311 : memref<1x80xi32, #tpu.memory_space<vmem>> -> memref<80xi32, #tpu.memory_space<vmem>>
      %dma_start3A_313 = arith.constant 0 : i32
      %dma_start3A_314 = arith.constant 0 : i32
      %dma_start3A_315 = tpu.memref_slice %arg11[%dma_start3A_313, %dma_start3A_314] : memref<10000x128xf32, #tpu.memory_space<vmem_shared>> -> memref<10000x128xf32, #tpu.memory_space<vmem_shared>>
      tpu.enqueue_indirect_dma source(%arg10 : memref<80x128xf32, #tpu.memory_space<vmem>>) target(%dma_start3A_315 : memref<10000x128xf32, #tpu.memory_space<vmem_shared>>) offsets(%dma_start3A_312 : memref<80xi32, #tpu.memory_space<vmem>>) semaphore(%run_scoped3A_309 : memref<!tpu.dma_semaphore, #tpu.memory_space<semaphore_mem>>) {add = true}
      %dma_wait3A_316 = arith.constant 0 : i32
      %dma_wait3A_317 = tpu.memref_slice %arg8[%run_scoped3A_254, %dma_wait3A_316] : memref<1x80xi32, #tpu.memory_space<vmem>> -> memref<1x80xi32, #tpu.memory_space<vmem>>
      %dma_wait3A_318 = tpu.memref_squeeze %dma_wait3A_317 : memref<1x80xi32, #tpu.memory_space<vmem>> -> memref<80xi32, #tpu.memory_space<vmem>>
      %dma_wait3A_319 = arith.constant 0 : i32
      %dma_wait3A_320 = arith.constant 0 : i32
      %dma_wait3A_321 = tpu.memref_slice %arg11[%dma_wait3A_319, %dma_wait3A_320] : memref<10000x128xf32, #tpu.memory_space<vmem_shared>> -> memref<10000x128xf32, #tpu.memory_space<vmem_shared>>
      tpu.wait_indirect_dma semaphore(%run_scoped3A_309 : memref<!tpu.dma_semaphore, #tpu.memory_space<semaphore_mem>>) src(%arg10 : memref<80x128xf32, #tpu.memory_space<vmem>>) dst(%dma_wait3A_321 : memref<10000x128xf32, #tpu.memory_space<vmem_shared>>)
      tpu.yield
    }) : () -> ()
    %dma_wait3A_255 = arith.constant 124 : i32
    %dma_wait3A_256 = arith.constant 0 : i32
    %dma_wait3A_257 = arith.constant 0 : i32
    %dma_wait3A_258 = tpu.memref_slice %arg9[%dma_wait3A_256, %dma_wait3A_257] : memref<80x128xf32, #tpu.memory_space<vmem>> -> memref<24x128xf32, #tpu.memory_space<vmem>>
    %dma_wait3A_259 = arith.constant 0 : i32
    %dma_wait3A_260 = tpu.memref_slice %arg6[%dma_wait3A_255, %dma_wait3A_259] : memref<125x80xi32, #tpu.memory_space<vmem>> -> memref<1x24xi32, #tpu.memory_space<vmem>>
    %dma_wait3A_261 = tpu.memref_squeeze %dma_wait3A_260 : memref<1x24xi32, #tpu.memory_space<vmem>> -> memref<24xi32, #tpu.memory_space<vmem>>
    %dma_wait3A_262 = arith.constant 0 : i32
    %dma_wait3A_263 = arith.constant 0 : i32
    %dma_wait3A_264 = tpu.memref_slice %arg2[%dma_wait3A_262, %dma_wait3A_263] : memref<10000x128xf32, #tpu.memory_space<hbm>> -> memref<10000x128xf32, #tpu.memory_space<hbm>>
    tpu.wait_indirect_dma semaphore(%arg12 : memref<!tpu.dma_semaphore, #tpu.memory_space<semaphore_mem>>) src(%dma_wait3A_264 : memref<10000x128xf32, #tpu.memory_space<hbm>>) dst(%dma_wait3A_258 : memref<24x128xf32, #tpu.memory_space<vmem>>)
    %dma_wait3A_265 = arith.constant 124 : i32
    %dma_wait3A_266 = arith.constant 24 : i32
    %dma_wait3A_267 = arith.constant 0 : i32
    %dma_wait3A_268 = tpu.memref_slice %arg9[%dma_wait3A_266, %dma_wait3A_267] : memref<80x128xf32, #tpu.memory_space<vmem>> -> memref<24x128xf32, #tpu.memory_space<vmem>>
    %dma_wait3A_269 = arith.constant 24 : i32
    %dma_wait3A_270 = tpu.memref_slice %arg6[%dma_wait3A_265, %dma_wait3A_269] : memref<125x80xi32, #tpu.memory_space<vmem>> -> memref<1x24xi32, #tpu.memory_space<vmem>>
    %dma_wait3A_271 = tpu.memref_squeeze %dma_wait3A_270 : memref<1x24xi32, #tpu.memory_space<vmem>> -> memref<24xi32, #tpu.memory_space<vmem>>
    %dma_wait3A_272 = arith.constant 0 : i32
    %dma_wait3A_273 = arith.constant 0 : i32
    %dma_wait3A_274 = tpu.memref_slice %arg2[%dma_wait3A_272, %dma_wait3A_273] : memref<10000x128xf32, #tpu.memory_space<hbm>> -> memref<10000x128xf32, #tpu.memory_space<hbm>>
    tpu.wait_indirect_dma semaphore(%arg16 : memref<!tpu.dma_semaphore, #tpu.memory_space<semaphore_mem>>) src(%dma_wait3A_274 : memref<10000x128xf32, #tpu.memory_space<hbm>>) dst(%dma_wait3A_268 : memref<24x128xf32, #tpu.memory_space<vmem>>)
    %dma_wait3A_275 = arith.constant 124 : i32
    %dma_wait3A_276 = arith.constant 48 : i32
    %dma_wait3A_277 = arith.constant 0 : i32
    %dma_wait3A_278 = tpu.memref_slice %arg9[%dma_wait3A_276, %dma_wait3A_277] : memref<80x128xf32, #tpu.memory_space<vmem>> -> memref<16x128xf32, #tpu.memory_space<vmem>>
    %dma_wait3A_279 = arith.constant 48 : i32
    %dma_wait3A_280 = tpu.memref_slice %arg6[%dma_wait3A_275, %dma_wait3A_279] : memref<125x80xi32, #tpu.memory_space<vmem>> -> memref<1x16xi32, #tpu.memory_space<vmem>>
    %dma_wait3A_281 = tpu.memref_squeeze %dma_wait3A_280 : memref<1x16xi32, #tpu.memory_space<vmem>> -> memref<16xi32, #tpu.memory_space<vmem>>
    %dma_wait3A_282 = arith.constant 0 : i32
    %dma_wait3A_283 = arith.constant 0 : i32
    %dma_wait3A_284 = tpu.memref_slice %arg2[%dma_wait3A_282, %dma_wait3A_283] : memref<10000x128xf32, #tpu.memory_space<hbm>> -> memref<10000x128xf32, #tpu.memory_space<hbm>>
    tpu.wait_indirect_dma semaphore(%arg18 : memref<!tpu.dma_semaphore, #tpu.memory_space<semaphore_mem>>) src(%dma_wait3A_284 : memref<10000x128xf32, #tpu.memory_space<hbm>>) dst(%dma_wait3A_278 : memref<16x128xf32, #tpu.memory_space<vmem>>)
    %dma_wait3A_285 = arith.constant 124 : i32
    %dma_wait3A_286 = arith.constant 64 : i32
    %dma_wait3A_287 = arith.constant 0 : i32
    %dma_wait3A_288 = tpu.memref_slice %arg9[%dma_wait3A_286, %dma_wait3A_287] : memref<80x128xf32, #tpu.memory_space<vmem>> -> memref<16x128xf32, #tpu.memory_space<vmem>>
    %dma_wait3A_289 = arith.constant 64 : i32
    %dma_wait3A_290 = tpu.memref_slice %arg6[%dma_wait3A_285, %dma_wait3A_289] : memref<125x80xi32, #tpu.memory_space<vmem>> -> memref<1x16xi32, #tpu.memory_space<vmem>>
    %dma_wait3A_291 = tpu.memref_squeeze %dma_wait3A_290 : memref<1x16xi32, #tpu.memory_space<vmem>> -> memref<16xi32, #tpu.memory_space<vmem>>
    %dma_wait3A_292 = arith.constant 0 : i32
    %dma_wait3A_293 = arith.constant 0 : i32
    %dma_wait3A_294 = tpu.memref_slice %arg2[%dma_wait3A_292, %dma_wait3A_293] : memref<10000x128xf32, #tpu.memory_space<hbm>> -> memref<10000x128xf32, #tpu.memory_space<hbm>>
    tpu.wait_indirect_dma semaphore(%arg19 : memref<!tpu.dma_semaphore, #tpu.memory_space<semaphore_mem>>) src(%dma_wait3A_294 : memref<10000x128xf32, #tpu.memory_space<hbm>>) dst(%dma_wait3A_288 : memref<16x128xf32, #tpu.memory_space<vmem>>)
    %dma_wait3A_295 = arith.constant 124 : i32
    %dma_wait3A_296 = arith.constant 0 : i32
    %dma_wait3A_297 = tpu.memref_slice %arg4[%add3A, %dma_wait3A_295, %dma_wait3A_296] : memref<32x125x80xi32, #tpu.memory_space<hbm>> -> memref<1x1x80xi32, #tpu.memory_space<hbm>>
    %dma_wait3A_298 = tpu.memref_squeeze %dma_wait3A_297 : memref<1x1x80xi32, #tpu.memory_space<hbm>> -> memref<1x80xi32, #tpu.memory_space<hbm>>
    %dma_wait3A_299 = arith.constant 124 : i32
    %dma_wait3A_300 = arith.constant 0 : i32
    %dma_wait3A_301 = tpu.memref_slice %arg4[%add3A, %dma_wait3A_299, %dma_wait3A_300] : memref<32x125x80xi32, #tpu.memory_space<hbm>> -> memref<1x1x80xi32, #tpu.memory_space<hbm>>
    %dma_wait3A_302 = tpu.memref_squeeze %dma_wait3A_301 : memref<1x1x80xi32, #tpu.memory_space<hbm>> -> memref<1x80xi32, #tpu.memory_space<hbm>>
    tpu.wait_dma2 semaphore(%arg14 : memref<!tpu.dma_semaphore, #tpu.memory_space<semaphore_mem>>) src(%dma_wait3A_302 : memref<1x80xi32, #tpu.memory_space<hbm>>) dst(%arg7 : memref<1x80xi32, #tpu.memory_space<vmem>>)
    %run_scoped3A_303 = arith.constant 0 : i32
    "tpu.region"() ({
      %run_scoped3A_309 = tpu.sem_alloc : memref<!tpu.dma_semaphore, #tpu.memory_space<semaphore_mem>>
      %dma_start3A_310 = arith.constant 0 : i32
      %dma_start3A_311 = tpu.memref_slice %arg7[%run_scoped3A_303, %dma_start3A_310] : memref<1x80xi32, #tpu.memory_space<vmem>> -> memref<1x80xi32, #tpu.memory_space<vmem>>
      %dma_start3A_312 = tpu.memref_squeeze %dma_start3A_311 : memref<1x80xi32, #tpu.memory_space<vmem>> -> memref<80xi32, #tpu.memory_space<vmem>>
      %dma_start3A_313 = arith.constant 0 : i32
      %dma_start3A_314 = arith.constant 0 : i32
      %dma_start3A_315 = tpu.memref_slice %arg11[%dma_start3A_313, %dma_start3A_314] : memref<10000x128xf32, #tpu.memory_space<vmem_shared>> -> memref<10000x128xf32, #tpu.memory_space<vmem_shared>>
      tpu.enqueue_indirect_dma source(%arg9 : memref<80x128xf32, #tpu.memory_space<vmem>>) target(%dma_start3A_315 : memref<10000x128xf32, #tpu.memory_space<vmem_shared>>) offsets(%dma_start3A_312 : memref<80xi32, #tpu.memory_space<vmem>>) semaphore(%run_scoped3A_309 : memref<!tpu.dma_semaphore, #tpu.memory_space<semaphore_mem>>) {add = true}
      %dma_wait3A_316 = arith.constant 0 : i32
      %dma_wait3A_317 = tpu.memref_slice %arg7[%run_scoped3A_303, %dma_wait3A_316] : memref<1x80xi32, #tpu.memory_space<vmem>> -> memref<1x80xi32, #tpu.memory_space<vmem>>
      %dma_wait3A_318 = tpu.memref_squeeze %dma_wait3A_317 : memref<1x80xi32, #tpu.memory_space<vmem>> -> memref<80xi32, #tpu.memory_space<vmem>>
      %dma_wait3A_319 = arith.constant 0 : i32
      %dma_wait3A_320 = arith.constant 0 : i32
      %dma_wait3A_321 = tpu.memref_slice %arg11[%dma_wait3A_319, %dma_wait3A_320] : memref<10000x128xf32, #tpu.memory_space<vmem_shared>> -> memref<10000x128xf32, #tpu.memory_space<vmem_shared>>
      tpu.wait_indirect_dma semaphore(%run_scoped3A_309 : memref<!tpu.dma_semaphore, #tpu.memory_space<semaphore_mem>>) src(%arg9 : memref<80x128xf32, #tpu.memory_space<vmem>>) dst(%dma_wait3A_321 : memref<10000x128xf32, #tpu.memory_space<vmem_shared>>)
      tpu.yield
    }) : () -> ()
    %barrier3A_304 = arith.constant 0 : index
    tpu.barrier barrier_id(%barrier3A_304)
    %mul3A_305 = arith.constant 624 : i32
    %mul3A_306 = arith.muli %arg1, %mul3A_305 : i32
    %mul3A_307 = arith.constant 624 : i32
    %mul3A_308 = arith.muli %arg1, %mul3A_307 : i32
    "tpu.region"() ({
      %run_scoped3A_309 = tpu.sem_alloc : memref<!tpu.dma_semaphore, #tpu.memory_space<semaphore_mem>>
      %dma_start3A_310 = arith.constant 0 : i32
      %dma_start3A_311 = tpu.memref_slice %arg5[%arg0, %mul3A_308, %dma_start3A_310] : memref<2x10000x128xf32, #tpu.memory_space<hbm>> -> memref<1x640x128xf32, #tpu.memory_space<hbm>>
      %dma_start3A_312 = tpu.memref_squeeze %dma_start3A_311 : memref<1x640x128xf32, #tpu.memory_space<hbm>> -> memref<640x128xf32, #tpu.memory_space<hbm>>
      %dma_start3A_313 = arith.constant 0 : i32
      %dma_start3A_314 = tpu.memref_slice %arg11[%mul3A_306, %dma_start3A_313] : memref<10000x128xf32, #tpu.memory_space<vmem_shared>> -> memref<640x128xf32, #tpu.memory_space<vmem_shared>>
      tpu.enqueue_dma source(%dma_start3A_314 : memref<640x128xf32, #tpu.memory_space<vmem_shared>>) target(%dma_start3A_312 : memref<640x128xf32, #tpu.memory_space<hbm>>) target_semaphore(%run_scoped3A_309 : memref<!tpu.dma_semaphore, #tpu.memory_space<semaphore_mem>>)
      %dma_wait3A_315 = arith.constant 0 : i32
      %dma_wait3A_316 = tpu.memref_slice %arg5[%arg0, %mul3A_308, %dma_wait3A_315] : memref<2x10000x128xf32, #tpu.memory_space<hbm>> -> memref<1x640x128xf32, #tpu.memory_space<hbm>>
      %dma_wait3A_317 = tpu.memref_squeeze %dma_wait3A_316 : memref<1x640x128xf32, #tpu.memory_space<hbm>> -> memref<640x128xf32, #tpu.memory_space<hbm>>
      %dma_wait3A_318 = arith.constant 0 : i32
      %dma_wait3A_319 = tpu.memref_slice %arg11[%mul3A_306, %dma_wait3A_318] : memref<10000x128xf32, #tpu.memory_space<vmem_shared>> -> memref<640x128xf32, #tpu.memory_space<vmem_shared>>
      tpu.wait_dma2 semaphore(%run_scoped3A_309 : memref<!tpu.dma_semaphore, #tpu.memory_space<semaphore_mem>>) src(%dma_wait3A_319 : memref<640x128xf32, #tpu.memory_space<vmem_shared>>) dst(%dma_wait3A_317 : memref<640x128xf32, #tpu.memory_space<hbm>>)
      tpu.yield
    }) : () -> ()
    return
  }
}

#map = affine_map<(d0, d1) -> (0, 0)>
#map1 = affine_map<(d0, d1) -> (0, 0, 0)>
module attributes {stable_mosaic.version = 14 : i64} {
  func.func @_agg_sc(%arg0: i32, %arg1: i32, %arg2: memref<10000x128xf32, #tpu.memory_space<hbm>>, %arg3: memref<32x125x80xi32, #tpu.memory_space<hbm>>, %arg4: memref<32x125x80xi32, #tpu.memory_space<hbm>>, %arg5: memref<2x10000x128xf32, #tpu.memory_space<hbm>>, %arg6: memref<125x80xi32, #tpu.memory_space<vmem>>, %arg7: memref<1x80xi32, #tpu.memory_space<vmem>>, %arg8: memref<1x80xi32, #tpu.memory_space<vmem>>, %arg9: memref<80x128xf32, #tpu.memory_space<vmem>>, %arg10: memref<80x128xf32, #tpu.memory_space<vmem>>, %arg11: memref<10000x128xf32, #tpu.memory_space<vmem_shared>>, %arg12: memref<!tpu.dma_semaphore, #tpu.memory_space<semaphore_mem>>, %arg13: memref<!tpu.dma_semaphore, #tpu.memory_space<semaphore_mem>>, %arg14: memref<!tpu.dma_semaphore, #tpu.memory_space<semaphore_mem>>, %arg15: memref<!tpu.dma_semaphore, #tpu.memory_space<semaphore_mem>>, %arg16: memref<!tpu.dma_semaphore, #tpu.memory_space<semaphore_mem>>, %arg17: memref<!tpu.dma_semaphore, #tpu.memory_space<semaphore_mem>>, %arg18: memref<!tpu.dma_semaphore, #tpu.memory_space<semaphore_mem>>, %arg19: memref<!tpu.dma_semaphore, #tpu.memory_space<semaphore_mem>>, %arg20: memref<!tpu.dma_semaphore, #tpu.memory_space<semaphore_mem>>, %arg21: memref<!tpu.dma_semaphore, #tpu.memory_space<semaphore_mem>>) attributes {dimension_semantics = [#tpu.dimension_semantics<core_parallel>, #tpu.dimension_semantics<subcore_parallel>], iteration_bounds = array<i64: 2, 16>, scalar_prefetch = 0 : i64, scratch_operands = 16 : i64, tpu.core_type = #tpu.core_type<sc_vector_subcore>, window_params = [{transform_indices = #map}, {transform_indices = #map1}, {transform_indices = #map1}, {transform_indices = #map1}]} {
    %mul3A = arith.constant 16 : i32
    %mul3A_0 = arith.muli %arg0, %mul3A : i32
    %add3A = arith.addi %mul3A_0, %arg1 : i32
    "tpu.region"() ({
      %run_scoped3A_309 = tpu.sem_alloc : memref<!tpu.dma_semaphore, #tpu.memory_space<semaphore_mem>>
      %dma_start3A_310 = arith.constant 0 : i32
      %dma_start3A_311 = arith.constant 0 : i32
      %dma_start3A_312 = tpu.memref_slice %arg3[%add3A, %dma_start3A_310, %dma_start3A_311] : memref<32x125x80xi32, #tpu.memory_space<hbm>> -> memref<1x125x80xi32, #tpu.memory_space<hbm>>
      %dma_start3A_313 = tpu.memref_squeeze %dma_start3A_312 : memref<1x125x80xi32, #tpu.memory_space<hbm>> -> memref<125x80xi32, #tpu.memory_space<hbm>>
      %dma_start3A_314 = arith.constant 0 : i32
      %dma_start3A_315 = arith.constant 0 : i32
      %dma_start3A_316 = tpu.memref_slice %arg3[%add3A, %dma_start3A_314, %dma_start3A_315] : memref<32x125x80xi32, #tpu.memory_space<hbm>> -> memref<1x125x80xi32, #tpu.memory_space<hbm>>
      %dma_start3A_317 = tpu.memref_squeeze %dma_start3A_316 : memref<1x125x80xi32, #tpu.memory_space<hbm>> -> memref<125x80xi32, #tpu.memory_space<hbm>>
      tpu.enqueue_dma source(%dma_start3A_317 : memref<125x80xi32, #tpu.memory_space<hbm>>) target(%arg6 : memref<125x80xi32, #tpu.memory_space<vmem>>) target_semaphore(%run_scoped3A_309 : memref<!tpu.dma_semaphore, #tpu.memory_space<semaphore_mem>>)
      %dma_wait3A_318 = arith.constant 0 : i32
      %dma_wait3A_319 = arith.constant 0 : i32
      %dma_wait3A_320 = tpu.memref_slice %arg3[%add3A, %dma_wait3A_318, %dma_wait3A_319] : memref<32x125x80xi32, #tpu.memory_space<hbm>> -> memref<1x125x80xi32, #tpu.memory_space<hbm>>
      %dma_wait3A_321 = tpu.memref_squeeze %dma_wait3A_320 : memref<1x125x80xi32, #tpu.memory_space<hbm>> -> memref<125x80xi32, #tpu.memory_space<hbm>>
      %dma_wait3A_322 = arith.constant 0 : i32
      %dma_wait3A_323 = arith.constant 0 : i32
      %dma_wait3A_324 = tpu.memref_slice %arg3[%add3A, %dma_wait3A_322, %dma_wait3A_323] : memref<32x125x80xi32, #tpu.memory_space<hbm>> -> memref<1x125x80xi32, #tpu.memory_space<hbm>>
      %dma_wait3A_325 = tpu.memref_squeeze %dma_wait3A_324 : memref<1x125x80xi32, #tpu.memory_space<hbm>> -> memref<125x80xi32, #tpu.memory_space<hbm>>
      tpu.wait_dma2 semaphore(%run_scoped3A_309 : memref<!tpu.dma_semaphore, #tpu.memory_space<semaphore_mem>>) src(%dma_wait3A_325 : memref<125x80xi32, #tpu.memory_space<hbm>>) dst(%arg6 : memref<125x80xi32, #tpu.memory_space<vmem>>)
      tpu.yield
    }) : () -> ()
    %broadcast_in_dim3A = arith.constant 0.000000e+00 : f32
    %broadcast_in_dim3A_1 = vector.broadcast %broadcast_in_dim3A : f32 to vector<16xf32>
    %scan3A = arith.constant 0 : i32
    %scan3A_2 = arith.constant 80 : i32
    %scan3A_3 = arith.addi %scan3A, %scan3A_2 : i32
    %scan3A_4 = arith.constant 1 : i32
    scf.for %scan3A_309 = %scan3A to %scan3A_3 step %scan3A_4  : i32 {
      %mul3A_310 = arith.constant 1 : i32
      %mul3A_311 = arith.muli %scan3A_309, %mul3A_310 : i32
      %add3A_312 = arith.constant 0 : i32
      %add3A_313 = arith.addi %add3A_312, %mul3A_311 : i32
      %scan3A_314 = arith.constant 0 : i32
      %scan3A_315 = arith.constant 8 : i32
      %scan3A_316 = arith.addi %scan3A_314, %scan3A_315 : i32
      %scan3A_317 = arith.constant 1 : i32
      scf.for %scan3A_319 = %scan3A_314 to %scan3A_316 step %scan3A_317  : i32 {
        %mul3A_320 = arith.constant 16 : i32
        %mul3A_321 = arith.muli %scan3A_319, %mul3A_320 : i32
        %add3A_322 = arith.constant 0 : i32
        %add3A_323 = arith.addi %add3A_322, %mul3A_321 : i32
        %swap3A = arith.index_cast %add3A_313 : i32 to index
        %swap3A_324 = arith.index_cast %add3A_323 : i32 to index
        %swap3A_325 = tpu.vector_load %arg9[%swap3A, %swap3A_324] {strides = array<i32>} : memref<80x128xf32, #tpu.memory_space<vmem>>, vector<1x16xf32>,
        %swap3A_326 = vector.shape_cast %swap3A_325 : vector<1x16xf32> to vector<16xf32>
        %swap3A_327 = vector.shape_cast %broadcast_in_dim3A_1 : vector<16xf32> to vector<1x16xf32>
        tpu.vector_store %arg9[%swap3A, %swap3A_324], %swap3A_327 {strides = array<i32>} : memref<80x128xf32, #tpu.memory_space<vmem>>, vector<1x16xf32>,
      }
      %scan3A_318 = arith.constant 8 : i32
    }
    %scan3A_5 = arith.constant 80 : i32
    %scan3A_6 = arith.constant 0 : i32
    %scan3A_7 = arith.constant 8 : i32
    %scan3A_8 = arith.addi %scan3A_6, %scan3A_7 : i32
    %scan3A_9 = arith.constant 1 : i32
    scf.for %scan3A_309 = %scan3A_6 to %scan3A_8 step %scan3A_9  : i32 {
      %mul3A_310 = arith.constant 80 : i32
      %mul3A_311 = arith.muli %scan3A_309, %mul3A_310 : i32
      %add3A_312 = arith.constant 0 : i32
      %add3A_313 = arith.addi %add3A_312, %mul3A_311 : i32
      %mul3A_314 = arith.constant 624 : i32
      %mul3A_315 = arith.muli %arg1, %mul3A_314 : i32
      %add3A_316 = arith.addi %mul3A_315, %add3A_313 : i32
      "tpu.region"() ({
        %run_scoped3A_317 = tpu.sem_alloc : memref<!tpu.dma_semaphore, #tpu.memory_space<semaphore_mem>>
        %dma_start3A_318 = arith.constant 0 : i32
        %dma_start3A_319 = tpu.memref_slice %arg11[%add3A_316, %dma_start3A_318] : memref<10000x128xf32, #tpu.memory_space<vmem_shared>> -> memref<80x128xf32, #tpu.memory_space<vmem_shared>>
        %dma_start3A_320 = arith.constant 0 : i32
        %dma_start3A_321 = tpu.memref_slice %arg11[%add3A_316, %dma_start3A_320] : memref<10000x128xf32, #tpu.memory_space<vmem_shared>> -> memref<80x128xf32, #tpu.memory_space<vmem_shared>>
        tpu.enqueue_dma source(%arg9 : memref<80x128xf32, #tpu.memory_space<vmem>>) target(%dma_start3A_321 : memref<80x128xf32, #tpu.memory_space<vmem_shared>>) target_semaphore(%run_scoped3A_317 : memref<!tpu.dma_semaphore, #tpu.memory_space<semaphore_mem>>)
        %dma_wait3A_322 = arith.constant 0 : i32
        %dma_wait3A_323 = tpu.memref_slice %arg11[%add3A_316, %dma_wait3A_322] : memref<10000x128xf32, #tpu.memory_space<vmem_shared>> -> memref<80x128xf32, #tpu.memory_space<vmem_shared>>
        %dma_wait3A_324 = arith.constant 0 : i32
        %dma_wait3A_325 = tpu.memref_slice %arg11[%add3A_316, %dma_wait3A_324] : memref<10000x128xf32, #tpu.memory_space<vmem_shared>> -> memref<80x128xf32, #tpu.memory_space<vmem_shared>>
        tpu.wait_dma2 semaphore(%run_scoped3A_317 : memref<!tpu.dma_semaphore, #tpu.memory_space<semaphore_mem>>) src(%arg9 : memref<80x128xf32, #tpu.memory_space<vmem>>) dst(%dma_wait3A_325 : memref<80x128xf32, #tpu.memory_space<vmem_shared>>)
        tpu.yield
      }) : () -> ()
    }
    %scan3A_10 = arith.constant 8 : i32
    %barrier3A = arith.constant 0 : index
    tpu.barrier barrier_id(%barrier3A)
    %dma_start3A = arith.constant 0 : i32
    %dma_start3A_11 = arith.constant 0 : i32
    %dma_start3A_12 = tpu.memref_slice %arg4[%add3A, %dma_start3A, %dma_start3A_11] : memref<32x125x80xi32, #tpu.memory_space<hbm>> -> memref<1x1x80xi32, #tpu.memory_space<hbm>>
    %dma_start3A_13 = tpu.memref_squeeze %dma_start3A_12 : memref<1x1x80xi32, #tpu.memory_space<hbm>> -> memref<1x80xi32, #tpu.memory_space<hbm>>
    %dma_start3A_14 = arith.constant 0 : i32
    %dma_start3A_15 = arith.constant 0 : i32
    %dma_start3A_16 = tpu.memref_slice %arg4[%add3A, %dma_start3A_14, %dma_start3A_15] : memref<32x125x80xi32, #tpu.memory_space<hbm>> -> memref<1x1x80xi32, #tpu.memory_space<hbm>>
    %dma_start3A_17 = tpu.memref_squeeze %dma_start3A_16 : memref<1x1x80xi32, #tpu.memory_space<hbm>> -> memref<1x80xi32, #tpu.memory_space<hbm>>
    tpu.enqueue_dma source(%dma_start3A_17 : memref<1x80xi32, #tpu.memory_space<hbm>>) target(%arg7 : memref<1x80xi32, #tpu.memory_space<vmem>>) target_semaphore(%arg14 : memref<!tpu.dma_semaphore, #tpu.memory_space<semaphore_mem>>)
    %dma_start3A_18 = arith.constant 0 : i32
    %dma_start3A_19 = arith.constant 0 : i32
    %dma_start3A_20 = arith.constant 0 : i32
    %dma_start3A_21 = tpu.memref_slice %arg9[%dma_start3A_19, %dma_start3A_20] : memref<80x128xf32, #tpu.memory_space<vmem>> -> memref<24x128xf32, #tpu.memory_space<vmem>>
    %dma_start3A_22 = arith.constant 0 : i32
    %dma_start3A_23 = tpu.memref_slice %arg6[%dma_start3A_18, %dma_start3A_22] : memref<125x80xi32, #tpu.memory_space<vmem>> -> memref<1x24xi32, #tpu.memory_space<vmem>>
    %dma_start3A_24 = tpu.memref_squeeze %dma_start3A_23 : memref<1x24xi32, #tpu.memory_space<vmem>> -> memref<24xi32, #tpu.memory_space<vmem>>
    %dma_start3A_25 = arith.constant 0 : i32
    %dma_start3A_26 = arith.constant 0 : i32
    %dma_start3A_27 = tpu.memref_slice %arg2[%dma_start3A_25, %dma_start3A_26] : memref<10000x128xf32, #tpu.memory_space<hbm>> -> memref<10000x128xf32, #tpu.memory_space<hbm>>
    tpu.enqueue_indirect_dma source(%dma_start3A_27 : memref<10000x128xf32, #tpu.memory_space<hbm>>) target(%dma_start3A_21 : memref<24x128xf32, #tpu.memory_space<vmem>>) offsets(%dma_start3A_24 : memref<24xi32, #tpu.memory_space<vmem>>) semaphore(%arg12 : memref<!tpu.dma_semaphore, #tpu.memory_space<semaphore_mem>>)
    %dma_start3A_28 = arith.constant 0 : i32
    %dma_start3A_29 = arith.constant 24 : i32
    %dma_start3A_30 = arith.constant 0 : i32
    %dma_start3A_31 = tpu.memref_slice %arg9[%dma_start3A_29, %dma_start3A_30] : memref<80x128xf32, #tpu.memory_space<vmem>> -> memref<24x128xf32, #tpu.memory_space<vmem>>
    %dma_start3A_32 = arith.constant 24 : i32
    %dma_start3A_33 = tpu.memref_slice %arg6[%dma_start3A_28, %dma_start3A_32] : memref<125x80xi32, #tpu.memory_space<vmem>> -> memref<1x24xi32, #tpu.memory_space<vmem>>
    %dma_start3A_34 = tpu.memref_squeeze %dma_start3A_33 : memref<1x24xi32, #tpu.memory_space<vmem>> -> memref<24xi32, #tpu.memory_space<vmem>>
    %dma_start3A_35 = arith.constant 0 : i32
    %dma_start3A_36 = arith.constant 0 : i32
    %dma_start3A_37 = tpu.memref_slice %arg2[%dma_start3A_35, %dma_start3A_36] : memref<10000x128xf32, #tpu.memory_space<hbm>> -> memref<10000x128xf32, #tpu.memory_space<hbm>>
    tpu.enqueue_indirect_dma source(%dma_start3A_37 : memref<10000x128xf32, #tpu.memory_space<hbm>>) target(%dma_start3A_31 : memref<24x128xf32, #tpu.memory_space<vmem>>) offsets(%dma_start3A_34 : memref<24xi32, #tpu.memory_space<vmem>>) semaphore(%arg16 : memref<!tpu.dma_semaphore, #tpu.memory_space<semaphore_mem>>)
    %dma_start3A_38 = arith.constant 0 : i32
    %dma_start3A_39 = arith.constant 48 : i32
    %dma_start3A_40 = arith.constant 0 : i32
    %dma_start3A_41 = tpu.memref_slice %arg9[%dma_start3A_39, %dma_start3A_40] : memref<80x128xf32, #tpu.memory_space<vmem>> -> memref<16x128xf32, #tpu.memory_space<vmem>>
    %dma_start3A_42 = arith.constant 48 : i32
    %dma_start3A_43 = tpu.memref_slice %arg6[%dma_start3A_38, %dma_start3A_42] : memref<125x80xi32, #tpu.memory_space<vmem>> -> memref<1x16xi32, #tpu.memory_space<vmem>>
    %dma_start3A_44 = tpu.memref_squeeze %dma_start3A_43 : memref<1x16xi32, #tpu.memory_space<vmem>> -> memref<16xi32, #tpu.memory_space<vmem>>
    %dma_start3A_45 = arith.constant 0 : i32
    %dma_start3A_46 = arith.constant 0 : i32
    %dma_start3A_47 = tpu.memref_slice %arg2[%dma_start3A_45, %dma_start3A_46] : memref<10000x128xf32, #tpu.memory_space<hbm>> -> memref<10000x128xf32, #tpu.memory_space<hbm>>
    tpu.enqueue_indirect_dma source(%dma_start3A_47 : memref<10000x128xf32, #tpu.memory_space<hbm>>) target(%dma_start3A_41 : memref<16x128xf32, #tpu.memory_space<vmem>>) offsets(%dma_start3A_44 : memref<16xi32, #tpu.memory_space<vmem>>) semaphore(%arg18 : memref<!tpu.dma_semaphore, #tpu.memory_space<semaphore_mem>>)
    %dma_start3A_48 = arith.constant 0 : i32
    %dma_start3A_49 = arith.constant 64 : i32
    %dma_start3A_50 = arith.constant 0 : i32
    %dma_start3A_51 = tpu.memref_slice %arg9[%dma_start3A_49, %dma_start3A_50] : memref<80x128xf32, #tpu.memory_space<vmem>> -> memref<16x128xf32, #tpu.memory_space<vmem>>
    %dma_start3A_52 = arith.constant 64 : i32
    %dma_start3A_53 = tpu.memref_slice %arg6[%dma_start3A_48, %dma_start3A_52] : memref<125x80xi32, #tpu.memory_space<vmem>> -> memref<1x16xi32, #tpu.memory_space<vmem>>
    %dma_start3A_54 = tpu.memref_squeeze %dma_start3A_53 : memref<1x16xi32, #tpu.memory_space<vmem>> -> memref<16xi32, #tpu.memory_space<vmem>>
    %dma_start3A_55 = arith.constant 0 : i32
    %dma_start3A_56 = arith.constant 0 : i32
    %dma_start3A_57 = tpu.memref_slice %arg2[%dma_start3A_55, %dma_start3A_56] : memref<10000x128xf32, #tpu.memory_space<hbm>> -> memref<10000x128xf32, #tpu.memory_space<hbm>>
    tpu.enqueue_indirect_dma source(%dma_start3A_57 : memref<10000x128xf32, #tpu.memory_space<hbm>>) target(%dma_start3A_51 : memref<16x128xf32, #tpu.memory_space<vmem>>) offsets(%dma_start3A_54 : memref<16xi32, #tpu.memory_space<vmem>>) semaphore(%arg19 : memref<!tpu.dma_semaphore, #tpu.memory_space<semaphore_mem>>)
    %scan3A_58 = arith.constant 0 : i32
    %scan3A_59 = arith.constant 61 : i32
    %scan3A_60 = arith.addi %scan3A_58, %scan3A_59 : i32
    %scan3A_61 = arith.constant 1 : i32
    scf.for %scan3A_309 = %scan3A_58 to %scan3A_60 step %scan3A_61  : i32 {
      %mul3A_310 = arith.constant 2 : i32
      %mul3A_311 = arith.muli %scan3A_309, %mul3A_310 : i32
      %add3A_312 = arith.constant 0 : i32
      %add3A_313 = arith.addi %add3A_312, %mul3A_311 : i32
      %add3A_314 = arith.constant 1 : i32
      %add3A_315 = arith.addi %add3A_313, %add3A_314 : i32
      %dma_start3A_316 = arith.constant 0 : i32
      %dma_start3A_317 = tpu.memref_slice %arg4[%add3A, %add3A_315, %dma_start3A_316] : memref<32x125x80xi32, #tpu.memory_space<hbm>> -> memref<1x1x80xi32, #tpu.memory_space<hbm>>
      %dma_start3A_318 = tpu.memref_squeeze %dma_start3A_317 : memref<1x1x80xi32, #tpu.memory_space<hbm>> -> memref<1x80xi32, #tpu.memory_space<hbm>>
      %dma_start3A_319 = arith.constant 0 : i32
      %dma_start3A_320 = tpu.memref_slice %arg4[%add3A, %add3A_315, %dma_start3A_319] : memref<32x125x80xi32, #tpu.memory_space<hbm>> -> memref<1x1x80xi32, #tpu.memory_space<hbm>>
      %dma_start3A_321 = tpu.memref_squeeze %dma_start3A_320 : memref<1x1x80xi32, #tpu.memory_space<hbm>> -> memref<1x80xi32, #tpu.memory_space<hbm>>
      tpu.enqueue_dma source(%dma_start3A_321 : memref<1x80xi32, #tpu.memory_space<hbm>>) target(%arg8 : memref<1x80xi32, #tpu.memory_space<vmem>>) target_semaphore(%arg15 : memref<!tpu.dma_semaphore, #tpu.memory_space<semaphore_mem>>)
      %add3A_322 = arith.constant 1 : i32
      %add3A_323 = arith.addi %add3A_313, %add3A_322 : i32
      %dma_start3A_324 = arith.constant 0 : i32
      %dma_start3A_325 = arith.constant 0 : i32
      %dma_start3A_326 = tpu.memref_slice %arg10[%dma_start3A_324, %dma_start3A_325] : memref<80x128xf32, #tpu.memory_space<vmem>> -> memref<24x128xf32, #tpu.memory_space<vmem>>
      %dma_start3A_327 = arith.constant 0 : i32
      %dma_start3A_328 = tpu.memref_slice %arg6[%add3A_323, %dma_start3A_327] : memref<125x80xi32, #tpu.memory_space<vmem>> -> memref<1x24xi32, #tpu.memory_space<vmem>>
      %dma_start3A_329 = tpu.memref_squeeze %dma_start3A_328 : memref<1x24xi32, #tpu.memory_space<vmem>> -> memref<24xi32, #tpu.memory_space<vmem>>
      %dma_start3A_330 = arith.constant 0 : i32
      %dma_start3A_331 = arith.constant 0 : i32
      %dma_start3A_332 = tpu.memref_slice %arg2[%dma_start3A_330, %dma_start3A_331] : memref<10000x128xf32, #tpu.memory_space<hbm>> -> memref<10000x128xf32, #tpu.memory_space<hbm>>
      tpu.enqueue_indirect_dma source(%dma_start3A_332 : memref<10000x128xf32, #tpu.memory_space<hbm>>) target(%dma_start3A_326 : memref<24x128xf32, #tpu.memory_space<vmem>>) offsets(%dma_start3A_329 : memref<24xi32, #tpu.memory_space<vmem>>) semaphore(%arg13 : memref<!tpu.dma_semaphore, #tpu.memory_space<semaphore_mem>>)
      %dma_start3A_333 = arith.constant 24 : i32
      %dma_start3A_334 = arith.constant 0 : i32
      %dma_start3A_335 = tpu.memref_slice %arg10[%dma_start3A_333, %dma_start3A_334] : memref<80x128xf32, #tpu.memory_space<vmem>> -> memref<24x128xf32, #tpu.memory_space<vmem>>
      %dma_start3A_336 = arith.constant 24 : i32
      %dma_start3A_337 = tpu.memref_slice %arg6[%add3A_323, %dma_start3A_336] : memref<125x80xi32, #tpu.memory_space<vmem>> -> memref<1x24xi32, #tpu.memory_space<vmem>>
      %dma_start3A_338 = tpu.memref_squeeze %dma_start3A_337 : memref<1x24xi32, #tpu.memory_space<vmem>> -> memref<24xi32, #tpu.memory_space<vmem>>
      %dma_start3A_339 = arith.constant 0 : i32
      %dma_start3A_340 = arith.constant 0 : i32
      %dma_start3A_341 = tpu.memref_slice %arg2[%dma_start3A_339, %dma_start3A_340] : memref<10000x128xf32, #tpu.memory_space<hbm>> -> memref<10000x128xf32, #tpu.memory_space<hbm>>
      tpu.enqueue_indirect_dma source(%dma_start3A_341 : memref<10000x128xf32, #tpu.memory_space<hbm>>) target(%dma_start3A_335 : memref<24x128xf32, #tpu.memory_space<vmem>>) offsets(%dma_start3A_338 : memref<24xi32, #tpu.memory_space<vmem>>) semaphore(%arg17 : memref<!tpu.dma_semaphore, #tpu.memory_space<semaphore_mem>>)
      %dma_start3A_342 = arith.constant 48 : i32
      %dma_start3A_343 = arith.constant 0 : i32
      %dma_start3A_344 = tpu.memref_slice %arg10[%dma_start3A_342, %dma_start3A_343] : memref<80x128xf32, #tpu.memory_space<vmem>> -> memref<16x128xf32, #tpu.memory_space<vmem>>
      %dma_start3A_345 = arith.constant 48 : i32
      %dma_start3A_346 = tpu.memref_slice %arg6[%add3A_323, %dma_start3A_345] : memref<125x80xi32, #tpu.memory_space<vmem>> -> memref<1x16xi32, #tpu.memory_space<vmem>>
      %dma_start3A_347 = tpu.memref_squeeze %dma_start3A_346 : memref<1x16xi32, #tpu.memory_space<vmem>> -> memref<16xi32, #tpu.memory_space<vmem>>
      %dma_start3A_348 = arith.constant 0 : i32
      %dma_start3A_349 = arith.constant 0 : i32
      %dma_start3A_350 = tpu.memref_slice %arg2[%dma_start3A_348, %dma_start3A_349] : memref<10000x128xf32, #tpu.memory_space<hbm>> -> memref<10000x128xf32, #tpu.memory_space<hbm>>
      tpu.enqueue_indirect_dma source(%dma_start3A_350 : memref<10000x128xf32, #tpu.memory_space<hbm>>) target(%dma_start3A_344 : memref<16x128xf32, #tpu.memory_space<vmem>>) offsets(%dma_start3A_347 : memref<16xi32, #tpu.memory_space<vmem>>) semaphore(%arg20 : memref<!tpu.dma_semaphore, #tpu.memory_space<semaphore_mem>>)
      %dma_start3A_351 = arith.constant 64 : i32
      %dma_start3A_352 = arith.constant 0 : i32
      %dma_start3A_353 = tpu.memref_slice %arg10[%dma_start3A_351, %dma_start3A_352] : memref<80x128xf32, #tpu.memory_space<vmem>> -> memref<16x128xf32, #tpu.memory_space<vmem>>
      %dma_start3A_354 = arith.constant 64 : i32
      %dma_start3A_355 = tpu.memref_slice %arg6[%add3A_323, %dma_start3A_354] : memref<125x80xi32, #tpu.memory_space<vmem>> -> memref<1x16xi32, #tpu.memory_space<vmem>>
      %dma_start3A_356 = tpu.memref_squeeze %dma_start3A_355 : memref<1x16xi32, #tpu.memory_space<vmem>> -> memref<16xi32, #tpu.memory_space<vmem>>
      %dma_start3A_357 = arith.constant 0 : i32
      %dma_start3A_358 = arith.constant 0 : i32
      %dma_start3A_359 = tpu.memref_slice %arg2[%dma_start3A_357, %dma_start3A_358] : memref<10000x128xf32, #tpu.memory_space<hbm>> -> memref<10000x128xf32, #tpu.memory_space<hbm>>
      tpu.enqueue_indirect_dma source(%dma_start3A_359 : memref<10000x128xf32, #tpu.memory_space<hbm>>) target(%dma_start3A_353 : memref<16x128xf32, #tpu.memory_space<vmem>>) offsets(%dma_start3A_356 : memref<16xi32, #tpu.memory_space<vmem>>) semaphore(%arg21 : memref<!tpu.dma_semaphore, #tpu.memory_space<semaphore_mem>>)
      %dma_wait3A_360 = arith.constant 0 : i32
      %dma_wait3A_361 = arith.constant 0 : i32
      %dma_wait3A_362 = tpu.memref_slice %arg9[%dma_wait3A_360, %dma_wait3A_361] : memref<80x128xf32, #tpu.memory_space<vmem>> -> memref<24x128xf32, #tpu.memory_space<vmem>>
      %dma_wait3A_363 = arith.constant 0 : i32
      %dma_wait3A_364 = tpu.memref_slice %arg6[%add3A_313, %dma_wait3A_363] : memref<125x80xi32, #tpu.memory_space<vmem>> -> memref<1x24xi32, #tpu.memory_space<vmem>>
      %dma_wait3A_365 = tpu.memref_squeeze %dma_wait3A_364 : memref<1x24xi32, #tpu.memory_space<vmem>> -> memref<24xi32, #tpu.memory_space<vmem>>
      %dma_wait3A_366 = arith.constant 0 : i32
      %dma_wait3A_367 = arith.constant 0 : i32
      %dma_wait3A_368 = tpu.memref_slice %arg2[%dma_wait3A_366, %dma_wait3A_367] : memref<10000x128xf32, #tpu.memory_space<hbm>> -> memref<10000x128xf32, #tpu.memory_space<hbm>>
      tpu.wait_indirect_dma semaphore(%arg12 : memref<!tpu.dma_semaphore, #tpu.memory_space<semaphore_mem>>) src(%dma_wait3A_368 : memref<10000x128xf32, #tpu.memory_space<hbm>>) dst(%dma_wait3A_362 : memref<24x128xf32, #tpu.memory_space<vmem>>)
      %dma_wait3A_369 = arith.constant 24 : i32
      %dma_wait3A_370 = arith.constant 0 : i32
      %dma_wait3A_371 = tpu.memref_slice %arg9[%dma_wait3A_369, %dma_wait3A_370] : memref<80x128xf32, #tpu.memory_space<vmem>> -> memref<24x128xf32, #tpu.memory_space<vmem>>
      %dma_wait3A_372 = arith.constant 24 : i32
      %dma_wait3A_373 = tpu.memref_slice %arg6[%add3A_313, %dma_wait3A_372] : memref<125x80xi32, #tpu.memory_space<vmem>> -> memref<1x24xi32, #tpu.memory_space<vmem>>
      %dma_wait3A_374 = tpu.memref_squeeze %dma_wait3A_373 : memref<1x24xi32, #tpu.memory_space<vmem>> -> memref<24xi32, #tpu.memory_space<vmem>>
      %dma_wait3A_375 = arith.constant 0 : i32
      %dma_wait3A_376 = arith.constant 0 : i32
      %dma_wait3A_377 = tpu.memref_slice %arg2[%dma_wait3A_375, %dma_wait3A_376] : memref<10000x128xf32, #tpu.memory_space<hbm>> -> memref<10000x128xf32, #tpu.memory_space<hbm>>
      tpu.wait_indirect_dma semaphore(%arg16 : memref<!tpu.dma_semaphore, #tpu.memory_space<semaphore_mem>>) src(%dma_wait3A_377 : memref<10000x128xf32, #tpu.memory_space<hbm>>) dst(%dma_wait3A_371 : memref<24x128xf32, #tpu.memory_space<vmem>>)
      %dma_wait3A_378 = arith.constant 48 : i32
      %dma_wait3A_379 = arith.constant 0 : i32
      %dma_wait3A_380 = tpu.memref_slice %arg9[%dma_wait3A_378, %dma_wait3A_379] : memref<80x128xf32, #tpu.memory_space<vmem>> -> memref<16x128xf32, #tpu.memory_space<vmem>>
      %dma_wait3A_381 = arith.constant 48 : i32
      %dma_wait3A_382 = tpu.memref_slice %arg6[%add3A_313, %dma_wait3A_381] : memref<125x80xi32, #tpu.memory_space<vmem>> -> memref<1x16xi32, #tpu.memory_space<vmem>>
      %dma_wait3A_383 = tpu.memref_squeeze %dma_wait3A_382 : memref<1x16xi32, #tpu.memory_space<vmem>> -> memref<16xi32, #tpu.memory_space<vmem>>
      %dma_wait3A_384 = arith.constant 0 : i32
      %dma_wait3A_385 = arith.constant 0 : i32
      %dma_wait3A_386 = tpu.memref_slice %arg2[%dma_wait3A_384, %dma_wait3A_385] : memref<10000x128xf32, #tpu.memory_space<hbm>> -> memref<10000x128xf32, #tpu.memory_space<hbm>>
      tpu.wait_indirect_dma semaphore(%arg18 : memref<!tpu.dma_semaphore, #tpu.memory_space<semaphore_mem>>) src(%dma_wait3A_386 : memref<10000x128xf32, #tpu.memory_space<hbm>>) dst(%dma_wait3A_380 : memref<16x128xf32, #tpu.memory_space<vmem>>)
      %dma_wait3A_387 = arith.constant 64 : i32
      %dma_wait3A_388 = arith.constant 0 : i32
      %dma_wait3A_389 = tpu.memref_slice %arg9[%dma_wait3A_387, %dma_wait3A_388] : memref<80x128xf32, #tpu.memory_space<vmem>> -> memref<16x128xf32, #tpu.memory_space<vmem>>
      %dma_wait3A_390 = arith.constant 64 : i32
      %dma_wait3A_391 = tpu.memref_slice %arg6[%add3A_313, %dma_wait3A_390] : memref<125x80xi32, #tpu.memory_space<vmem>> -> memref<1x16xi32, #tpu.memory_space<vmem>>
      %dma_wait3A_392 = tpu.memref_squeeze %dma_wait3A_391 : memref<1x16xi32, #tpu.memory_space<vmem>> -> memref<16xi32, #tpu.memory_space<vmem>>
      %dma_wait3A_393 = arith.constant 0 : i32
      %dma_wait3A_394 = arith.constant 0 : i32
      %dma_wait3A_395 = tpu.memref_slice %arg2[%dma_wait3A_393, %dma_wait3A_394] : memref<10000x128xf32, #tpu.memory_space<hbm>> -> memref<10000x128xf32, #tpu.memory_space<hbm>>
      tpu.wait_indirect_dma semaphore(%arg19 : memref<!tpu.dma_semaphore, #tpu.memory_space<semaphore_mem>>) src(%dma_wait3A_395 : memref<10000x128xf32, #tpu.memory_space<hbm>>) dst(%dma_wait3A_389 : memref<16x128xf32, #tpu.memory_space<vmem>>)
      %dma_wait3A_396 = arith.constant 0 : i32
      %dma_wait3A_397 = tpu.memref_slice %arg4[%add3A, %add3A_313, %dma_wait3A_396] : memref<32x125x80xi32, #tpu.memory_space<hbm>> -> memref<1x1x80xi32, #tpu.memory_space<hbm>>
      %dma_wait3A_398 = tpu.memref_squeeze %dma_wait3A_397 : memref<1x1x80xi32, #tpu.memory_space<hbm>> -> memref<1x80xi32, #tpu.memory_space<hbm>>
      %dma_wait3A_399 = arith.constant 0 : i32
      %dma_wait3A_400 = tpu.memref_slice %arg4[%add3A, %add3A_313, %dma_wait3A_399] : memref<32x125x80xi32, #tpu.memory_space<hbm>> -> memref<1x1x80xi32, #tpu.memory_space<hbm>>
      %dma_wait3A_401 = tpu.memref_squeeze %dma_wait3A_400 : memref<1x1x80xi32, #tpu.memory_space<hbm>> -> memref<1x80xi32, #tpu.memory_space<hbm>>
      tpu.wait_dma2 semaphore(%arg14 : memref<!tpu.dma_semaphore, #tpu.memory_space<semaphore_mem>>) src(%dma_wait3A_401 : memref<1x80xi32, #tpu.memory_space<hbm>>) dst(%arg7 : memref<1x80xi32, #tpu.memory_space<vmem>>)
      %run_scoped3A_402 = arith.constant 0 : i32
      "tpu.region"() ({
        %run_scoped3A_496 = tpu.sem_alloc : memref<!tpu.dma_semaphore, #tpu.memory_space<semaphore_mem>>
        %dma_start3A_497 = arith.constant 0 : i32
        %dma_start3A_498 = tpu.memref_slice %arg7[%run_scoped3A_402, %dma_start3A_497] : memref<1x80xi32, #tpu.memory_space<vmem>> -> memref<1x80xi32, #tpu.memory_space<vmem>>
        %dma_start3A_499 = tpu.memref_squeeze %dma_start3A_498 : memref<1x80xi32, #tpu.memory_space<vmem>> -> memref<80xi32, #tpu.memory_space<vmem>>
        %dma_start3A_500 = arith.constant 0 : i32
        %dma_start3A_501 = arith.constant 0 : i32
        %dma_start3A_502 = tpu.memref_slice %arg11[%dma_start3A_500, %dma_start3A_501] : memref<10000x128xf32, #tpu.memory_space<vmem_shared>> -> memref<10000x128xf32, #tpu.memory_space<vmem_shared>>
        tpu.enqueue_indirect_dma source(%arg9 : memref<80x128xf32, #tpu.memory_space<vmem>>) target(%dma_start3A_502 : memref<10000x128xf32, #tpu.memory_space<vmem_shared>>) offsets(%dma_start3A_499 : memref<80xi32, #tpu.memory_space<vmem>>) semaphore(%run_scoped3A_496 : memref<!tpu.dma_semaphore, #tpu.memory_space<semaphore_mem>>) {add = true}
        %dma_wait3A_503 = arith.constant 0 : i32
        %dma_wait3A_504 = tpu.memref_slice %arg7[%run_scoped3A_402, %dma_wait3A_503] : memref<1x80xi32, #tpu.memory_space<vmem>> -> memref<1x80xi32, #tpu.memory_space<vmem>>
        %dma_wait3A_505 = tpu.memref_squeeze %dma_wait3A_504 : memref<1x80xi32, #tpu.memory_space<vmem>> -> memref<80xi32, #tpu.memory_space<vmem>>
        %dma_wait3A_506 = arith.constant 0 : i32
        %dma_wait3A_507 = arith.constant 0 : i32
        %dma_wait3A_508 = tpu.memref_slice %arg11[%dma_wait3A_506, %dma_wait3A_507] : memref<10000x128xf32, #tpu.memory_space<vmem_shared>> -> memref<10000x128xf32, #tpu.memory_space<vmem_shared>>
        tpu.wait_indirect_dma semaphore(%run_scoped3A_496 : memref<!tpu.dma_semaphore, #tpu.memory_space<semaphore_mem>>) src(%arg9 : memref<80x128xf32, #tpu.memory_space<vmem>>) dst(%dma_wait3A_508 : memref<10000x128xf32, #tpu.memory_space<vmem_shared>>)
        tpu.yield
      }) : () -> ()
      %add3A_403 = arith.constant 2 : i32
      %add3A_404 = arith.addi %add3A_313, %add3A_403 : i32
      %dma_start3A_405 = arith.constant 0 : i32
      %dma_start3A_406 = tpu.memref_slice %arg4[%add3A, %add3A_404, %dma_start3A_405] : memref<32x125x80xi32, #tpu.memory_space<hbm>> -> memref<1x1x80xi32, #tpu.memory_space<hbm>>
      %dma_start3A_407 = tpu.memref_squeeze %dma_start3A_406 : memref<1x1x80xi32, #tpu.memory_space<hbm>> -> memref<1x80xi32, #tpu.memory_space<hbm>>
      %dma_start3A_408 = arith.constant 0 : i32
      %dma_start3A_409 = tpu.memref_slice %arg4[%add3A, %add3A_404, %dma_start3A_408] : memref<32x125x80xi32, #tpu.memory_space<hbm>> -> memref<1x1x80xi32, #tpu.memory_space<hbm>>
      %dma_start3A_410 = tpu.memref_squeeze %dma_start3A_409 : memref<1x1x80xi32, #tpu.memory_space<hbm>> -> memref<1x80xi32, #tpu.memory_space<hbm>>
      tpu.enqueue_dma source(%dma_start3A_410 : memref<1x80xi32, #tpu.memory_space<hbm>>) target(%arg7 : memref<1x80xi32, #tpu.memory_space<vmem>>) target_semaphore(%arg14 : memref<!tpu.dma_semaphore, #tpu.memory_space<semaphore_mem>>)
      %add3A_411 = arith.constant 2 : i32
      %add3A_412 = arith.addi %add3A_313, %add3A_411 : i32
      %dma_start3A_413 = arith.constant 0 : i32
      %dma_start3A_414 = arith.constant 0 : i32
      %dma_start3A_415 = tpu.memref_slice %arg9[%dma_start3A_413, %dma_start3A_414] : memref<80x128xf32, #tpu.memory_space<vmem>> -> memref<24x128xf32, #tpu.memory_space<vmem>>
      %dma_start3A_416 = arith.constant 0 : i32
      %dma_start3A_417 = tpu.memref_slice %arg6[%add3A_412, %dma_start3A_416] : memref<125x80xi32, #tpu.memory_space<vmem>> -> memref<1x24xi32, #tpu.memory_space<vmem>>
      %dma_start3A_418 = tpu.memref_squeeze %dma_start3A_417 : memref<1x24xi32, #tpu.memory_space<vmem>> -> memref<24xi32, #tpu.memory_space<vmem>>
      %dma_start3A_419 = arith.constant 0 : i32
      %dma_start3A_420 = arith.constant 0 : i32
      %dma_start3A_421 = tpu.memref_slice %arg2[%dma_start3A_419, %dma_start3A_420] : memref<10000x128xf32, #tpu.memory_space<hbm>> -> memref<10000x128xf32, #tpu.memory_space<hbm>>
      tpu.enqueue_indirect_dma source(%dma_start3A_421 : memref<10000x128xf32, #tpu.memory_space<hbm>>) target(%dma_start3A_415 : memref<24x128xf32, #tpu.memory_space<vmem>>) offsets(%dma_start3A_418 : memref<24xi32, #tpu.memory_space<vmem>>) semaphore(%arg12 : memref<!tpu.dma_semaphore, #tpu.memory_space<semaphore_mem>>)
      %dma_start3A_422 = arith.constant 24 : i32
      %dma_start3A_423 = arith.constant 0 : i32
      %dma_start3A_424 = tpu.memref_slice %arg9[%dma_start3A_422, %dma_start3A_423] : memref<80x128xf32, #tpu.memory_space<vmem>> -> memref<24x128xf32, #tpu.memory_space<vmem>>
      %dma_start3A_425 = arith.constant 24 : i32
      %dma_start3A_426 = tpu.memref_slice %arg6[%add3A_412, %dma_start3A_425] : memref<125x80xi32, #tpu.memory_space<vmem>> -> memref<1x24xi32, #tpu.memory_space<vmem>>
      %dma_start3A_427 = tpu.memref_squeeze %dma_start3A_426 : memref<1x24xi32, #tpu.memory_space<vmem>> -> memref<24xi32, #tpu.memory_space<vmem>>
      %dma_start3A_428 = arith.constant 0 : i32
      %dma_start3A_429 = arith.constant 0 : i32
      %dma_start3A_430 = tpu.memref_slice %arg2[%dma_start3A_428, %dma_start3A_429] : memref<10000x128xf32, #tpu.memory_space<hbm>> -> memref<10000x128xf32, #tpu.memory_space<hbm>>
      tpu.enqueue_indirect_dma source(%dma_start3A_430 : memref<10000x128xf32, #tpu.memory_space<hbm>>) target(%dma_start3A_424 : memref<24x128xf32, #tpu.memory_space<vmem>>) offsets(%dma_start3A_427 : memref<24xi32, #tpu.memory_space<vmem>>) semaphore(%arg16 : memref<!tpu.dma_semaphore, #tpu.memory_space<semaphore_mem>>)
      %dma_start3A_431 = arith.constant 48 : i32
      %dma_start3A_432 = arith.constant 0 : i32
      %dma_start3A_433 = tpu.memref_slice %arg9[%dma_start3A_431, %dma_start3A_432] : memref<80x128xf32, #tpu.memory_space<vmem>> -> memref<16x128xf32, #tpu.memory_space<vmem>>
      %dma_start3A_434 = arith.constant 48 : i32
      %dma_start3A_435 = tpu.memref_slice %arg6[%add3A_412, %dma_start3A_434] : memref<125x80xi32, #tpu.memory_space<vmem>> -> memref<1x16xi32, #tpu.memory_space<vmem>>
      %dma_start3A_436 = tpu.memref_squeeze %dma_start3A_435 : memref<1x16xi32, #tpu.memory_space<vmem>> -> memref<16xi32, #tpu.memory_space<vmem>>
      %dma_start3A_437 = arith.constant 0 : i32
      %dma_start3A_438 = arith.constant 0 : i32
      %dma_start3A_439 = tpu.memref_slice %arg2[%dma_start3A_437, %dma_start3A_438] : memref<10000x128xf32, #tpu.memory_space<hbm>> -> memref<10000x128xf32, #tpu.memory_space<hbm>>
      tpu.enqueue_indirect_dma source(%dma_start3A_439 : memref<10000x128xf32, #tpu.memory_space<hbm>>) target(%dma_start3A_433 : memref<16x128xf32, #tpu.memory_space<vmem>>) offsets(%dma_start3A_436 : memref<16xi32, #tpu.memory_space<vmem>>) semaphore(%arg18 : memref<!tpu.dma_semaphore, #tpu.memory_space<semaphore_mem>>)
      %dma_start3A_440 = arith.constant 64 : i32
      %dma_start3A_441 = arith.constant 0 : i32
      %dma_start3A_442 = tpu.memref_slice %arg9[%dma_start3A_440, %dma_start3A_441] : memref<80x128xf32, #tpu.memory_space<vmem>> -> memref<16x128xf32, #tpu.memory_space<vmem>>
      %dma_start3A_443 = arith.constant 64 : i32
      %dma_start3A_444 = tpu.memref_slice %arg6[%add3A_412, %dma_start3A_443] : memref<125x80xi32, #tpu.memory_space<vmem>> -> memref<1x16xi32, #tpu.memory_space<vmem>>
      %dma_start3A_445 = tpu.memref_squeeze %dma_start3A_444 : memref<1x16xi32, #tpu.memory_space<vmem>> -> memref<16xi32, #tpu.memory_space<vmem>>
      %dma_start3A_446 = arith.constant 0 : i32
      %dma_start3A_447 = arith.constant 0 : i32
      %dma_start3A_448 = tpu.memref_slice %arg2[%dma_start3A_446, %dma_start3A_447] : memref<10000x128xf32, #tpu.memory_space<hbm>> -> memref<10000x128xf32, #tpu.memory_space<hbm>>
      tpu.enqueue_indirect_dma source(%dma_start3A_448 : memref<10000x128xf32, #tpu.memory_space<hbm>>) target(%dma_start3A_442 : memref<16x128xf32, #tpu.memory_space<vmem>>) offsets(%dma_start3A_445 : memref<16xi32, #tpu.memory_space<vmem>>) semaphore(%arg19 : memref<!tpu.dma_semaphore, #tpu.memory_space<semaphore_mem>>)
      %add3A_449 = arith.constant 1 : i32
      %add3A_450 = arith.addi %add3A_313, %add3A_449 : i32
      %dma_wait3A_451 = arith.constant 0 : i32
      %dma_wait3A_452 = arith.constant 0 : i32
      %dma_wait3A_453 = tpu.memref_slice %arg10[%dma_wait3A_451, %dma_wait3A_452] : memref<80x128xf32, #tpu.memory_space<vmem>> -> memref<24x128xf32, #tpu.memory_space<vmem>>
      %dma_wait3A_454 = arith.constant 0 : i32
      %dma_wait3A_455 = tpu.memref_slice %arg6[%add3A_450, %dma_wait3A_454] : memref<125x80xi32, #tpu.memory_space<vmem>> -> memref<1x24xi32, #tpu.memory_space<vmem>>
      %dma_wait3A_456 = tpu.memref_squeeze %dma_wait3A_455 : memref<1x24xi32, #tpu.memory_space<vmem>> -> memref<24xi32, #tpu.memory_space<vmem>>
      %dma_wait3A_457 = arith.constant 0 : i32
      %dma_wait3A_458 = arith.constant 0 : i32
      %dma_wait3A_459 = tpu.memref_slice %arg2[%dma_wait3A_457, %dma_wait3A_458] : memref<10000x128xf32, #tpu.memory_space<hbm>> -> memref<10000x128xf32, #tpu.memory_space<hbm>>
      tpu.wait_indirect_dma semaphore(%arg13 : memref<!tpu.dma_semaphore, #tpu.memory_space<semaphore_mem>>) src(%dma_wait3A_459 : memref<10000x128xf32, #tpu.memory_space<hbm>>) dst(%dma_wait3A_453 : memref<24x128xf32, #tpu.memory_space<vmem>>)
      %dma_wait3A_460 = arith.constant 24 : i32
      %dma_wait3A_461 = arith.constant 0 : i32
      %dma_wait3A_462 = tpu.memref_slice %arg10[%dma_wait3A_460, %dma_wait3A_461] : memref<80x128xf32, #tpu.memory_space<vmem>> -> memref<24x128xf32, #tpu.memory_space<vmem>>
      %dma_wait3A_463 = arith.constant 24 : i32
      %dma_wait3A_464 = tpu.memref_slice %arg6[%add3A_450, %dma_wait3A_463] : memref<125x80xi32, #tpu.memory_space<vmem>> -> memref<1x24xi32, #tpu.memory_space<vmem>>
      %dma_wait3A_465 = tpu.memref_squeeze %dma_wait3A_464 : memref<1x24xi32, #tpu.memory_space<vmem>> -> memref<24xi32, #tpu.memory_space<vmem>>
      %dma_wait3A_466 = arith.constant 0 : i32
      %dma_wait3A_467 = arith.constant 0 : i32
      %dma_wait3A_468 = tpu.memref_slice %arg2[%dma_wait3A_466, %dma_wait3A_467] : memref<10000x128xf32, #tpu.memory_space<hbm>> -> memref<10000x128xf32, #tpu.memory_space<hbm>>
      tpu.wait_indirect_dma semaphore(%arg17 : memref<!tpu.dma_semaphore, #tpu.memory_space<semaphore_mem>>) src(%dma_wait3A_468 : memref<10000x128xf32, #tpu.memory_space<hbm>>) dst(%dma_wait3A_462 : memref<24x128xf32, #tpu.memory_space<vmem>>)
      %dma_wait3A_469 = arith.constant 48 : i32
      %dma_wait3A_470 = arith.constant 0 : i32
      %dma_wait3A_471 = tpu.memref_slice %arg10[%dma_wait3A_469, %dma_wait3A_470] : memref<80x128xf32, #tpu.memory_space<vmem>> -> memref<16x128xf32, #tpu.memory_space<vmem>>
      %dma_wait3A_472 = arith.constant 48 : i32
      %dma_wait3A_473 = tpu.memref_slice %arg6[%add3A_450, %dma_wait3A_472] : memref<125x80xi32, #tpu.memory_space<vmem>> -> memref<1x16xi32, #tpu.memory_space<vmem>>
      %dma_wait3A_474 = tpu.memref_squeeze %dma_wait3A_473 : memref<1x16xi32, #tpu.memory_space<vmem>> -> memref<16xi32, #tpu.memory_space<vmem>>
      %dma_wait3A_475 = arith.constant 0 : i32
      %dma_wait3A_476 = arith.constant 0 : i32
      %dma_wait3A_477 = tpu.memref_slice %arg2[%dma_wait3A_475, %dma_wait3A_476] : memref<10000x128xf32, #tpu.memory_space<hbm>> -> memref<10000x128xf32, #tpu.memory_space<hbm>>
      tpu.wait_indirect_dma semaphore(%arg20 : memref<!tpu.dma_semaphore, #tpu.memory_space<semaphore_mem>>) src(%dma_wait3A_477 : memref<10000x128xf32, #tpu.memory_space<hbm>>) dst(%dma_wait3A_471 : memref<16x128xf32, #tpu.memory_space<vmem>>)
      %dma_wait3A_478 = arith.constant 64 : i32
      %dma_wait3A_479 = arith.constant 0 : i32
      %dma_wait3A_480 = tpu.memref_slice %arg10[%dma_wait3A_478, %dma_wait3A_479] : memref<80x128xf32, #tpu.memory_space<vmem>> -> memref<16x128xf32, #tpu.memory_space<vmem>>
      %dma_wait3A_481 = arith.constant 64 : i32
      %dma_wait3A_482 = tpu.memref_slice %arg6[%add3A_450, %dma_wait3A_481] : memref<125x80xi32, #tpu.memory_space<vmem>> -> memref<1x16xi32, #tpu.memory_space<vmem>>
      %dma_wait3A_483 = tpu.memref_squeeze %dma_wait3A_482 : memref<1x16xi32, #tpu.memory_space<vmem>> -> memref<16xi32, #tpu.memory_space<vmem>>
      %dma_wait3A_484 = arith.constant 0 : i32
      %dma_wait3A_485 = arith.constant 0 : i32
      %dma_wait3A_486 = tpu.memref_slice %arg2[%dma_wait3A_484, %dma_wait3A_485] : memref<10000x128xf32, #tpu.memory_space<hbm>> -> memref<10000x128xf32, #tpu.memory_space<hbm>>
      tpu.wait_indirect_dma semaphore(%arg21 : memref<!tpu.dma_semaphore, #tpu.memory_space<semaphore_mem>>) src(%dma_wait3A_486 : memref<10000x128xf32, #tpu.memory_space<hbm>>) dst(%dma_wait3A_480 : memref<16x128xf32, #tpu.memory_space<vmem>>)
      %add3A_487 = arith.constant 1 : i32
      %add3A_488 = arith.addi %add3A_313, %add3A_487 : i32
      %dma_wait3A_489 = arith.constant 0 : i32
      %dma_wait3A_490 = tpu.memref_slice %arg4[%add3A, %add3A_488, %dma_wait3A_489] : memref<32x125x80xi32, #tpu.memory_space<hbm>> -> memref<1x1x80xi32, #tpu.memory_space<hbm>>
      %dma_wait3A_491 = tpu.memref_squeeze %dma_wait3A_490 : memref<1x1x80xi32, #tpu.memory_space<hbm>> -> memref<1x80xi32, #tpu.memory_space<hbm>>
      %dma_wait3A_492 = arith.constant 0 : i32
      %dma_wait3A_493 = tpu.memref_slice %arg4[%add3A, %add3A_488, %dma_wait3A_492] : memref<32x125x80xi32, #tpu.memory_space<hbm>> -> memref<1x1x80xi32, #tpu.memory_space<hbm>>
      %dma_wait3A_494 = tpu.memref_squeeze %dma_wait3A_493 : memref<1x1x80xi32, #tpu.memory_space<hbm>> -> memref<1x80xi32, #tpu.memory_space<hbm>>
      tpu.wait_dma2 semaphore(%arg15 : memref<!tpu.dma_semaphore, #tpu.memory_space<semaphore_mem>>) src(%dma_wait3A_494 : memref<1x80xi32, #tpu.memory_space<hbm>>) dst(%arg8 : memref<1x80xi32, #tpu.memory_space<vmem>>)
      %run_scoped3A_495 = arith.constant 0 : i32
      "tpu.region"() ({
        %run_scoped3A_496 = tpu.sem_alloc : memref<!tpu.dma_semaphore, #tpu.memory_space<semaphore_mem>>
        %dma_start3A_497 = arith.constant 0 : i32
        %dma_start3A_498 = tpu.memref_slice %arg8[%run_scoped3A_495, %dma_start3A_497] : memref<1x80xi32, #tpu.memory_space<vmem>> -> memref<1x80xi32, #tpu.memory_space<vmem>>
        %dma_start3A_499 = tpu.memref_squeeze %dma_start3A_498 : memref<1x80xi32, #tpu.memory_space<vmem>> -> memref<80xi32, #tpu.memory_space<vmem>>
        %dma_start3A_500 = arith.constant 0 : i32
        %dma_start3A_501 = arith.constant 0 : i32
        %dma_start3A_502 = tpu.memref_slice %arg11[%dma_start3A_500, %dma_start3A_501] : memref<10000x128xf32, #tpu.memory_space<vmem_shared>> -> memref<10000x128xf32, #tpu.memory_space<vmem_shared>>
        tpu.enqueue_indirect_dma source(%arg10 : memref<80x128xf32, #tpu.memory_space<vmem>>) target(%dma_start3A_502 : memref<10000x128xf32, #tpu.memory_space<vmem_shared>>) offsets(%dma_start3A_499 : memref<80xi32, #tpu.memory_space<vmem>>) semaphore(%run_scoped3A_496 : memref<!tpu.dma_semaphore, #tpu.memory_space<semaphore_mem>>) {add = true}
        %dma_wait3A_503 = arith.constant 0 : i32
        %dma_wait3A_504 = tpu.memref_slice %arg8[%run_scoped3A_495, %dma_wait3A_503] : memref<1x80xi32, #tpu.memory_space<vmem>> -> memref<1x80xi32, #tpu.memory_space<vmem>>
        %dma_wait3A_505 = tpu.memref_squeeze %dma_wait3A_504 : memref<1x80xi32, #tpu.memory_space<vmem>> -> memref<80xi32, #tpu.memory_space<vmem>>
        %dma_wait3A_506 = arith.constant 0 : i32
        %dma_wait3A_507 = arith.constant 0 : i32
        %dma_wait3A_508 = tpu.memref_slice %arg11[%dma_wait3A_506, %dma_wait3A_507] : memref<10000x128xf32, #tpu.memory_space<vmem_shared>> -> memref<10000x128xf32, #tpu.memory_space<vmem_shared>>
        tpu.wait_indirect_dma semaphore(%run_scoped3A_496 : memref<!tpu.dma_semaphore, #tpu.memory_space<semaphore_mem>>) src(%arg10 : memref<80x128xf32, #tpu.memory_space<vmem>>) dst(%dma_wait3A_508 : memref<10000x128xf32, #tpu.memory_space<vmem_shared>>)
        tpu.yield
      }) : () -> ()
    }
    %scan3A_62 = arith.constant 61 : i32
    %dma_start3A_63 = arith.constant 123 : i32
    %dma_start3A_64 = arith.constant 0 : i32
    %dma_start3A_65 = tpu.memref_slice %arg4[%add3A, %dma_start3A_63, %dma_start3A_64] : memref<32x125x80xi32, #tpu.memory_space<hbm>> -> memref<1x1x80xi32, #tpu.memory_space<hbm>>
    %dma_start3A_66 = tpu.memref_squeeze %dma_start3A_65 : memref<1x1x80xi32, #tpu.memory_space<hbm>> -> memref<1x80xi32, #tpu.memory_space<hbm>>
    %dma_start3A_67 = arith.constant 123 : i32
    %dma_start3A_68 = arith.constant 0 : i32
    %dma_start3A_69 = tpu.memref_slice %arg4[%add3A, %dma_start3A_67, %dma_start3A_68] : memref<32x125x80xi32, #tpu.memory_space<hbm>> -> memref<1x1x80xi32, #tpu.memory_space<hbm>>
    %dma_start3A_70 = tpu.memref_squeeze %dma_start3A_69 : memref<1x1x80xi32, #tpu.memory_space<hbm>> -> memref<1x80xi32, #tpu.memory_space<hbm>>
    tpu.enqueue_dma source(%dma_start3A_70 : memref<1x80xi32, #tpu.memory_space<hbm>>) target(%arg8 : memref<1x80xi32, #tpu.memory_space<vmem>>) target_semaphore(%arg15 : memref<!tpu.dma_semaphore, #tpu.memory_space<semaphore_mem>>)
    %dma_start3A_71 = arith.constant 123 : i32
    %dma_start3A_72 = arith.constant 0 : i32
    %dma_start3A_73 = arith.constant 0 : i32
    %dma_start3A_74 = tpu.memref_slice %arg10[%dma_start3A_72, %dma_start3A_73] : memref<80x128xf32, #tpu.memory_space<vmem>> -> memref<24x128xf32, #tpu.memory_space<vmem>>
    %dma_start3A_75 = arith.constant 0 : i32
    %dma_start3A_76 = tpu.memref_slice %arg6[%dma_start3A_71, %dma_start3A_75] : memref<125x80xi32, #tpu.memory_space<vmem>> -> memref<1x24xi32, #tpu.memory_space<vmem>>
    %dma_start3A_77 = tpu.memref_squeeze %dma_start3A_76 : memref<1x24xi32, #tpu.memory_space<vmem>> -> memref<24xi32, #tpu.memory_space<vmem>>
    %dma_start3A_78 = arith.constant 0 : i32
    %dma_start3A_79 = arith.constant 0 : i32
    %dma_start3A_80 = tpu.memref_slice %arg2[%dma_start3A_78, %dma_start3A_79] : memref<10000x128xf32, #tpu.memory_space<hbm>> -> memref<10000x128xf32, #tpu.memory_space<hbm>>
    tpu.enqueue_indirect_dma source(%dma_start3A_80 : memref<10000x128xf32, #tpu.memory_space<hbm>>) target(%dma_start3A_74 : memref<24x128xf32, #tpu.memory_space<vmem>>) offsets(%dma_start3A_77 : memref<24xi32, #tpu.memory_space<vmem>>) semaphore(%arg13 : memref<!tpu.dma_semaphore, #tpu.memory_space<semaphore_mem>>)
    %dma_start3A_81 = arith.constant 123 : i32
    %dma_start3A_82 = arith.constant 24 : i32
    %dma_start3A_83 = arith.constant 0 : i32
    %dma_start3A_84 = tpu.memref_slice %arg10[%dma_start3A_82, %dma_start3A_83] : memref<80x128xf32, #tpu.memory_space<vmem>> -> memref<24x128xf32, #tpu.memory_space<vmem>>
    %dma_start3A_85 = arith.constant 24 : i32
    %dma_start3A_86 = tpu.memref_slice %arg6[%dma_start3A_81, %dma_start3A_85] : memref<125x80xi32, #tpu.memory_space<vmem>> -> memref<1x24xi32, #tpu.memory_space<vmem>>
    %dma_start3A_87 = tpu.memref_squeeze %dma_start3A_86 : memref<1x24xi32, #tpu.memory_space<vmem>> -> memref<24xi32, #tpu.memory_space<vmem>>
    %dma_start3A_88 = arith.constant 0 : i32
    %dma_start3A_89 = arith.constant 0 : i32
    %dma_start3A_90 = tpu.memref_slice %arg2[%dma_start3A_88, %dma_start3A_89] : memref<10000x128xf32, #tpu.memory_space<hbm>> -> memref<10000x128xf32, #tpu.memory_space<hbm>>
    tpu.enqueue_indirect_dma source(%dma_start3A_90 : memref<10000x128xf32, #tpu.memory_space<hbm>>) target(%dma_start3A_84 : memref<24x128xf32, #tpu.memory_space<vmem>>) offsets(%dma_start3A_87 : memref<24xi32, #tpu.memory_space<vmem>>) semaphore(%arg17 : memref<!tpu.dma_semaphore, #tpu.memory_space<semaphore_mem>>)
    %dma_start3A_91 = arith.constant 123 : i32
    %dma_start3A_92 = arith.constant 48 : i32
    %dma_start3A_93 = arith.constant 0 : i32
    %dma_start3A_94 = tpu.memref_slice %arg10[%dma_start3A_92, %dma_start3A_93] : memref<80x128xf32, #tpu.memory_space<vmem>> -> memref<16x128xf32, #tpu.memory_space<vmem>>
    %dma_start3A_95 = arith.constant 48 : i32
    %dma_start3A_96 = tpu.memref_slice %arg6[%dma_start3A_91, %dma_start3A_95] : memref<125x80xi32, #tpu.memory_space<vmem>> -> memref<1x16xi32, #tpu.memory_space<vmem>>
    %dma_start3A_97 = tpu.memref_squeeze %dma_start3A_96 : memref<1x16xi32, #tpu.memory_space<vmem>> -> memref<16xi32, #tpu.memory_space<vmem>>
    %dma_start3A_98 = arith.constant 0 : i32
    %dma_start3A_99 = arith.constant 0 : i32
    %dma_start3A_100 = tpu.memref_slice %arg2[%dma_start3A_98, %dma_start3A_99] : memref<10000x128xf32, #tpu.memory_space<hbm>> -> memref<10000x128xf32, #tpu.memory_space<hbm>>
    tpu.enqueue_indirect_dma source(%dma_start3A_100 : memref<10000x128xf32, #tpu.memory_space<hbm>>) target(%dma_start3A_94 : memref<16x128xf32, #tpu.memory_space<vmem>>) offsets(%dma_start3A_97 : memref<16xi32, #tpu.memory_space<vmem>>) semaphore(%arg20 : memref<!tpu.dma_semaphore, #tpu.memory_space<semaphore_mem>>)
    %dma_start3A_101 = arith.constant 123 : i32
    %dma_start3A_102 = arith.constant 64 : i32
    %dma_start3A_103 = arith.constant 0 : i32
    %dma_start3A_104 = tpu.memref_slice %arg10[%dma_start3A_102, %dma_start3A_103] : memref<80x128xf32, #tpu.memory_space<vmem>> -> memref<16x128xf32, #tpu.memory_space<vmem>>
    %dma_start3A_105 = arith.constant 64 : i32
    %dma_start3A_106 = tpu.memref_slice %arg6[%dma_start3A_101, %dma_start3A_105] : memref<125x80xi32, #tpu.memory_space<vmem>> -> memref<1x16xi32, #tpu.memory_space<vmem>>
    %dma_start3A_107 = tpu.memref_squeeze %dma_start3A_106 : memref<1x16xi32, #tpu.memory_space<vmem>> -> memref<16xi32, #tpu.memory_space<vmem>>
    %dma_start3A_108 = arith.constant 0 : i32
    %dma_start3A_109 = arith.constant 0 : i32
    %dma_start3A_110 = tpu.memref_slice %arg2[%dma_start3A_108, %dma_start3A_109] : memref<10000x128xf32, #tpu.memory_space<hbm>> -> memref<10000x128xf32, #tpu.memory_space<hbm>>
    tpu.enqueue_indirect_dma source(%dma_start3A_110 : memref<10000x128xf32, #tpu.memory_space<hbm>>) target(%dma_start3A_104 : memref<16x128xf32, #tpu.memory_space<vmem>>) offsets(%dma_start3A_107 : memref<16xi32, #tpu.memory_space<vmem>>) semaphore(%arg21 : memref<!tpu.dma_semaphore, #tpu.memory_space<semaphore_mem>>)
    %dma_wait3A = arith.constant 122 : i32
    %dma_wait3A_111 = arith.constant 0 : i32
    %dma_wait3A_112 = arith.constant 0 : i32
    %dma_wait3A_113 = tpu.memref_slice %arg9[%dma_wait3A_111, %dma_wait3A_112] : memref<80x128xf32, #tpu.memory_space<vmem>> -> memref<24x128xf32, #tpu.memory_space<vmem>>
    %dma_wait3A_114 = arith.constant 0 : i32
    %dma_wait3A_115 = tpu.memref_slice %arg6[%dma_wait3A, %dma_wait3A_114] : memref<125x80xi32, #tpu.memory_space<vmem>> -> memref<1x24xi32, #tpu.memory_space<vmem>>
    %dma_wait3A_116 = tpu.memref_squeeze %dma_wait3A_115 : memref<1x24xi32, #tpu.memory_space<vmem>> -> memref<24xi32, #tpu.memory_space<vmem>>
    %dma_wait3A_117 = arith.constant 0 : i32
    %dma_wait3A_118 = arith.constant 0 : i32
    %dma_wait3A_119 = tpu.memref_slice %arg2[%dma_wait3A_117, %dma_wait3A_118] : memref<10000x128xf32, #tpu.memory_space<hbm>> -> memref<10000x128xf32, #tpu.memory_space<hbm>>
    tpu.wait_indirect_dma semaphore(%arg12 : memref<!tpu.dma_semaphore, #tpu.memory_space<semaphore_mem>>) src(%dma_wait3A_119 : memref<10000x128xf32, #tpu.memory_space<hbm>>) dst(%dma_wait3A_113 : memref<24x128xf32, #tpu.memory_space<vmem>>)
    %dma_wait3A_120 = arith.constant 122 : i32
    %dma_wait3A_121 = arith.constant 24 : i32
    %dma_wait3A_122 = arith.constant 0 : i32
    %dma_wait3A_123 = tpu.memref_slice %arg9[%dma_wait3A_121, %dma_wait3A_122] : memref<80x128xf32, #tpu.memory_space<vmem>> -> memref<24x128xf32, #tpu.memory_space<vmem>>
    %dma_wait3A_124 = arith.constant 24 : i32
    %dma_wait3A_125 = tpu.memref_slice %arg6[%dma_wait3A_120, %dma_wait3A_124] : memref<125x80xi32, #tpu.memory_space<vmem>> -> memref<1x24xi32, #tpu.memory_space<vmem>>
    %dma_wait3A_126 = tpu.memref_squeeze %dma_wait3A_125 : memref<1x24xi32, #tpu.memory_space<vmem>> -> memref<24xi32, #tpu.memory_space<vmem>>
    %dma_wait3A_127 = arith.constant 0 : i32
    %dma_wait3A_128 = arith.constant 0 : i32
    %dma_wait3A_129 = tpu.memref_slice %arg2[%dma_wait3A_127, %dma_wait3A_128] : memref<10000x128xf32, #tpu.memory_space<hbm>> -> memref<10000x128xf32, #tpu.memory_space<hbm>>
    tpu.wait_indirect_dma semaphore(%arg16 : memref<!tpu.dma_semaphore, #tpu.memory_space<semaphore_mem>>) src(%dma_wait3A_129 : memref<10000x128xf32, #tpu.memory_space<hbm>>) dst(%dma_wait3A_123 : memref<24x128xf32, #tpu.memory_space<vmem>>)
    %dma_wait3A_130 = arith.constant 122 : i32
    %dma_wait3A_131 = arith.constant 48 : i32
    %dma_wait3A_132 = arith.constant 0 : i32
    %dma_wait3A_133 = tpu.memref_slice %arg9[%dma_wait3A_131, %dma_wait3A_132] : memref<80x128xf32, #tpu.memory_space<vmem>> -> memref<16x128xf32, #tpu.memory_space<vmem>>
    %dma_wait3A_134 = arith.constant 48 : i32
    %dma_wait3A_135 = tpu.memref_slice %arg6[%dma_wait3A_130, %dma_wait3A_134] : memref<125x80xi32, #tpu.memory_space<vmem>> -> memref<1x16xi32, #tpu.memory_space<vmem>>
    %dma_wait3A_136 = tpu.memref_squeeze %dma_wait3A_135 : memref<1x16xi32, #tpu.memory_space<vmem>> -> memref<16xi32, #tpu.memory_space<vmem>>
    %dma_wait3A_137 = arith.constant 0 : i32
    %dma_wait3A_138 = arith.constant 0 : i32
    %dma_wait3A_139 = tpu.memref_slice %arg2[%dma_wait3A_137, %dma_wait3A_138] : memref<10000x128xf32, #tpu.memory_space<hbm>> -> memref<10000x128xf32, #tpu.memory_space<hbm>>
    tpu.wait_indirect_dma semaphore(%arg18 : memref<!tpu.dma_semaphore, #tpu.memory_space<semaphore_mem>>) src(%dma_wait3A_139 : memref<10000x128xf32, #tpu.memory_space<hbm>>) dst(%dma_wait3A_133 : memref<16x128xf32, #tpu.memory_space<vmem>>)
    %dma_wait3A_140 = arith.constant 122 : i32
    %dma_wait3A_141 = arith.constant 64 : i32
    %dma_wait3A_142 = arith.constant 0 : i32
    %dma_wait3A_143 = tpu.memref_slice %arg9[%dma_wait3A_141, %dma_wait3A_142] : memref<80x128xf32, #tpu.memory_space<vmem>> -> memref<16x128xf32, #tpu.memory_space<vmem>>
    %dma_wait3A_144 = arith.constant 64 : i32
    %dma_wait3A_145 = tpu.memref_slice %arg6[%dma_wait3A_140, %dma_wait3A_144] : memref<125x80xi32, #tpu.memory_space<vmem>> -> memref<1x16xi32, #tpu.memory_space<vmem>>
    %dma_wait3A_146 = tpu.memref_squeeze %dma_wait3A_145 : memref<1x16xi32, #tpu.memory_space<vmem>> -> memref<16xi32, #tpu.memory_space<vmem>>
    %dma_wait3A_147 = arith.constant 0 : i32
    %dma_wait3A_148 = arith.constant 0 : i32
    %dma_wait3A_149 = tpu.memref_slice %arg2[%dma_wait3A_147, %dma_wait3A_148] : memref<10000x128xf32, #tpu.memory_space<hbm>> -> memref<10000x128xf32, #tpu.memory_space<hbm>>
    tpu.wait_indirect_dma semaphore(%arg19 : memref<!tpu.dma_semaphore, #tpu.memory_space<semaphore_mem>>) src(%dma_wait3A_149 : memref<10000x128xf32, #tpu.memory_space<hbm>>) dst(%dma_wait3A_143 : memref<16x128xf32, #tpu.memory_space<vmem>>)
    %dma_wait3A_150 = arith.constant 122 : i32
    %dma_wait3A_151 = arith.constant 0 : i32
    %dma_wait3A_152 = tpu.memref_slice %arg4[%add3A, %dma_wait3A_150, %dma_wait3A_151] : memref<32x125x80xi32, #tpu.memory_space<hbm>> -> memref<1x1x80xi32, #tpu.memory_space<hbm>>
    %dma_wait3A_153 = tpu.memref_squeeze %dma_wait3A_152 : memref<1x1x80xi32, #tpu.memory_space<hbm>> -> memref<1x80xi32, #tpu.memory_space<hbm>>
    %dma_wait3A_154 = arith.constant 122 : i32
    %dma_wait3A_155 = arith.constant 0 : i32
    %dma_wait3A_156 = tpu.memref_slice %arg4[%add3A, %dma_wait3A_154, %dma_wait3A_155] : memref<32x125x80xi32, #tpu.memory_space<hbm>> -> memref<1x1x80xi32, #tpu.memory_space<hbm>>
    %dma_wait3A_157 = tpu.memref_squeeze %dma_wait3A_156 : memref<1x1x80xi32, #tpu.memory_space<hbm>> -> memref<1x80xi32, #tpu.memory_space<hbm>>
    tpu.wait_dma2 semaphore(%arg14 : memref<!tpu.dma_semaphore, #tpu.memory_space<semaphore_mem>>) src(%dma_wait3A_157 : memref<1x80xi32, #tpu.memory_space<hbm>>) dst(%arg7 : memref<1x80xi32, #tpu.memory_space<vmem>>)
    %run_scoped3A = arith.constant 0 : i32
    "tpu.region"() ({
      %run_scoped3A_309 = tpu.sem_alloc : memref<!tpu.dma_semaphore, #tpu.memory_space<semaphore_mem>>
      %dma_start3A_310 = arith.constant 0 : i32
      %dma_start3A_311 = tpu.memref_slice %arg7[%run_scoped3A, %dma_start3A_310] : memref<1x80xi32, #tpu.memory_space<vmem>> -> memref<1x80xi32, #tpu.memory_space<vmem>>
      %dma_start3A_312 = tpu.memref_squeeze %dma_start3A_311 : memref<1x80xi32, #tpu.memory_space<vmem>> -> memref<80xi32, #tpu.memory_space<vmem>>
      %dma_start3A_313 = arith.constant 0 : i32
      %dma_start3A_314 = arith.constant 0 : i32
      %dma_start3A_315 = tpu.memref_slice %arg11[%dma_start3A_313, %dma_start3A_314] : memref<10000x128xf32, #tpu.memory_space<vmem_shared>> -> memref<10000x128xf32, #tpu.memory_space<vmem_shared>>
      tpu.enqueue_indirect_dma source(%arg9 : memref<80x128xf32, #tpu.memory_space<vmem>>) target(%dma_start3A_315 : memref<10000x128xf32, #tpu.memory_space<vmem_shared>>) offsets(%dma_start3A_312 : memref<80xi32, #tpu.memory_space<vmem>>) semaphore(%run_scoped3A_309 : memref<!tpu.dma_semaphore, #tpu.memory_space<semaphore_mem>>) {add = true}
      %dma_wait3A_316 = arith.constant 0 : i32
      %dma_wait3A_317 = tpu.memref_slice %arg7[%run_scoped3A, %dma_wait3A_316] : memref<1x80xi32, #tpu.memory_space<vmem>> -> memref<1x80xi32, #tpu.memory_space<vmem>>
      %dma_wait3A_318 = tpu.memref_squeeze %dma_wait3A_317 : memref<1x80xi32, #tpu.memory_space<vmem>> -> memref<80xi32, #tpu.memory_space<vmem>>
      %dma_wait3A_319 = arith.constant 0 : i32
      %dma_wait3A_320 = arith.constant 0 : i32
      %dma_wait3A_321 = tpu.memref_slice %arg11[%dma_wait3A_319, %dma_wait3A_320] : memref<10000x128xf32, #tpu.memory_space<vmem_shared>> -> memref<10000x128xf32, #tpu.memory_space<vmem_shared>>
      tpu.wait_indirect_dma semaphore(%run_scoped3A_309 : memref<!tpu.dma_semaphore, #tpu.memory_space<semaphore_mem>>) src(%arg9 : memref<80x128xf32, #tpu.memory_space<vmem>>) dst(%dma_wait3A_321 : memref<10000x128xf32, #tpu.memory_space<vmem_shared>>)
      tpu.yield
    }) : () -> ()
    %dma_start3A_158 = arith.constant 124 : i32
    %dma_start3A_159 = arith.constant 0 : i32
    %dma_start3A_160 = tpu.memref_slice %arg4[%add3A, %dma_start3A_158, %dma_start3A_159] : memref<32x125x80xi32, #tpu.memory_space<hbm>> -> memref<1x1x80xi32, #tpu.memory_space<hbm>>
    %dma_start3A_161 = tpu.memref_squeeze %dma_start3A_160 : memref<1x1x80xi32, #tpu.memory_space<hbm>> -> memref<1x80xi32, #tpu.memory_space<hbm>>
    %dma_start3A_162 = arith.constant 124 : i32
    %dma_start3A_163 = arith.constant 0 : i32
    %dma_start3A_164 = tpu.memref_slice %arg4[%add3A, %dma_start3A_162, %dma_start3A_163] : memref<32x125x80xi32, #tpu.memory_space<hbm>> -> memref<1x1x80xi32, #tpu.memory_space<hbm>>
    %dma_start3A_165 = tpu.memref_squeeze %dma_start3A_164 : memref<1x1x80xi32, #tpu.memory_space<hbm>> -> memref<1x80xi32, #tpu.memory_space<hbm>>
    tpu.enqueue_dma source(%dma_start3A_165 : memref<1x80xi32, #tpu.memory_space<hbm>>) target(%arg7 : memref<1x80xi32, #tpu.memory_space<vmem>>) target_semaphore(%arg14 : memref<!tpu.dma_semaphore, #tpu.memory_space<semaphore_mem>>)
    %dma_start3A_166 = arith.constant 124 : i32
    %dma_start3A_167 = arith.constant 0 : i32
    %dma_start3A_168 = arith.constant 0 : i32
    %dma_start3A_169 = tpu.memref_slice %arg9[%dma_start3A_167, %dma_start3A_168] : memref<80x128xf32, #tpu.memory_space<vmem>> -> memref<24x128xf32, #tpu.memory_space<vmem>>
    %dma_start3A_170 = arith.constant 0 : i32
    %dma_start3A_171 = tpu.memref_slice %arg6[%dma_start3A_166, %dma_start3A_170] : memref<125x80xi32, #tpu.memory_space<vmem>> -> memref<1x24xi32, #tpu.memory_space<vmem>>
    %dma_start3A_172 = tpu.memref_squeeze %dma_start3A_171 : memref<1x24xi32, #tpu.memory_space<vmem>> -> memref<24xi32, #tpu.memory_space<vmem>>
    %dma_start3A_173 = arith.constant 0 : i32
    %dma_start3A_174 = arith.constant 0 : i32
    %dma_start3A_175 = tpu.memref_slice %arg2[%dma_start3A_173, %dma_start3A_174] : memref<10000x128xf32, #tpu.memory_space<hbm>> -> memref<10000x128xf32, #tpu.memory_space<hbm>>
    tpu.enqueue_indirect_dma source(%dma_start3A_175 : memref<10000x128xf32, #tpu.memory_space<hbm>>) target(%dma_start3A_169 : memref<24x128xf32, #tpu.memory_space<vmem>>) offsets(%dma_start3A_172 : memref<24xi32, #tpu.memory_space<vmem>>) semaphore(%arg12 : memref<!tpu.dma_semaphore, #tpu.memory_space<semaphore_mem>>)
    %dma_start3A_176 = arith.constant 124 : i32
    %dma_start3A_177 = arith.constant 24 : i32
    %dma_start3A_178 = arith.constant 0 : i32
    %dma_start3A_179 = tpu.memref_slice %arg9[%dma_start3A_177, %dma_start3A_178] : memref<80x128xf32, #tpu.memory_space<vmem>> -> memref<24x128xf32, #tpu.memory_space<vmem>>
    %dma_start3A_180 = arith.constant 24 : i32
    %dma_start3A_181 = tpu.memref_slice %arg6[%dma_start3A_176, %dma_start3A_180] : memref<125x80xi32, #tpu.memory_space<vmem>> -> memref<1x24xi32, #tpu.memory_space<vmem>>
    %dma_start3A_182 = tpu.memref_squeeze %dma_start3A_181 : memref<1x24xi32, #tpu.memory_space<vmem>> -> memref<24xi32, #tpu.memory_space<vmem>>
    %dma_start3A_183 = arith.constant 0 : i32
    %dma_start3A_184 = arith.constant 0 : i32
    %dma_start3A_185 = tpu.memref_slice %arg2[%dma_start3A_183, %dma_start3A_184] : memref<10000x128xf32, #tpu.memory_space<hbm>> -> memref<10000x128xf32, #tpu.memory_space<hbm>>
    tpu.enqueue_indirect_dma source(%dma_start3A_185 : memref<10000x128xf32, #tpu.memory_space<hbm>>) target(%dma_start3A_179 : memref<24x128xf32, #tpu.memory_space<vmem>>) offsets(%dma_start3A_182 : memref<24xi32, #tpu.memory_space<vmem>>) semaphore(%arg16 : memref<!tpu.dma_semaphore, #tpu.memory_space<semaphore_mem>>)
    %dma_start3A_186 = arith.constant 124 : i32
    %dma_start3A_187 = arith.constant 48 : i32
    %dma_start3A_188 = arith.constant 0 : i32
    %dma_start3A_189 = tpu.memref_slice %arg9[%dma_start3A_187, %dma_start3A_188] : memref<80x128xf32, #tpu.memory_space<vmem>> -> memref<16x128xf32, #tpu.memory_space<vmem>>
    %dma_start3A_190 = arith.constant 48 : i32
    %dma_start3A_191 = tpu.memref_slice %arg6[%dma_start3A_186, %dma_start3A_190] : memref<125x80xi32, #tpu.memory_space<vmem>> -> memref<1x16xi32, #tpu.memory_space<vmem>>
    %dma_start3A_192 = tpu.memref_squeeze %dma_start3A_191 : memref<1x16xi32, #tpu.memory_space<vmem>> -> memref<16xi32, #tpu.memory_space<vmem>>
    %dma_start3A_193 = arith.constant 0 : i32
    %dma_start3A_194 = arith.constant 0 : i32
    %dma_start3A_195 = tpu.memref_slice %arg2[%dma_start3A_193, %dma_start3A_194] : memref<10000x128xf32, #tpu.memory_space<hbm>> -> memref<10000x128xf32, #tpu.memory_space<hbm>>
    tpu.enqueue_indirect_dma source(%dma_start3A_195 : memref<10000x128xf32, #tpu.memory_space<hbm>>) target(%dma_start3A_189 : memref<16x128xf32, #tpu.memory_space<vmem>>) offsets(%dma_start3A_192 : memref<16xi32, #tpu.memory_space<vmem>>) semaphore(%arg18 : memref<!tpu.dma_semaphore, #tpu.memory_space<semaphore_mem>>)
    %dma_start3A_196 = arith.constant 124 : i32
    %dma_start3A_197 = arith.constant 64 : i32
    %dma_start3A_198 = arith.constant 0 : i32
    %dma_start3A_199 = tpu.memref_slice %arg9[%dma_start3A_197, %dma_start3A_198] : memref<80x128xf32, #tpu.memory_space<vmem>> -> memref<16x128xf32, #tpu.memory_space<vmem>>
    %dma_start3A_200 = arith.constant 64 : i32
    %dma_start3A_201 = tpu.memref_slice %arg6[%dma_start3A_196, %dma_start3A_200] : memref<125x80xi32, #tpu.memory_space<vmem>> -> memref<1x16xi32, #tpu.memory_space<vmem>>
    %dma_start3A_202 = tpu.memref_squeeze %dma_start3A_201 : memref<1x16xi32, #tpu.memory_space<vmem>> -> memref<16xi32, #tpu.memory_space<vmem>>
    %dma_start3A_203 = arith.constant 0 : i32
    %dma_start3A_204 = arith.constant 0 : i32
    %dma_start3A_205 = tpu.memref_slice %arg2[%dma_start3A_203, %dma_start3A_204] : memref<10000x128xf32, #tpu.memory_space<hbm>> -> memref<10000x128xf32, #tpu.memory_space<hbm>>
    tpu.enqueue_indirect_dma source(%dma_start3A_205 : memref<10000x128xf32, #tpu.memory_space<hbm>>) target(%dma_start3A_199 : memref<16x128xf32, #tpu.memory_space<vmem>>) offsets(%dma_start3A_202 : memref<16xi32, #tpu.memory_space<vmem>>) semaphore(%arg19 : memref<!tpu.dma_semaphore, #tpu.memory_space<semaphore_mem>>)
    %dma_wait3A_206 = arith.constant 123 : i32
    %dma_wait3A_207 = arith.constant 0 : i32
    %dma_wait3A_208 = arith.constant 0 : i32
    %dma_wait3A_209 = tpu.memref_slice %arg10[%dma_wait3A_207, %dma_wait3A_208] : memref<80x128xf32, #tpu.memory_space<vmem>> -> memref<24x128xf32, #tpu.memory_space<vmem>>
    %dma_wait3A_210 = arith.constant 0 : i32
    %dma_wait3A_211 = tpu.memref_slice %arg6[%dma_wait3A_206, %dma_wait3A_210] : memref<125x80xi32, #tpu.memory_space<vmem>> -> memref<1x24xi32, #tpu.memory_space<vmem>>
    %dma_wait3A_212 = tpu.memref_squeeze %dma_wait3A_211 : memref<1x24xi32, #tpu.memory_space<vmem>> -> memref<24xi32, #tpu.memory_space<vmem>>
    %dma_wait3A_213 = arith.constant 0 : i32
    %dma_wait3A_214 = arith.constant 0 : i32
    %dma_wait3A_215 = tpu.memref_slice %arg2[%dma_wait3A_213, %dma_wait3A_214] : memref<10000x128xf32, #tpu.memory_space<hbm>> -> memref<10000x128xf32, #tpu.memory_space<hbm>>
    tpu.wait_indirect_dma semaphore(%arg13 : memref<!tpu.dma_semaphore, #tpu.memory_space<semaphore_mem>>) src(%dma_wait3A_215 : memref<10000x128xf32, #tpu.memory_space<hbm>>) dst(%dma_wait3A_209 : memref<24x128xf32, #tpu.memory_space<vmem>>)
    %dma_wait3A_216 = arith.constant 123 : i32
    %dma_wait3A_217 = arith.constant 24 : i32
    %dma_wait3A_218 = arith.constant 0 : i32
    %dma_wait3A_219 = tpu.memref_slice %arg10[%dma_wait3A_217, %dma_wait3A_218] : memref<80x128xf32, #tpu.memory_space<vmem>> -> memref<24x128xf32, #tpu.memory_space<vmem>>
    %dma_wait3A_220 = arith.constant 24 : i32
    %dma_wait3A_221 = tpu.memref_slice %arg6[%dma_wait3A_216, %dma_wait3A_220] : memref<125x80xi32, #tpu.memory_space<vmem>> -> memref<1x24xi32, #tpu.memory_space<vmem>>
    %dma_wait3A_222 = tpu.memref_squeeze %dma_wait3A_221 : memref<1x24xi32, #tpu.memory_space<vmem>> -> memref<24xi32, #tpu.memory_space<vmem>>
    %dma_wait3A_223 = arith.constant 0 : i32
    %dma_wait3A_224 = arith.constant 0 : i32
    %dma_wait3A_225 = tpu.memref_slice %arg2[%dma_wait3A_223, %dma_wait3A_224] : memref<10000x128xf32, #tpu.memory_space<hbm>> -> memref<10000x128xf32, #tpu.memory_space<hbm>>
    tpu.wait_indirect_dma semaphore(%arg17 : memref<!tpu.dma_semaphore, #tpu.memory_space<semaphore_mem>>) src(%dma_wait3A_225 : memref<10000x128xf32, #tpu.memory_space<hbm>>) dst(%dma_wait3A_219 : memref<24x128xf32, #tpu.memory_space<vmem>>)
    %dma_wait3A_226 = arith.constant 123 : i32
    %dma_wait3A_227 = arith.constant 48 : i32
    %dma_wait3A_228 = arith.constant 0 : i32
    %dma_wait3A_229 = tpu.memref_slice %arg10[%dma_wait3A_227, %dma_wait3A_228] : memref<80x128xf32, #tpu.memory_space<vmem>> -> memref<16x128xf32, #tpu.memory_space<vmem>>
    %dma_wait3A_230 = arith.constant 48 : i32
    %dma_wait3A_231 = tpu.memref_slice %arg6[%dma_wait3A_226, %dma_wait3A_230] : memref<125x80xi32, #tpu.memory_space<vmem>> -> memref<1x16xi32, #tpu.memory_space<vmem>>
    %dma_wait3A_232 = tpu.memref_squeeze %dma_wait3A_231 : memref<1x16xi32, #tpu.memory_space<vmem>> -> memref<16xi32, #tpu.memory_space<vmem>>
    %dma_wait3A_233 = arith.constant 0 : i32
    %dma_wait3A_234 = arith.constant 0 : i32
    %dma_wait3A_235 = tpu.memref_slice %arg2[%dma_wait3A_233, %dma_wait3A_234] : memref<10000x128xf32, #tpu.memory_space<hbm>> -> memref<10000x128xf32, #tpu.memory_space<hbm>>
    tpu.wait_indirect_dma semaphore(%arg20 : memref<!tpu.dma_semaphore, #tpu.memory_space<semaphore_mem>>) src(%dma_wait3A_235 : memref<10000x128xf32, #tpu.memory_space<hbm>>) dst(%dma_wait3A_229 : memref<16x128xf32, #tpu.memory_space<vmem>>)
    %dma_wait3A_236 = arith.constant 123 : i32
    %dma_wait3A_237 = arith.constant 64 : i32
    %dma_wait3A_238 = arith.constant 0 : i32
    %dma_wait3A_239 = tpu.memref_slice %arg10[%dma_wait3A_237, %dma_wait3A_238] : memref<80x128xf32, #tpu.memory_space<vmem>> -> memref<16x128xf32, #tpu.memory_space<vmem>>
    %dma_wait3A_240 = arith.constant 64 : i32
    %dma_wait3A_241 = tpu.memref_slice %arg6[%dma_wait3A_236, %dma_wait3A_240] : memref<125x80xi32, #tpu.memory_space<vmem>> -> memref<1x16xi32, #tpu.memory_space<vmem>>
    %dma_wait3A_242 = tpu.memref_squeeze %dma_wait3A_241 : memref<1x16xi32, #tpu.memory_space<vmem>> -> memref<16xi32, #tpu.memory_space<vmem>>
    %dma_wait3A_243 = arith.constant 0 : i32
    %dma_wait3A_244 = arith.constant 0 : i32
    %dma_wait3A_245 = tpu.memref_slice %arg2[%dma_wait3A_243, %dma_wait3A_244] : memref<10000x128xf32, #tpu.memory_space<hbm>> -> memref<10000x128xf32, #tpu.memory_space<hbm>>
    tpu.wait_indirect_dma semaphore(%arg21 : memref<!tpu.dma_semaphore, #tpu.memory_space<semaphore_mem>>) src(%dma_wait3A_245 : memref<10000x128xf32, #tpu.memory_space<hbm>>) dst(%dma_wait3A_239 : memref<16x128xf32, #tpu.memory_space<vmem>>)
    %dma_wait3A_246 = arith.constant 123 : i32
    %dma_wait3A_247 = arith.constant 0 : i32
    %dma_wait3A_248 = tpu.memref_slice %arg4[%add3A, %dma_wait3A_246, %dma_wait3A_247] : memref<32x125x80xi32, #tpu.memory_space<hbm>> -> memref<1x1x80xi32, #tpu.memory_space<hbm>>
    %dma_wait3A_249 = tpu.memref_squeeze %dma_wait3A_248 : memref<1x1x80xi32, #tpu.memory_space<hbm>> -> memref<1x80xi32, #tpu.memory_space<hbm>>
    %dma_wait3A_250 = arith.constant 123 : i32
    %dma_wait3A_251 = arith.constant 0 : i32
    %dma_wait3A_252 = tpu.memref_slice %arg4[%add3A, %dma_wait3A_250, %dma_wait3A_251] : memref<32x125x80xi32, #tpu.memory_space<hbm>> -> memref<1x1x80xi32, #tpu.memory_space<hbm>>
    %dma_wait3A_253 = tpu.memref_squeeze %dma_wait3A_252 : memref<1x1x80xi32, #tpu.memory_space<hbm>> -> memref<1x80xi32, #tpu.memory_space<hbm>>
    tpu.wait_dma2 semaphore(%arg15 : memref<!tpu.dma_semaphore, #tpu.memory_space<semaphore_mem>>) src(%dma_wait3A_253 : memref<1x80xi32, #tpu.memory_space<hbm>>) dst(%arg8 : memref<1x80xi32, #tpu.memory_space<vmem>>)
    %run_scoped3A_254 = arith.constant 0 : i32
    "tpu.region"() ({
      %run_scoped3A_309 = tpu.sem_alloc : memref<!tpu.dma_semaphore, #tpu.memory_space<semaphore_mem>>
      %dma_start3A_310 = arith.constant 0 : i32
      %dma_start3A_311 = tpu.memref_slice %arg8[%run_scoped3A_254, %dma_start3A_310] : memref<1x80xi32, #tpu.memory_space<vmem>> -> memref<1x80xi32, #tpu.memory_space<vmem>>
      %dma_start3A_312 = tpu.memref_squeeze %dma_start3A_311 : memref<1x80xi32, #tpu.memory_space<vmem>> -> memref<80xi32, #tpu.memory_space<vmem>>
      %dma_start3A_313 = arith.constant 0 : i32
      %dma_start3A_314 = arith.constant 0 : i32
      %dma_start3A_315 = tpu.memref_slice %arg11[%dma_start3A_313, %dma_start3A_314] : memref<10000x128xf32, #tpu.memory_space<vmem_shared>> -> memref<10000x128xf32, #tpu.memory_space<vmem_shared>>
      tpu.enqueue_indirect_dma source(%arg10 : memref<80x128xf32, #tpu.memory_space<vmem>>) target(%dma_start3A_315 : memref<10000x128xf32, #tpu.memory_space<vmem_shared>>) offsets(%dma_start3A_312 : memref<80xi32, #tpu.memory_space<vmem>>) semaphore(%run_scoped3A_309 : memref<!tpu.dma_semaphore, #tpu.memory_space<semaphore_mem>>) {add = true}
      %dma_wait3A_316 = arith.constant 0 : i32
      %dma_wait3A_317 = tpu.memref_slice %arg8[%run_scoped3A_254, %dma_wait3A_316] : memref<1x80xi32, #tpu.memory_space<vmem>> -> memref<1x80xi32, #tpu.memory_space<vmem>>
      %dma_wait3A_318 = tpu.memref_squeeze %dma_wait3A_317 : memref<1x80xi32, #tpu.memory_space<vmem>> -> memref<80xi32, #tpu.memory_space<vmem>>
      %dma_wait3A_319 = arith.constant 0 : i32
      %dma_wait3A_320 = arith.constant 0 : i32
      %dma_wait3A_321 = tpu.memref_slice %arg11[%dma_wait3A_319, %dma_wait3A_320] : memref<10000x128xf32, #tpu.memory_space<vmem_shared>> -> memref<10000x128xf32, #tpu.memory_space<vmem_shared>>
      tpu.wait_indirect_dma semaphore(%run_scoped3A_309 : memref<!tpu.dma_semaphore, #tpu.memory_space<semaphore_mem>>) src(%arg10 : memref<80x128xf32, #tpu.memory_space<vmem>>) dst(%dma_wait3A_321 : memref<10000x128xf32, #tpu.memory_space<vmem_shared>>)
      tpu.yield
    }) : () -> ()
    %dma_wait3A_255 = arith.constant 124 : i32
    %dma_wait3A_256 = arith.constant 0 : i32
    %dma_wait3A_257 = arith.constant 0 : i32
    %dma_wait3A_258 = tpu.memref_slice %arg9[%dma_wait3A_256, %dma_wait3A_257] : memref<80x128xf32, #tpu.memory_space<vmem>> -> memref<24x128xf32, #tpu.memory_space<vmem>>
    %dma_wait3A_259 = arith.constant 0 : i32
    %dma_wait3A_260 = tpu.memref_slice %arg6[%dma_wait3A_255, %dma_wait3A_259] : memref<125x80xi32, #tpu.memory_space<vmem>> -> memref<1x24xi32, #tpu.memory_space<vmem>>
    %dma_wait3A_261 = tpu.memref_squeeze %dma_wait3A_260 : memref<1x24xi32, #tpu.memory_space<vmem>> -> memref<24xi32, #tpu.memory_space<vmem>>
    %dma_wait3A_262 = arith.constant 0 : i32
    %dma_wait3A_263 = arith.constant 0 : i32
    %dma_wait3A_264 = tpu.memref_slice %arg2[%dma_wait3A_262, %dma_wait3A_263] : memref<10000x128xf32, #tpu.memory_space<hbm>> -> memref<10000x128xf32, #tpu.memory_space<hbm>>
    tpu.wait_indirect_dma semaphore(%arg12 : memref<!tpu.dma_semaphore, #tpu.memory_space<semaphore_mem>>) src(%dma_wait3A_264 : memref<10000x128xf32, #tpu.memory_space<hbm>>) dst(%dma_wait3A_258 : memref<24x128xf32, #tpu.memory_space<vmem>>)
    %dma_wait3A_265 = arith.constant 124 : i32
    %dma_wait3A_266 = arith.constant 24 : i32
    %dma_wait3A_267 = arith.constant 0 : i32
    %dma_wait3A_268 = tpu.memref_slice %arg9[%dma_wait3A_266, %dma_wait3A_267] : memref<80x128xf32, #tpu.memory_space<vmem>> -> memref<24x128xf32, #tpu.memory_space<vmem>>
    %dma_wait3A_269 = arith.constant 24 : i32
    %dma_wait3A_270 = tpu.memref_slice %arg6[%dma_wait3A_265, %dma_wait3A_269] : memref<125x80xi32, #tpu.memory_space<vmem>> -> memref<1x24xi32, #tpu.memory_space<vmem>>
    %dma_wait3A_271 = tpu.memref_squeeze %dma_wait3A_270 : memref<1x24xi32, #tpu.memory_space<vmem>> -> memref<24xi32, #tpu.memory_space<vmem>>
    %dma_wait3A_272 = arith.constant 0 : i32
    %dma_wait3A_273 = arith.constant 0 : i32
    %dma_wait3A_274 = tpu.memref_slice %arg2[%dma_wait3A_272, %dma_wait3A_273] : memref<10000x128xf32, #tpu.memory_space<hbm>> -> memref<10000x128xf32, #tpu.memory_space<hbm>>
    tpu.wait_indirect_dma semaphore(%arg16 : memref<!tpu.dma_semaphore, #tpu.memory_space<semaphore_mem>>) src(%dma_wait3A_274 : memref<10000x128xf32, #tpu.memory_space<hbm>>) dst(%dma_wait3A_268 : memref<24x128xf32, #tpu.memory_space<vmem>>)
    %dma_wait3A_275 = arith.constant 124 : i32
    %dma_wait3A_276 = arith.constant 48 : i32
    %dma_wait3A_277 = arith.constant 0 : i32
    %dma_wait3A_278 = tpu.memref_slice %arg9[%dma_wait3A_276, %dma_wait3A_277] : memref<80x128xf32, #tpu.memory_space<vmem>> -> memref<16x128xf32, #tpu.memory_space<vmem>>
    %dma_wait3A_279 = arith.constant 48 : i32
    %dma_wait3A_280 = tpu.memref_slice %arg6[%dma_wait3A_275, %dma_wait3A_279] : memref<125x80xi32, #tpu.memory_space<vmem>> -> memref<1x16xi32, #tpu.memory_space<vmem>>
    %dma_wait3A_281 = tpu.memref_squeeze %dma_wait3A_280 : memref<1x16xi32, #tpu.memory_space<vmem>> -> memref<16xi32, #tpu.memory_space<vmem>>
    %dma_wait3A_282 = arith.constant 0 : i32
    %dma_wait3A_283 = arith.constant 0 : i32
    %dma_wait3A_284 = tpu.memref_slice %arg2[%dma_wait3A_282, %dma_wait3A_283] : memref<10000x128xf32, #tpu.memory_space<hbm>> -> memref<10000x128xf32, #tpu.memory_space<hbm>>
    tpu.wait_indirect_dma semaphore(%arg18 : memref<!tpu.dma_semaphore, #tpu.memory_space<semaphore_mem>>) src(%dma_wait3A_284 : memref<10000x128xf32, #tpu.memory_space<hbm>>) dst(%dma_wait3A_278 : memref<16x128xf32, #tpu.memory_space<vmem>>)
    %dma_wait3A_285 = arith.constant 124 : i32
    %dma_wait3A_286 = arith.constant 64 : i32
    %dma_wait3A_287 = arith.constant 0 : i32
    %dma_wait3A_288 = tpu.memref_slice %arg9[%dma_wait3A_286, %dma_wait3A_287] : memref<80x128xf32, #tpu.memory_space<vmem>> -> memref<16x128xf32, #tpu.memory_space<vmem>>
    %dma_wait3A_289 = arith.constant 64 : i32
    %dma_wait3A_290 = tpu.memref_slice %arg6[%dma_wait3A_285, %dma_wait3A_289] : memref<125x80xi32, #tpu.memory_space<vmem>> -> memref<1x16xi32, #tpu.memory_space<vmem>>
    %dma_wait3A_291 = tpu.memref_squeeze %dma_wait3A_290 : memref<1x16xi32, #tpu.memory_space<vmem>> -> memref<16xi32, #tpu.memory_space<vmem>>
    %dma_wait3A_292 = arith.constant 0 : i32
    %dma_wait3A_293 = arith.constant 0 : i32
    %dma_wait3A_294 = tpu.memref_slice %arg2[%dma_wait3A_292, %dma_wait3A_293] : memref<10000x128xf32, #tpu.memory_space<hbm>> -> memref<10000x128xf32, #tpu.memory_space<hbm>>
    tpu.wait_indirect_dma semaphore(%arg19 : memref<!tpu.dma_semaphore, #tpu.memory_space<semaphore_mem>>) src(%dma_wait3A_294 : memref<10000x128xf32, #tpu.memory_space<hbm>>) dst(%dma_wait3A_288 : memref<16x128xf32, #tpu.memory_space<vmem>>)
    %dma_wait3A_295 = arith.constant 124 : i32
    %dma_wait3A_296 = arith.constant 0 : i32
    %dma_wait3A_297 = tpu.memref_slice %arg4[%add3A, %dma_wait3A_295, %dma_wait3A_296] : memref<32x125x80xi32, #tpu.memory_space<hbm>> -> memref<1x1x80xi32, #tpu.memory_space<hbm>>
    %dma_wait3A_298 = tpu.memref_squeeze %dma_wait3A_297 : memref<1x1x80xi32, #tpu.memory_space<hbm>> -> memref<1x80xi32, #tpu.memory_space<hbm>>
    %dma_wait3A_299 = arith.constant 124 : i32
    %dma_wait3A_300 = arith.constant 0 : i32
    %dma_wait3A_301 = tpu.memref_slice %arg4[%add3A, %dma_wait3A_299, %dma_wait3A_300] : memref<32x125x80xi32, #tpu.memory_space<hbm>> -> memref<1x1x80xi32, #tpu.memory_space<hbm>>
    %dma_wait3A_302 = tpu.memref_squeeze %dma_wait3A_301 : memref<1x1x80xi32, #tpu.memory_space<hbm>> -> memref<1x80xi32, #tpu.memory_space<hbm>>
    tpu.wait_dma2 semaphore(%arg14 : memref<!tpu.dma_semaphore, #tpu.memory_space<semaphore_mem>>) src(%dma_wait3A_302 : memref<1x80xi32, #tpu.memory_space<hbm>>) dst(%arg7 : memref<1x80xi32, #tpu.memory_space<vmem>>)
    %run_scoped3A_303 = arith.constant 0 : i32
    "tpu.region"() ({
      %run_scoped3A_309 = tpu.sem_alloc : memref<!tpu.dma_semaphore, #tpu.memory_space<semaphore_mem>>
      %dma_start3A_310 = arith.constant 0 : i32
      %dma_start3A_311 = tpu.memref_slice %arg7[%run_scoped3A_303, %dma_start3A_310] : memref<1x80xi32, #tpu.memory_space<vmem>> -> memref<1x80xi32, #tpu.memory_space<vmem>>
      %dma_start3A_312 = tpu.memref_squeeze %dma_start3A_311 : memref<1x80xi32, #tpu.memory_space<vmem>> -> memref<80xi32, #tpu.memory_space<vmem>>
      %dma_start3A_313 = arith.constant 0 : i32
      %dma_start3A_314 = arith.constant 0 : i32
      %dma_start3A_315 = tpu.memref_slice %arg11[%dma_start3A_313, %dma_start3A_314] : memref<10000x128xf32, #tpu.memory_space<vmem_shared>> -> memref<10000x128xf32, #tpu.memory_space<vmem_shared>>
      tpu.enqueue_indirect_dma source(%arg9 : memref<80x128xf32, #tpu.memory_space<vmem>>) target(%dma_start3A_315 : memref<10000x128xf32, #tpu.memory_space<vmem_shared>>) offsets(%dma_start3A_312 : memref<80xi32, #tpu.memory_space<vmem>>) semaphore(%run_scoped3A_309 : memref<!tpu.dma_semaphore, #tpu.memory_space<semaphore_mem>>) {add = true}
      %dma_wait3A_316 = arith.constant 0 : i32
      %dma_wait3A_317 = tpu.memref_slice %arg7[%run_scoped3A_303, %dma_wait3A_316] : memref<1x80xi32, #tpu.memory_space<vmem>> -> memref<1x80xi32, #tpu.memory_space<vmem>>
      %dma_wait3A_318 = tpu.memref_squeeze %dma_wait3A_317 : memref<1x80xi32, #tpu.memory_space<vmem>> -> memref<80xi32, #tpu.memory_space<vmem>>
      %dma_wait3A_319 = arith.constant 0 : i32
      %dma_wait3A_320 = arith.constant 0 : i32
      %dma_wait3A_321 = tpu.memref_slice %arg11[%dma_wait3A_319, %dma_wait3A_320] : memref<10000x128xf32, #tpu.memory_space<vmem_shared>> -> memref<10000x128xf32, #tpu.memory_space<vmem_shared>>
      tpu.wait_indirect_dma semaphore(%run_scoped3A_309 : memref<!tpu.dma_semaphore, #tpu.memory_space<semaphore_mem>>) src(%arg9 : memref<80x128xf32, #tpu.memory_space<vmem>>) dst(%dma_wait3A_321 : memref<10000x128xf32, #tpu.memory_space<vmem_shared>>)
      tpu.yield
    }) : () -> ()
    %barrier3A_304 = arith.constant 0 : index
    tpu.barrier barrier_id(%barrier3A_304)
    %mul3A_305 = arith.constant 624 : i32
    %mul3A_306 = arith.muli %arg1, %mul3A_305 : i32
    %mul3A_307 = arith.constant 624 : i32
    %mul3A_308 = arith.muli %arg1, %mul3A_307 : i32
    "tpu.region"() ({
      %run_scoped3A_309 = tpu.sem_alloc : memref<!tpu.dma_semaphore, #tpu.memory_space<semaphore_mem>>
      %dma_start3A_310 = arith.constant 0 : i32
      %dma_start3A_311 = tpu.memref_slice %arg5[%arg0, %mul3A_308, %dma_start3A_310] : memref<2x10000x128xf32, #tpu.memory_space<hbm>> -> memref<1x640x128xf32, #tpu.memory_space<hbm>>
      %dma_start3A_312 = tpu.memref_squeeze %dma_start3A_311 : memref<1x640x128xf32, #tpu.memory_space<hbm>> -> memref<640x128xf32, #tpu.memory_space<hbm>>
      %dma_start3A_313 = arith.constant 0 : i32
      %dma_start3A_314 = tpu.memref_slice %arg11[%mul3A_306, %dma_start3A_313] : memref<10000x128xf32, #tpu.memory_space<vmem_shared>> -> memref<640x128xf32, #tpu.memory_space<vmem_shared>>
      tpu.enqueue_dma source(%dma_start3A_314 : memref<640x128xf32, #tpu.memory_space<vmem_shared>>) target(%dma_start3A_312 : memref<640x128xf32, #tpu.memory_space<hbm>>) target_semaphore(%run_scoped3A_309 : memref<!tpu.dma_semaphore, #tpu.memory_space<semaphore_mem>>)
      %dma_wait3A_315 = arith.constant 0 : i32
      %dma_wait3A_316 = tpu.memref_slice %arg5[%arg0, %mul3A_308, %dma_wait3A_315] : memref<2x10000x128xf32, #tpu.memory_space<hbm>> -> memref<1x640x128xf32, #tpu.memory_space<hbm>>
      %dma_wait3A_317 = tpu.memref_squeeze %dma_wait3A_316 : memref<1x640x128xf32, #tpu.memory_space<hbm>> -> memref<640x128xf32, #tpu.memory_space<hbm>>
      %dma_wait3A_318 = arith.constant 0 : i32
      %dma_wait3A_319 = tpu.memref_slice %arg11[%mul3A_306, %dma_wait3A_318] : memref<10000x128xf32, #tpu.memory_space<vmem_shared>> -> memref<640x128xf32, #tpu.memory_space<vmem_shared>>
      tpu.wait_dma2 semaphore(%run_scoped3A_309 : memref<!tpu.dma_semaphore, #tpu.memory_space<semaphore_mem>>) src(%dma_wait3A_319 : memref<640x128xf32, #tpu.memory_space<vmem_shared>>) dst(%dma_wait3A_317 : memref<640x128xf32, #tpu.memory_space<hbm>>)
      tpu.yield
    }) : () -> ()
    return
  }
}

#map = affine_map<(d0, d1) -> (0, 0, 0)>
module attributes {stable_mosaic.version = 14 : i64} {
  func.func @_deg_sc(%arg0: i32, %arg1: i32, %arg2: memref<32x125x80xi32, #tpu.memory_space<hbm>>, %arg3: memref<2x10000x128xf32, #tpu.memory_space<hbm>>, %arg4: memref<125x80xi32, #tpu.memory_space<vmem>>, %arg5: memref<80x128xf32, #tpu.memory_space<vmem>>, %arg6: memref<64x128xf32, #tpu.memory_space<vmem>>, %arg7: memref<10000x128xf32, #tpu.memory_space<vmem_shared>>, %arg8: memref<!tpu.dma_semaphore, #tpu.memory_space<semaphore_mem>>) attributes {dimension_semantics = [#tpu.dimension_semantics<core_parallel>, #tpu.dimension_semantics<subcore_parallel>], iteration_bounds = array<i64: 2, 16>, scalar_prefetch = 0 : i64, scratch_operands = 5 : i64, tpu.core_type = #tpu.core_type<sc_vector_subcore>, window_params = [{transform_indices = #map}, {transform_indices = #map}]} {
    %mul3A = arith.constant 16 : i32
    %mul3A_0 = arith.muli %arg0, %mul3A : i32
    %add3A = arith.addi %mul3A_0, %arg1 : i32
    %broadcast_in_dim3A = arith.constant 1.000000e+00 : f32
    %broadcast_in_dim3A_1 = vector.broadcast %broadcast_in_dim3A : f32 to vector<16xf32>
    %scan3A = arith.constant 0 : i32
    %scan3A_2 = arith.constant 80 : i32
    %scan3A_3 = arith.addi %scan3A, %scan3A_2 : i32
    %scan3A_4 = arith.constant 1 : i32
    scf.for %scan3A_38 = %scan3A to %scan3A_3 step %scan3A_4  : i32 {
      %mul3A_39 = arith.constant 1 : i32
      %mul3A_40 = arith.muli %scan3A_38, %mul3A_39 : i32
      %add3A_41 = arith.constant 0 : i32
      %add3A_42 = arith.addi %add3A_41, %mul3A_40 : i32
      %scan3A_43 = arith.constant 0 : i32
      %scan3A_44 = arith.constant 8 : i32
      %scan3A_45 = arith.addi %scan3A_43, %scan3A_44 : i32
      %scan3A_46 = arith.constant 1 : i32
      scf.for %scan3A_48 = %scan3A_43 to %scan3A_45 step %scan3A_46  : i32 {
        %mul3A_49 = arith.constant 16 : i32
        %mul3A_50 = arith.muli %scan3A_48, %mul3A_49 : i32
        %add3A_51 = arith.constant 0 : i32
        %add3A_52 = arith.addi %add3A_51, %mul3A_50 : i32
        %swap3A = arith.index_cast %add3A_42 : i32 to index
        %swap3A_53 = arith.index_cast %add3A_52 : i32 to index
        %swap3A_54 = tpu.vector_load %arg5[%swap3A, %swap3A_53] {strides = array<i32>} : memref<80x128xf32, #tpu.memory_space<vmem>>, vector<1x16xf32>,
        %swap3A_55 = vector.shape_cast %swap3A_54 : vector<1x16xf32> to vector<16xf32>
        %swap3A_56 = vector.shape_cast %broadcast_in_dim3A_1 : vector<16xf32> to vector<1x16xf32>
        tpu.vector_store %arg5[%swap3A, %swap3A_53], %swap3A_56 {strides = array<i32>} : memref<80x128xf32, #tpu.memory_space<vmem>>, vector<1x16xf32>,
      }
      %scan3A_47 = arith.constant 8 : i32
    }
    %scan3A_5 = arith.constant 80 : i32
    "tpu.region"() ({
      %run_scoped3A = tpu.sem_alloc : memref<!tpu.dma_semaphore, #tpu.memory_space<semaphore_mem>>
      %dma_start3A = arith.constant 0 : i32
      %dma_start3A_38 = arith.constant 0 : i32
      %dma_start3A_39 = tpu.memref_slice %arg2[%add3A, %dma_start3A, %dma_start3A_38] : memref<32x125x80xi32, #tpu.memory_space<hbm>> -> memref<1x125x80xi32, #tpu.memory_space<hbm>>
      %dma_start3A_40 = tpu.memref_squeeze %dma_start3A_39 : memref<1x125x80xi32, #tpu.memory_space<hbm>> -> memref<125x80xi32, #tpu.memory_space<hbm>>
      %dma_start3A_41 = arith.constant 0 : i32
      %dma_start3A_42 = arith.constant 0 : i32
      %dma_start3A_43 = tpu.memref_slice %arg2[%add3A, %dma_start3A_41, %dma_start3A_42] : memref<32x125x80xi32, #tpu.memory_space<hbm>> -> memref<1x125x80xi32, #tpu.memory_space<hbm>>
      %dma_start3A_44 = tpu.memref_squeeze %dma_start3A_43 : memref<1x125x80xi32, #tpu.memory_space<hbm>> -> memref<125x80xi32, #tpu.memory_space<hbm>>
      tpu.enqueue_dma source(%dma_start3A_44 : memref<125x80xi32, #tpu.memory_space<hbm>>) target(%arg4 : memref<125x80xi32, #tpu.memory_space<vmem>>) target_semaphore(%run_scoped3A : memref<!tpu.dma_semaphore, #tpu.memory_space<semaphore_mem>>)
      %dma_wait3A = arith.constant 0 : i32
      %dma_wait3A_45 = arith.constant 0 : i32
      %dma_wait3A_46 = tpu.memref_slice %arg2[%add3A, %dma_wait3A, %dma_wait3A_45] : memref<32x125x80xi32, #tpu.memory_space<hbm>> -> memref<1x125x80xi32, #tpu.memory_space<hbm>>
      %dma_wait3A_47 = tpu.memref_squeeze %dma_wait3A_46 : memref<1x125x80xi32, #tpu.memory_space<hbm>> -> memref<125x80xi32, #tpu.memory_space<hbm>>
      %dma_wait3A_48 = arith.constant 0 : i32
      %dma_wait3A_49 = arith.constant 0 : i32
      %dma_wait3A_50 = tpu.memref_slice %arg2[%add3A, %dma_wait3A_48, %dma_wait3A_49] : memref<32x125x80xi32, #tpu.memory_space<hbm>> -> memref<1x125x80xi32, #tpu.memory_space<hbm>>
      %dma_wait3A_51 = tpu.memref_squeeze %dma_wait3A_50 : memref<1x125x80xi32, #tpu.memory_space<hbm>> -> memref<125x80xi32, #tpu.memory_space<hbm>>
      tpu.wait_dma2 semaphore(%run_scoped3A : memref<!tpu.dma_semaphore, #tpu.memory_space<semaphore_mem>>) src(%dma_wait3A_51 : memref<125x80xi32, #tpu.memory_space<hbm>>) dst(%arg4 : memref<125x80xi32, #tpu.memory_space<vmem>>)
      tpu.yield
    }) : () -> ()
    %broadcast_in_dim3A_6 = arith.constant 0.000000e+00 : f32
    %broadcast_in_dim3A_7 = vector.broadcast %broadcast_in_dim3A_6 : f32 to vector<16xf32>
    %scan3A_8 = arith.constant 0 : i32
    %scan3A_9 = arith.constant 64 : i32
    %scan3A_10 = arith.addi %scan3A_8, %scan3A_9 : i32
    %scan3A_11 = arith.constant 1 : i32
    scf.for %scan3A_38 = %scan3A_8 to %scan3A_10 step %scan3A_11  : i32 {
      %mul3A_39 = arith.constant 1 : i32
      %mul3A_40 = arith.muli %scan3A_38, %mul3A_39 : i32
      %add3A_41 = arith.constant 0 : i32
      %add3A_42 = arith.addi %add3A_41, %mul3A_40 : i32
      %scan3A_43 = arith.constant 0 : i32
      %scan3A_44 = arith.constant 8 : i32
      %scan3A_45 = arith.addi %scan3A_43, %scan3A_44 : i32
      %scan3A_46 = arith.constant 1 : i32
      scf.for %scan3A_48 = %scan3A_43 to %scan3A_45 step %scan3A_46  : i32 {
        %mul3A_49 = arith.constant 16 : i32
        %mul3A_50 = arith.muli %scan3A_48, %mul3A_49 : i32
        %add3A_51 = arith.constant 0 : i32
        %add3A_52 = arith.addi %add3A_51, %mul3A_50 : i32
        %swap3A = arith.index_cast %add3A_42 : i32 to index
        %swap3A_53 = arith.index_cast %add3A_52 : i32 to index
        %swap3A_54 = tpu.vector_load %arg6[%swap3A, %swap3A_53] {strides = array<i32>} : memref<64x128xf32, #tpu.memory_space<vmem>>, vector<1x16xf32>,
        %swap3A_55 = vector.shape_cast %swap3A_54 : vector<1x16xf32> to vector<16xf32>
        %swap3A_56 = vector.shape_cast %broadcast_in_dim3A_7 : vector<16xf32> to vector<1x16xf32>
        tpu.vector_store %arg6[%swap3A, %swap3A_53], %swap3A_56 {strides = array<i32>} : memref<64x128xf32, #tpu.memory_space<vmem>>, vector<1x16xf32>,
      }
      %scan3A_47 = arith.constant 8 : i32
    }
    %scan3A_12 = arith.constant 64 : i32
    %scan3A_13 = arith.constant 0 : i32
    %scan3A_14 = arith.constant 10 : i32
    %scan3A_15 = arith.addi %scan3A_13, %scan3A_14 : i32
    %scan3A_16 = arith.constant 1 : i32
    scf.for %scan3A_38 = %scan3A_13 to %scan3A_15 step %scan3A_16  : i32 {
      %mul3A_39 = arith.constant 64 : i32
      %mul3A_40 = arith.muli %scan3A_38, %mul3A_39 : i32
      %add3A_41 = arith.constant 0 : i32
      %add3A_42 = arith.addi %add3A_41, %mul3A_40 : i32
      %mul3A_43 = arith.constant 624 : i32
      %mul3A_44 = arith.muli %arg1, %mul3A_43 : i32
      %add3A_45 = arith.addi %mul3A_44, %add3A_42 : i32
      "tpu.region"() ({
        %run_scoped3A = tpu.sem_alloc : memref<!tpu.dma_semaphore, #tpu.memory_space<semaphore_mem>>
        %dma_start3A = arith.constant 0 : i32
        %dma_start3A_46 = tpu.memref_slice %arg7[%add3A_45, %dma_start3A] : memref<10000x128xf32, #tpu.memory_space<vmem_shared>> -> memref<64x128xf32, #tpu.memory_space<vmem_shared>>
        %dma_start3A_47 = arith.constant 0 : i32
        %dma_start3A_48 = tpu.memref_slice %arg7[%add3A_45, %dma_start3A_47] : memref<10000x128xf32, #tpu.memory_space<vmem_shared>> -> memref<64x128xf32, #tpu.memory_space<vmem_shared>>
        tpu.enqueue_dma source(%arg6 : memref<64x128xf32, #tpu.memory_space<vmem>>) target(%dma_start3A_48 : memref<64x128xf32, #tpu.memory_space<vmem_shared>>) target_semaphore(%run_scoped3A : memref<!tpu.dma_semaphore, #tpu.memory_space<semaphore_mem>>)
        %dma_wait3A = arith.constant 0 : i32
        %dma_wait3A_49 = tpu.memref_slice %arg7[%add3A_45, %dma_wait3A] : memref<10000x128xf32, #tpu.memory_space<vmem_shared>> -> memref<64x128xf32, #tpu.memory_space<vmem_shared>>
        %dma_wait3A_50 = arith.constant 0 : i32
        %dma_wait3A_51 = tpu.memref_slice %arg7[%add3A_45, %dma_wait3A_50] : memref<10000x128xf32, #tpu.memory_space<vmem_shared>> -> memref<64x128xf32, #tpu.memory_space<vmem_shared>>
        tpu.wait_dma2 semaphore(%run_scoped3A : memref<!tpu.dma_semaphore, #tpu.memory_space<semaphore_mem>>) src(%arg6 : memref<64x128xf32, #tpu.memory_space<vmem>>) dst(%dma_wait3A_51 : memref<64x128xf32, #tpu.memory_space<vmem_shared>>)
        tpu.yield
      }) : () -> ()
    }
    %scan3A_17 = arith.constant 10 : i32
    %barrier3A = arith.constant 0 : index
    tpu.barrier barrier_id(%barrier3A)
    %scan3A_18 = arith.constant 0 : i32
    %scan3A_19 = arith.constant 8 : i32
    %scan3A_20 = arith.addi %scan3A_18, %scan3A_19 : i32
    %scan3A_21 = arith.constant 1 : i32
    scf.for %scan3A_38 = %scan3A_18 to %scan3A_20 step %scan3A_21  : i32 {
      %mul3A_39 = arith.constant 1 : i32
      %mul3A_40 = arith.muli %scan3A_38, %mul3A_39 : i32
      %add3A_41 = arith.constant 0 : i32
      %add3A_42 = arith.addi %add3A_41, %mul3A_40 : i32
      %dma_start3A = arith.constant 0 : i32
      %dma_start3A_43 = tpu.memref_slice %arg4[%add3A_42, %dma_start3A] : memref<125x80xi32, #tpu.memory_space<vmem>> -> memref<1x80xi32, #tpu.memory_space<vmem>>
      %dma_start3A_44 = tpu.memref_squeeze %dma_start3A_43 : memref<1x80xi32, #tpu.memory_space<vmem>> -> memref<80xi32, #tpu.memory_space<vmem>>
      %dma_start3A_45 = arith.constant 0 : i32
      %dma_start3A_46 = arith.constant 0 : i32
      %dma_start3A_47 = tpu.memref_slice %arg7[%dma_start3A_45, %dma_start3A_46] : memref<10000x128xf32, #tpu.memory_space<vmem_shared>> -> memref<10000x128xf32, #tpu.memory_space<vmem_shared>>
      tpu.enqueue_indirect_dma source(%arg5 : memref<80x128xf32, #tpu.memory_space<vmem>>) target(%dma_start3A_47 : memref<10000x128xf32, #tpu.memory_space<vmem_shared>>) offsets(%dma_start3A_44 : memref<80xi32, #tpu.memory_space<vmem>>) semaphore(%arg8 : memref<!tpu.dma_semaphore, #tpu.memory_space<semaphore_mem>>) {add = true}
    }
    %scan3A_22 = arith.constant 8 : i32
    %scan3A_23 = arith.constant 0 : i32
    %scan3A_24 = arith.constant 117 : i32
    %scan3A_25 = arith.addi %scan3A_23, %scan3A_24 : i32
    %scan3A_26 = arith.constant 1 : i32
    scf.for %scan3A_38 = %scan3A_23 to %scan3A_25 step %scan3A_26  : i32 {
      %mul3A_39 = arith.constant 1 : i32
      %mul3A_40 = arith.muli %scan3A_38, %mul3A_39 : i32
      %add3A_41 = arith.constant 0 : i32
      %add3A_42 = arith.addi %add3A_41, %mul3A_40 : i32
      %dma_wait3A = arith.constant 0 : i32
      %dma_wait3A_43 = tpu.memref_slice %arg4[%add3A_42, %dma_wait3A] : memref<125x80xi32, #tpu.memory_space<vmem>> -> memref<1x80xi32, #tpu.memory_space<vmem>>
      %dma_wait3A_44 = tpu.memref_squeeze %dma_wait3A_43 : memref<1x80xi32, #tpu.memory_space<vmem>> -> memref<80xi32, #tpu.memory_space<vmem>>
      %dma_wait3A_45 = arith.constant 0 : i32
      %dma_wait3A_46 = arith.constant 0 : i32
      %dma_wait3A_47 = tpu.memref_slice %arg7[%dma_wait3A_45, %dma_wait3A_46] : memref<10000x128xf32, #tpu.memory_space<vmem_shared>> -> memref<10000x128xf32, #tpu.memory_space<vmem_shared>>
      tpu.wait_indirect_dma semaphore(%arg8 : memref<!tpu.dma_semaphore, #tpu.memory_space<semaphore_mem>>) src(%arg5 : memref<80x128xf32, #tpu.memory_space<vmem>>) dst(%dma_wait3A_47 : memref<10000x128xf32, #tpu.memory_space<vmem_shared>>)
      %add3A_48 = arith.constant 8 : i32
      %add3A_49 = arith.addi %add3A_42, %add3A_48 : i32
      %dma_start3A = arith.constant 0 : i32
      %dma_start3A_50 = tpu.memref_slice %arg4[%add3A_49, %dma_start3A] : memref<125x80xi32, #tpu.memory_space<vmem>> -> memref<1x80xi32, #tpu.memory_space<vmem>>
      %dma_start3A_51 = tpu.memref_squeeze %dma_start3A_50 : memref<1x80xi32, #tpu.memory_space<vmem>> -> memref<80xi32, #tpu.memory_space<vmem>>
      %dma_start3A_52 = arith.constant 0 : i32
      %dma_start3A_53 = arith.constant 0 : i32
      %dma_start3A_54 = tpu.memref_slice %arg7[%dma_start3A_52, %dma_start3A_53] : memref<10000x128xf32, #tpu.memory_space<vmem_shared>> -> memref<10000x128xf32, #tpu.memory_space<vmem_shared>>
      tpu.enqueue_indirect_dma source(%arg5 : memref<80x128xf32, #tpu.memory_space<vmem>>) target(%dma_start3A_54 : memref<10000x128xf32, #tpu.memory_space<vmem_shared>>) offsets(%dma_start3A_51 : memref<80xi32, #tpu.memory_space<vmem>>) semaphore(%arg8 : memref<!tpu.dma_semaphore, #tpu.memory_space<semaphore_mem>>) {add = true}
    }
    %scan3A_27 = arith.constant 117 : i32
    %scan3A_28 = arith.constant 0 : i32
    %scan3A_29 = arith.constant 8 : i32
    %scan3A_30 = arith.addi %scan3A_28, %scan3A_29 : i32
    %scan3A_31 = arith.constant 1 : i32
    scf.for %scan3A_38 = %scan3A_28 to %scan3A_30 step %scan3A_31  : i32 {
      %mul3A_39 = arith.constant 1 : i32
      %mul3A_40 = arith.muli %scan3A_38, %mul3A_39 : i32
      %add3A_41 = arith.constant 117 : i32
      %add3A_42 = arith.addi %add3A_41, %mul3A_40 : i32
      %dma_wait3A = arith.constant 0 : i32
      %dma_wait3A_43 = tpu.memref_slice %arg4[%add3A_42, %dma_wait3A] : memref<125x80xi32, #tpu.memory_space<vmem>> -> memref<1x80xi32, #tpu.memory_space<vmem>>
      %dma_wait3A_44 = tpu.memref_squeeze %dma_wait3A_43 : memref<1x80xi32, #tpu.memory_space<vmem>> -> memref<80xi32, #tpu.memory_space<vmem>>
      %dma_wait3A_45 = arith.constant 0 : i32
      %dma_wait3A_46 = arith.constant 0 : i32
      %dma_wait3A_47 = tpu.memref_slice %arg7[%dma_wait3A_45, %dma_wait3A_46] : memref<10000x128xf32, #tpu.memory_space<vmem_shared>> -> memref<10000x128xf32, #tpu.memory_space<vmem_shared>>
      tpu.wait_indirect_dma semaphore(%arg8 : memref<!tpu.dma_semaphore, #tpu.memory_space<semaphore_mem>>) src(%arg5 : memref<80x128xf32, #tpu.memory_space<vmem>>) dst(%dma_wait3A_47 : memref<10000x128xf32, #tpu.memory_space<vmem_shared>>)
    }
    %scan3A_32 = arith.constant 8 : i32
    %barrier3A_33 = arith.constant 0 : index
    tpu.barrier barrier_id(%barrier3A_33)
    %mul3A_34 = arith.constant 624 : i32
    %mul3A_35 = arith.muli %arg1, %mul3A_34 : i32
    %mul3A_36 = arith.constant 624 : i32
    %mul3A_37 = arith.muli %arg1, %mul3A_36 : i32
    "tpu.region"() ({
      %run_scoped3A = tpu.sem_alloc : memref<!tpu.dma_semaphore, #tpu.memory_space<semaphore_mem>>
      %dma_start3A = arith.constant 0 : i32
      %dma_start3A_38 = tpu.memref_slice %arg3[%arg0, %mul3A_37, %dma_start3A] : memref<2x10000x128xf32, #tpu.memory_space<hbm>> -> memref<1x640x128xf32, #tpu.memory_space<hbm>>
      %dma_start3A_39 = tpu.memref_squeeze %dma_start3A_38 : memref<1x640x128xf32, #tpu.memory_space<hbm>> -> memref<640x128xf32, #tpu.memory_space<hbm>>
      %dma_start3A_40 = arith.constant 0 : i32
      %dma_start3A_41 = tpu.memref_slice %arg7[%mul3A_35, %dma_start3A_40] : memref<10000x128xf32, #tpu.memory_space<vmem_shared>> -> memref<640x128xf32, #tpu.memory_space<vmem_shared>>
      tpu.enqueue_dma source(%dma_start3A_41 : memref<640x128xf32, #tpu.memory_space<vmem_shared>>) target(%dma_start3A_39 : memref<640x128xf32, #tpu.memory_space<hbm>>) target_semaphore(%run_scoped3A : memref<!tpu.dma_semaphore, #tpu.memory_space<semaphore_mem>>)
      %dma_wait3A = arith.constant 0 : i32
      %dma_wait3A_42 = tpu.memref_slice %arg3[%arg0, %mul3A_37, %dma_wait3A] : memref<2x10000x128xf32, #tpu.memory_space<hbm>> -> memref<1x640x128xf32, #tpu.memory_space<hbm>>
      %dma_wait3A_43 = tpu.memref_squeeze %dma_wait3A_42 : memref<1x640x128xf32, #tpu.memory_space<hbm>> -> memref<640x128xf32, #tpu.memory_space<hbm>>
      %dma_wait3A_44 = arith.constant 0 : i32
      %dma_wait3A_45 = tpu.memref_slice %arg7[%mul3A_35, %dma_wait3A_44] : memref<10000x128xf32, #tpu.memory_space<vmem_shared>> -> memref<640x128xf32, #tpu.memory_space<vmem_shared>>
      tpu.wait_dma2 semaphore(%run_scoped3A : memref<!tpu.dma_semaphore, #tpu.memory_space<semaphore_mem>>) src(%dma_wait3A_45 : memref<640x128xf32, #tpu.memory_space<vmem_shared>>) dst(%dma_wait3A_43 : memref<640x128xf32, #tpu.memory_space<hbm>>)
      tpu.yield
    }) : () -> ()
    return
  }
}

module attributes {stable_mosaic.version = 14 : i64} {
  func.func @_tc_layer_body(%arg0: memref<2x10000x128xf32, #tpu.memory_space<vmem>>, %arg1: memref<10000x128xf32, #tpu.memory_space<vmem>>, %arg2: memref<2x10000x1xf32, #tpu.memory_space<vmem>>, %arg3: memref<1x128xf32, #tpu.memory_space<vmem>>, %arg4: memref<128x128xf32, #tpu.memory_space<vmem>>, %arg5: memref<10000x128xf32, #tpu.memory_space<vmem>>) attributes {dimension_semantics = [], scalar_prefetch = 0 : i64, scratch_operands = 0 : i64, tpu.core_type = #tpu.core_type<tc>} {
    %get3A = arith.constant 0 : index
    %get3A_0 = arith.constant 0 : index
    %get3A_1 = arith.constant 0 : index
    %get3A_2 = vector.load %arg2[%get3A, %get3A_0, %get3A_1] : memref<2x10000x1xf32, #tpu.memory_space<vmem>>, vector<1x10000x1xf32>
    %get3A_3 = vector.shape_cast %get3A_2 : vector<1x10000x1xf32> to vector<10000x1xf32>
    %get3A_4 = arith.constant 1 : index
    %get3A_5 = arith.constant 0 : index
    %get3A_6 = arith.constant 0 : index
    %get3A_7 = vector.load %arg2[%get3A_4, %get3A_5, %get3A_6] : memref<2x10000x1xf32, #tpu.memory_space<vmem>>, vector<1x10000x1xf32>
    %get3A_8 = vector.shape_cast %get3A_7 : vector<1x10000x1xf32> to vector<10000x1xf32>
    %add3A = arith.addf %get3A_3, %get3A_8 : vector<10000x1xf32>
    %add3A_9 = arith.constant 1.000000e+00 : f32
    %add3A_10 = vector.broadcast %add3A_9 : f32 to vector<10000x1xf32>
    %add3A_11 = arith.addf %add3A, %add3A_10 : vector<10000x1xf32>
    %rsqrt3A = math.rsqrt %add3A_11 : vector<10000x1xf32>
    %get3A_12 = arith.constant 0 : index
    %get3A_13 = arith.constant 0 : index
    %get3A_14 = arith.constant 0 : index
    %get3A_15 = vector.load %arg0[%get3A_12, %get3A_13, %get3A_14] : memref<2x10000x128xf32, #tpu.memory_space<vmem>>, vector<1x10000x128xf32>
    %get3A_16 = vector.shape_cast %get3A_15 : vector<1x10000x128xf32> to vector<10000x128xf32>
    %get3A_17 = arith.constant 1 : index
    %get3A_18 = arith.constant 0 : index
    %get3A_19 = arith.constant 0 : index
    %get3A_20 = vector.load %arg0[%get3A_17, %get3A_18, %get3A_19] : memref<2x10000x128xf32, #tpu.memory_space<vmem>>, vector<1x10000x128xf32>
    %get3A_21 = vector.shape_cast %get3A_20 : vector<1x10000x128xf32> to vector<10000x128xf32>
    %add3A_22 = arith.addf %get3A_16, %get3A_21 : vector<10000x128xf32>
    %get3A_23 = arith.constant 0 : index
    %get3A_24 = arith.constant 0 : index
    %get3A_25 = vector.load %arg1[%get3A_23, %get3A_24] : memref<10000x128xf32, #tpu.memory_space<vmem>>, vector<10000x128xf32>
    %add3A_26 = arith.addf %add3A_22, %get3A_25 : vector<10000x128xf32>
    %mul3A = vector.broadcast %rsqrt3A : vector<10000x1xf32> to vector<10000x128xf32>
    %mul3A_27 = arith.mulf %add3A_26, %mul3A : vector<10000x128xf32>
    %get3A_28 = arith.constant 0 : index
    %get3A_29 = arith.constant 0 : index
    %get3A_30 = vector.load %arg3[%get3A_28, %get3A_29] : memref<1x128xf32, #tpu.memory_space<vmem>>, vector<1x128xf32>
    %add3A_31 = vector.broadcast %get3A_30 : vector<1x128xf32> to vector<10000x128xf32>
    %add3A_32 = arith.addf %mul3A_27, %add3A_31 : vector<10000x128xf32>
    %max3A = arith.constant 0.000000e+00 : f32
    %max3A_33 = vector.broadcast %max3A : f32 to vector<10000x128xf32>
    %max3A_34 = arith.maximumf %add3A_32, %max3A_33 : vector<10000x128xf32>
    %get3A_35 = arith.constant 0 : index
    %get3A_36 = arith.constant 0 : index
    %get3A_37 = vector.load %arg4[%get3A_35, %get3A_36] : memref<128x128xf32, #tpu.memory_space<vmem>>, vector<128x128xf32>
    %dot_general3A = arith.constant dense<0.000000e+00> : vector<10000x128xf32>
    %dot_general3A_38 = tpu.matmul %max3A_34, %get3A_37, %dot_general3A {dimension_numbers = #tpu.dot_dimension_numbers<[1], [0], [0], [1], [0, 0, 1, 1], [], []>, transpose_lhs_hint = false} : vector<10000x128xf32>, vector<128x128xf32>, vector<10000x128xf32> -> vector<10000x128xf32>
    %mul3A_39 = vector.broadcast %rsqrt3A : vector<10000x1xf32> to vector<10000x128xf32>
    %mul3A_40 = arith.mulf %dot_general3A_38, %mul3A_39 : vector<10000x128xf32>
    %swap3A = arith.constant 0 : index
    %swap3A_41 = arith.constant 0 : index
    %swap3A_42 = vector.load %arg5[%swap3A, %swap3A_41] : memref<10000x128xf32, #tpu.memory_space<vmem>>, vector<10000x128xf32>
    tpu.vector_store %arg5[%swap3A, %swap3A_41], %mul3A_40 {strides = array<i32>} : memref<10000x128xf32, #tpu.memory_space<vmem>>, vector<10000x128xf32>,
    return
  }
}

module attributes {stable_mosaic.version = 14 : i64} {
  func.func @_tc_in_body(%arg0: memref<10000x128xf32, #tpu.memory_space<vmem>>, %arg1: memref<128x128xf32, #tpu.memory_space<vmem>>, %arg2: memref<1x128xf32, #tpu.memory_space<vmem>>, %arg3: memref<128x128xf32, #tpu.memory_space<vmem>>, %arg4: memref<2x10000x1xf32, #tpu.memory_space<vmem>>, %arg5: memref<10000x128xf32, #tpu.memory_space<vmem>>) attributes {dimension_semantics = [], scalar_prefetch = 0 : i64, scratch_operands = 0 : i64, tpu.core_type = #tpu.core_type<tc>} {
    %get3A = arith.constant 0 : index
    %get3A_0 = arith.constant 0 : index
    %get3A_1 = arith.constant 0 : index
    %get3A_2 = vector.load %arg4[%get3A, %get3A_0, %get3A_1] : memref<2x10000x1xf32, #tpu.memory_space<vmem>>, vector<1x10000x1xf32>
    %get3A_3 = vector.shape_cast %get3A_2 : vector<1x10000x1xf32> to vector<10000x1xf32>
    %get3A_4 = arith.constant 1 : index
    %get3A_5 = arith.constant 0 : index
    %get3A_6 = arith.constant 0 : index
    %get3A_7 = vector.load %arg4[%get3A_4, %get3A_5, %get3A_6] : memref<2x10000x1xf32, #tpu.memory_space<vmem>>, vector<1x10000x1xf32>
    %get3A_8 = vector.shape_cast %get3A_7 : vector<1x10000x1xf32> to vector<10000x1xf32>
    %add3A = arith.addf %get3A_3, %get3A_8 : vector<10000x1xf32>
    %add3A_9 = arith.constant 1.000000e+00 : f32
    %add3A_10 = vector.broadcast %add3A_9 : f32 to vector<10000x1xf32>
    %add3A_11 = arith.addf %add3A, %add3A_10 : vector<10000x1xf32>
    %rsqrt3A = math.rsqrt %add3A_11 : vector<10000x1xf32>
    %get3A_12 = arith.constant 0 : index
    %get3A_13 = arith.constant 0 : index
    %get3A_14 = vector.load %arg0[%get3A_12, %get3A_13] : memref<10000x128xf32, #tpu.memory_space<vmem>>, vector<10000x128xf32>
    %get3A_15 = arith.constant 0 : index
    %get3A_16 = arith.constant 0 : index
    %get3A_17 = vector.load %arg1[%get3A_15, %get3A_16] : memref<128x128xf32, #tpu.memory_space<vmem>>, vector<128x128xf32>
    %dot_general3A = arith.constant dense<0.000000e+00> : vector<10000x128xf32>
    %dot_general3A_18 = tpu.matmul %get3A_14, %get3A_17, %dot_general3A {dimension_numbers = #tpu.dot_dimension_numbers<[1], [0], [0], [1], [0, 0, 1, 1], [], []>, transpose_lhs_hint = false} : vector<10000x128xf32>, vector<128x128xf32>, vector<10000x128xf32> -> vector<10000x128xf32>
    %get3A_19 = arith.constant 0 : index
    %get3A_20 = arith.constant 0 : index
    %get3A_21 = vector.load %arg2[%get3A_19, %get3A_20] : memref<1x128xf32, #tpu.memory_space<vmem>>, vector<1x128xf32>
    %add3A_22 = vector.broadcast %get3A_21 : vector<1x128xf32> to vector<10000x128xf32>
    %add3A_23 = arith.addf %dot_general3A_18, %add3A_22 : vector<10000x128xf32>
    %get3A_24 = arith.constant 0 : index
    %get3A_25 = arith.constant 0 : index
    %get3A_26 = vector.load %arg3[%get3A_24, %get3A_25] : memref<128x128xf32, #tpu.memory_space<vmem>>, vector<128x128xf32>
    %dot_general3A_27 = arith.constant dense<0.000000e+00> : vector<10000x128xf32>
    %dot_general3A_28 = tpu.matmul %add3A_23, %get3A_26, %dot_general3A_27 {dimension_numbers = #tpu.dot_dimension_numbers<[1], [0], [0], [1], [0, 0, 1, 1], [], []>, transpose_lhs_hint = false} : vector<10000x128xf32>, vector<128x128xf32>, vector<10000x128xf32> -> vector<10000x128xf32>
    %mul3A = vector.broadcast %rsqrt3A : vector<10000x1xf32> to vector<10000x128xf32>
    %mul3A_29 = arith.mulf %dot_general3A_28, %mul3A : vector<10000x128xf32>
    %swap3A = arith.constant 0 : index
    %swap3A_30 = arith.constant 0 : index
    %swap3A_31 = vector.load %arg5[%swap3A, %swap3A_30] : memref<10000x128xf32, #tpu.memory_space<vmem>>, vector<10000x128xf32>
    tpu.vector_store %arg5[%swap3A, %swap3A_30], %mul3A_29 {strides = array<i32>} : memref<10000x128xf32, #tpu.memory_space<vmem>>, vector<10000x128xf32>,
    return
  }
}

module attributes {stable_mosaic.version = 14 : i64} {
  func.func @_tc_final_body(%arg0: memref<2x10000x128xf32, #tpu.memory_space<vmem>>, %arg1: memref<10000x128xf32, #tpu.memory_space<vmem>>, %arg2: memref<2x10000x1xf32, #tpu.memory_space<vmem>>, %arg3: memref<1x128xf32, #tpu.memory_space<vmem>>, %arg4: memref<10000x128xf32, #tpu.memory_space<vmem>>) attributes {dimension_semantics = [], scalar_prefetch = 0 : i64, scratch_operands = 0 : i64, tpu.core_type = #tpu.core_type<tc>} {
    %get3A = arith.constant 0 : index
    %get3A_0 = arith.constant 0 : index
    %get3A_1 = arith.constant 0 : index
    %get3A_2 = vector.load %arg2[%get3A, %get3A_0, %get3A_1] : memref<2x10000x1xf32, #tpu.memory_space<vmem>>, vector<1x10000x1xf32>
    %get3A_3 = vector.shape_cast %get3A_2 : vector<1x10000x1xf32> to vector<10000x1xf32>
    %get3A_4 = arith.constant 1 : index
    %get3A_5 = arith.constant 0 : index
    %get3A_6 = arith.constant 0 : index
    %get3A_7 = vector.load %arg2[%get3A_4, %get3A_5, %get3A_6] : memref<2x10000x1xf32, #tpu.memory_space<vmem>>, vector<1x10000x1xf32>
    %get3A_8 = vector.shape_cast %get3A_7 : vector<1x10000x1xf32> to vector<10000x1xf32>
    %add3A = arith.addf %get3A_3, %get3A_8 : vector<10000x1xf32>
    %add3A_9 = arith.constant 1.000000e+00 : f32
    %add3A_10 = vector.broadcast %add3A_9 : f32 to vector<10000x1xf32>
    %add3A_11 = arith.addf %add3A, %add3A_10 : vector<10000x1xf32>
    %rsqrt3A = math.rsqrt %add3A_11 : vector<10000x1xf32>
    %get3A_12 = arith.constant 0 : index
    %get3A_13 = arith.constant 0 : index
    %get3A_14 = arith.constant 0 : index
    %get3A_15 = vector.load %arg0[%get3A_12, %get3A_13, %get3A_14] : memref<2x10000x128xf32, #tpu.memory_space<vmem>>, vector<1x10000x128xf32>
    %get3A_16 = vector.shape_cast %get3A_15 : vector<1x10000x128xf32> to vector<10000x128xf32>
    %get3A_17 = arith.constant 1 : index
    %get3A_18 = arith.constant 0 : index
    %get3A_19 = arith.constant 0 : index
    %get3A_20 = vector.load %arg0[%get3A_17, %get3A_18, %get3A_19] : memref<2x10000x128xf32, #tpu.memory_space<vmem>>, vector<1x10000x128xf32>
    %get3A_21 = vector.shape_cast %get3A_20 : vector<1x10000x128xf32> to vector<10000x128xf32>
    %add3A_22 = arith.addf %get3A_16, %get3A_21 : vector<10000x128xf32>
    %get3A_23 = arith.constant 0 : index
    %get3A_24 = arith.constant 0 : index
    %get3A_25 = vector.load %arg1[%get3A_23, %get3A_24] : memref<10000x128xf32, #tpu.memory_space<vmem>>, vector<10000x128xf32>
    %add3A_26 = arith.addf %add3A_22, %get3A_25 : vector<10000x128xf32>
    %mul3A = vector.broadcast %rsqrt3A : vector<10000x1xf32> to vector<10000x128xf32>
    %mul3A_27 = arith.mulf %add3A_26, %mul3A : vector<10000x128xf32>
    %get3A_28 = arith.constant 0 : index
    %get3A_29 = arith.constant 0 : index
    %get3A_30 = vector.load %arg3[%get3A_28, %get3A_29] : memref<1x128xf32, #tpu.memory_space<vmem>>, vector<1x128xf32>
    %add3A_31 = vector.broadcast %get3A_30 : vector<1x128xf32> to vector<10000x128xf32>
    %add3A_32 = arith.addf %mul3A_27, %add3A_31 : vector<10000x128xf32>
    %max3A = arith.constant 0.000000e+00 : f32
    %max3A_33 = vector.broadcast %max3A : f32 to vector<10000x128xf32>
    %max3A_34 = arith.maximumf %add3A_32, %max3A_33 : vector<10000x128xf32>
    %swap3A = arith.constant 0 : index
    %swap3A_35 = arith.constant 0 : index
    %swap3A_36 = vector.load %arg4[%swap3A, %swap3A_35] : memref<10000x128xf32, #tpu.memory_space<vmem>>, vector<10000x128xf32>
    tpu.vector_store %arg4[%swap3A, %swap3A_35], %max3A_34 {strides = array<i32>} : memref<10000x128xf32, #tpu.memory_space<vmem>>, vector<10000x128xf32>,
    return
  }
}

</mosaic_0001>

<sc_bundles>
// kernel: kernel.11.cloned.1.call-start
scs
__scs_entry_jumppad:
0x0: {  	(pc) =	sbr.rel $0x88, $3  }
0x1: {  	(tag) =	ssettag $0x0;
	lr =	simm.s32 $0x1  }
0x2: {  	[smem:$0x3F99] =	sst lr;
	_ =	strace $0xD0000000  }
0x3: {  	_ = 	snop  }
0x4: {  	_ = 	snop  }
0x5: {  	_ = 	snop  }
0x6: {  	_ = 	snop  }
0x7: {  	_ = 	snop  }
__scs_overlays_trampoline_lowered:
0x8: {  	[smem:$0x3FA8] =	sst s0  }
0x9: {  	[smem:$0x3FA9] =	sst s1  }
0xa: {  	[smem:$0x3FAA] =	sst s2  }
0xb: {  	[smem:$0x3FAB] =	sst s3  }
0xc: {  	[smem:$0x3FAC] =	sst s4  }
0xd: {  	[smem:$0x3FAD] =	sst s5  }
0xe: {  	[smem:$0x3FAE] =	sst s6  }
0xf: {  	[smem:$0x3FAF] =	sst s7  }
0x10: {  	[smem:$0x3FB0] =	sst s8  }
0x11: {  	[smem:$0x3FB1] =	sst s9;
	s0 =	simm.s32 @!p0 $0x0  }
0x12: {  	s1 =	sld [smem:$0x3F97];
	s0 =	simm.s32 @p0 $0x1  }
0x13: {  	[smem:$0x3FB2] =	sst s0;
	s0 =	simm.s32 @!p1 $0x0  }
0x14: {  	s2 =	sld [smem:$0x3F96];
	s0 =	simm.s32 @p1 $0x1  }
0x15: {  	[smem:$0x3FB3] =	sst s0;
	s0 =	simm.s32 @!p2 $0x0  }
0x16: {  	s3 =	sld [smem:$0x3FDB];
	s0 =	simm.s32 @p2 $0x1  }
0x17: {  	s4 =	simm.s32 $0x1BF5;
	[smem:$0x3FB5] =	sst s0  }
0x18: {  	s0 =	sld [smem:$0x3F98];
	_ =	swait.ge [sflag:s4], $0x0  }
0x19: {  	s7 =	sld [smem:$0x3F99]  }
0x1a: {  	s8 =	sadd.s32 $0xFFFFE003, lr  }
0x1b: {  	s9 =	sadd.s32 $0xFFFFFEF7, lr;
	s5 =	simm.s32 $0xFFFFFFFF;
	p2 =	slt.u32 s8, $0xFFFFF086  }
0x1c: {  	p1 =	slt.u32 s9, $0xF7A;
	s5 =	simm.s32 @!p2 $0x0  }
0x1d: {  	s5 =	simm.s32 @p1 $0x1;
	p0 =	seq.s32 s7, s2  }
0x1e: {  	s7 =	smul.u32 @!p0 $0xF7A, s2;
	p2 =	seq.s32 @!p0 s5, $0x0  }
0x1f: {  	s9 =	smul.u32 $0xF7A, s1;
	s8 =	simm.s32 @!p0 $0x1BF5;
	p2 =	por !p2, p0  }
0x20: {  	[sflag:s8] =	ssyncset.s32 @!p0 $0xFFFFF086;
	s6 =	sadd.s32 @!p0 s3, s7;
	s7 =	simm.s32 @!p0 $0x108  }
0x21: {  	s3 =	sadd.s32 s3, s9;
	s6 =	sadd.s32 @!p0 $0x88, s6;
	s7 =	simm.s32 @p2 $0x1082  }
0x22: {  	[simem:s7], [sflag:s8] =	dma.local @!p0 [hbm:s6], $0xF7A  }
0x23: {  	s9 =	sor.u32 $0xD0000000, s2;
	s6 =	simm.s32 $0x108;
	_ =	swait.ge @!p0 [sflag:s8], $0x0  }
0x24: {  	s3 =	sadd.s32 $0x88, s3;
	s6 =	simm.s32 @!p1 $0x1082;
	[sflag:s4] =	ssyncset.s32 $0xFFFFF086  }
0x25: {  	[simem:s6], [sflag:s4] =	dma.local [hbm:s3], $0xF7A  }
0x26: {  	[smem:$0x3F99] =	sst s1;
	(tag) =	ssettag s2;
	_ =	strace s9  }
0x27: {  	s1 =	sld [smem:$0x3FA9]  }
0x28: {  	s2 =	sld [smem:$0x3FAA]  }
0x29: {  	s4 =	sld [smem:$0x3FAC]  }
0x2a: {  	p0 =	seq.s32 s5, $0x0;
	s5 =	sld [smem:$0x3FAD]  }
0x2b: {  	s6 =	sld [smem:$0x3FAE]  }
0x2c: {  	s7 =	sld [smem:$0x3FAF]  }
0x2d: {  	s3 =	simm.s32 $0x108;
	s8 =	sld [smem:$0x3FB0]  }
0x2e: {  	s3 =	simm.s32 @!p0 $0x1082;
	s9 =	sld [smem:$0x3FB1]  }
0x2f: {  	lr =	sadd.s32 s0, s3;
	s0 =	sld [smem:$0x3FA8]  }
0x30: {  	s3 =	sld [smem:$0x3FAB]  }
0x31: {  	[smem:$0x3FB4] =	sst s10  }
0x32: {  	s10 =	sld [smem:$0x3FB2];
	_ =	sdelay $0x3  }
0x33: {  	p0 =	seq.s32 s10, $0x1;
	s10 =	sld [smem:$0x3FB4];
	_ =	sdelay $0x3  }
0x34: {  	[smem:$0x3FB4] =	sst s10  }
0x35: {  	s10 =	sld [smem:$0x3FB3];
	_ =	sdelay $0x3  }
0x36: {  	p1 =	seq.s32 s10, $0x1;
	s10 =	sld [smem:$0x3FB4];
	_ =	sdelay $0x3  }
0x37: {  	[smem:$0x3FB4] =	sst s10  }
0x38: {  	s10 =	sld [smem:$0x3FB5]  }
0x39: {  	_ = 	snop;
	(pc) =	sbr.ind lr, $3  }
0x3a: {  	_ = 	snop  }
0x3b: {  	_ = 	snop  }
0x3c: {  	p2 =	seq.s32 s10, $0x1;
	s10 =	sld [smem:$0x3FB4]  }
0x3d: {  	_ =	shalt  }
0x3e: {  	_ =	shalt  }
0x3f: {  	_ =	shalt  }
0x40: {  	_ =	shalt  }
0x41: {  	_ =	shalt  }
0x42: {  	_ =	shalt  }
0x43: {  	_ =	shalt  }
0x44: {  	_ =	shalt  }
0x45: {  	_ =	shalt  }
0x46: {  	_ =	shalt  }
0x47: {  	_ =	shalt  }
0x48: {  	_ =	shalt  }
0x49: {  	_ =	shalt  }
0x4a: {  	_ =	shalt  }
0x4b: {  	_ =	shalt  }
0x4c: {  	_ =	shalt  }
0x4d: {  	_ =	shalt  }
0x4e: {  	_ =	shalt  }
0x4f: {  	_ =	shalt  }
0x50: {  	_ =	shalt  }
0x51: {  	_ =	shalt  }
0x52: {  	_ =	shalt  }
0x53: {  	_ =	shalt  }
0x54: {  	_ =	shalt  }
0x55: {  	_ =	shalt  }
0x56: {  	_ =	shalt  }
0x57: {  	_ =	shalt  }
0x58: {  	_ =	shalt  }
0x59: {  	_ =	shalt  }
0x5a: {  	_ =	shalt  }
0x5b: {  	_ =	shalt  }
0x5c: {  	_ =	shalt  }
0x5d: {  	_ =	shalt  }
0x5e: {  	_ =	shalt  }
0x5f: {  	_ =	shalt  }
0x60: {  	_ =	shalt  }
0x61: {  	_ =	shalt  }
0x62: {  	_ =	shalt  }
0x63: {  	_ =	shalt  }
0x64: {  	_ =	shalt  }
0x65: {  	_ =	shalt  }
0x66: {  	_ =	shalt  }
0x67: {  	_ =	shalt  }
0x68: {  	_ =	shalt  }
0x69: {  	_ =	shalt  }
0x6a: {  	_ =	shalt  }
0x6b: {  	_ =	shalt  }
0x6c: {  	_ =	shalt  }
0x6d: {  	_ =	shalt  }
0x6e: {  	_ =	shalt  }
0x6f: {  	_ =	shalt  }
0x70: {  	_ =	shalt  }
0x71: {  	_ =	shalt  }
0x72: {  	_ =	shalt  }
0x73: {  	_ =	shalt  }
0x74: {  	_ =	shalt  }
0x75: {  	_ =	shalt  }
0x76: {  	_ =	shalt  }
0x77: {  	_ =	shalt  }
0x78: {  	_ =	shalt  }
0x79: {  	_ =	shalt  }
0x7a: {  	_ =	shalt  }
0x7b: {  	_ =	shalt  }
0x7c: {  	_ =	shalt  }
0x7d: {  	_ =	shalt  }
0x7e: {  	_ =	shalt  }
0x7f: {  	_ =	shalt  }
0x80: {  	_ =	shalt  }
0x81: {  	_ =	shalt  }
0x82: {  	_ =	shalt  }
0x83: {  	_ =	shalt  }
0x84: {  	_ =	shalt  }
0x85: {  	_ =	shalt  }
0x86: {  	_ =	shalt  }
0x87: {  	_ =	shalt  }
.Lfunc_end0:
.L_simem_size_0:
called_computation.1_lowered:
.L_overlay_start_0:
0x88: {  	s2 =	sld [smem:$0x3FD9]  }
0x89: {  	s3 =	sld [smem:$0x3FFE];
	_ =	sdelay $0x1  }
0x8a: {  	s1 =	srdreg.scid  }
0x8b: {  	s0 =	sand.u32 $0x1, s1  }
0x8c: {  	s17 =	sshll.u32 s0, $0xA;
	s2 =	sadd.s32 s3, s2  }
0x8d: {  	s2 =	sadd.s32 s2, s17  }
0x8e: {  	[smem:$0x3FC0] =	sst s2  }
0x8f: {  	_ = 	snop  }
0x90: {  	s2 =	sld [smem:$0x3FD0];
	(tm) =	ssettm $0x1  }
0x91: {  	s18 =	sld [smem:$0x3FFB];
	_ =	sdelay $0x3  }
0x92: {  	_ =	strace s18  }
0x93: {  	s3 =	sld [smem:$0x3FFC];
	_ =	sdelay $0x3  }
0x94: {  	_ =	strace s3  }
0x95: {  	s3 =	sld [smem:$0x3FFD];
	_ =	sdelay $0x3  }
0x96: {  	_ =	strace s3  }
0x97: {  	_ =	strace $0x8FFFFFFF  }
0x98: {  	s19 =	sld [smem:$0x3FDB];
	_ =	sdelay $0x1  }
0x99: {  	s4 =	simm.s32 $_scs_section_size  }
0x9a: {  	s5 =	simm.s32 $_size__tile_overlayer_lowered;
	s6 =	simm.s32 $_tile_overlayer_lowered  }
0x9b: {  	s22 =	simm.s32 $0x1BFF;
	s21 =	sshll.u32 s6, $0x1;
	s3 =	sadd.s32 s4, s19  }
0x9c: {  	s7 =	simm.s32 $0x0;
	s20 =	sshll.u32 s5, $0x1;
	s5 =	sadd.s32 s21, s3  }
0x9d: {  	[timem:s7], [sflag:s22] =	dma.local [hbm:s5], s20  }
0x9e: {  	_ =	swait.ge [sflag:s22], s20  }
0x9f: {  	s4 =	ssub.s32 $0x0, s20;
	[sflag:s22] =	ssyncset.done $0x0  }
0xa0: {  	[sflag:s22] =	ssyncadd.s32 s4;
	_ =	sdelay $0x1  }
0xa1: {  	s23 =	simm.s32 $0x1B8B  }
0xa2: {  	_ =	swait.ge [sflag:s23], $0x1  }
0xa3: {  	[sflag:s23] =	ssyncset.done $0x0  }
0xa4: {  	s25 =	simm.s32 $0x1B8E;
	s24 =	sld [smem:$0x3FFE];
	[sflag:s23] =	ssyncadd.s32 $0xFFFFFFFF  }
0xa5: {  	s26 =	simm.s32 $execute0_lowered;
	[smem:$0x3FD2] =	sst s25  }
0xa6: {  	s5 =	sshll.u32 s26, $0x1;
	_ =	strace $0x80000049;
	[dreg:$0x1] =	wrdreg $0xFFFFFFFF  }
0xa7: {  	s28 =	simm.s32 $_size_execute0_lowered;
	s3 =	sadd.s32 s3, s5;
	[dreg:$0x0] =	wrdreg $0x0  }
0xa8: {  	s5 =	sshll.u32 s28, $0x1;
	[dreg:$0x2] =	wrdreg s3  }
0xa9: {  	[dreg:$0x3] =	wrdreg s5  }
0xaa: {  	[dreg:$0x4] =	wrdreg $0xC0  }
0xab: {  	_ =	task [dreg:s7], $0x5FFFF  }
0xac: {  	[dreg:$0x1] =	wrdreg $0xFFFFFFFF  }
0xad: {  	[dreg:$0x0] =	wrdreg $0x60  }
0xae: {  	[dreg:$0x2] =	wrdreg s2  }
0xaf: {  	[dreg:$0x3] =	wrdreg s24  }
0xb0: {  	[dreg:$0x4] =	wrdreg $0x91000  }
0xb1: {  	[dreg:$0x5] =	wrdreg $0x9  }
0xb2: {  	_ =	task.clear_ibuf [dreg:s7], $0x6FFFF;
	_ =	strace $0x90000049  }
0xb3: {  	s29 =	simm.s32 $0x9;
	_ =	strace $0x8000004B  }
0xb4: {  	_ =	swait.ge [sflag:s29], $0x1  }
0xb5: {  	[sflag:s29] =	ssyncadd.s32 $0xFFFFFFFF  }
0xb6: {  	_ =	strace $0x9000004B  }
0xb7: {  	_ =	sfence  }
0xb8: {  	s30 =	sld [smem:$0x0];
	_ =	sdelay $0x2  }
0xb9: {  	s31 =	sshll.u32 s1, $0xD;
	s1 =	sshrl.u32 s1, $0x2  }
0xba: {  	s3 =	sand.u32 $0x4000, s31;
	s1 =	sadd.s32 s1, s30  }
0xbb: {  	s0 =	sor.u32 s3, s0;
	s1 =	sshll.u32 s1, $0x11  }
0xbc: {  	s0 =	sor.u32 s1, s0  }
0xbd: {  	s0 =	sadd.s32 $0x8F2B, s0  }
0xbe: {  	[sflag:s0] =	ssyncadd.remote.s32 $0x1  }
0xbf: {  	_ =	sfence.sel $0xFFFF  }
0xc0: {  	[dreg:$0x0] =	wrdreg $0xFFFFFFFF;
	(pc) =	sbr.abs _section_cstart, $3  }
0xc1: {  	[dreg:$0x1] =	wrdreg $0xFFFFFFFF  }
0xc2: {  	_ =	task.clear_ibuf [dreg:s7], $0x2FFFF;
	_ =	strace $0x9FFFFFFF  }
0xc3: {  	(tm) =	ssettm $0x7FFFFFFF  }
tec
execute0_lowered:
.L_overlay_start_1:
0x0: {  	(tag) =	ssettag $0x1  }
0x1: {  	s1 =	rddreg [dreg:$0x0]  }
0x2: {  	s0 =	rddreg [dreg:$0x1]  }
0x3: {  	s4 =	rddreg [dreg:$0x2];
	s2 =	srdreg.scid  }
0x4: {  	s10 =	stileid.u32;
	s3 =	simm.s32 $0x0;
	s30 =	simm.s32 $0x5900  }
0x5: {  	s31 =	simm.s32 $0x6100;
	s29 =	simm.s32 $0x4080;
	s2 =	sand.u32 $0x1, s2  }
0x6: {  	s6 =	sshll.u32 s10, $0xE;
	s11 =	smul.u32 $0x13800, s10;
	[smem:$0x7FF] =	sst s3  }
0x7: {  	s12 =	sadd.s32 $0x2600, s0;
	s10 =	smul.u32 $0x4E000, s10;
	s5 =	sshll.u32 s2, $0x12  }
0x8: {  	s28 =	simm.s32 $0x10;
	s7 =	smul.u32 $0x138800, s2;
	_ =	strace $0x8000004A  }
0x9: {  	s2 =	ssub.s32 $0x2, s2;
	[dreg:$0x14] =	wrdreg s12;
	s5 =	sor.u32 s6, s5  }
0xa: {  	s13 =	sshrl.u32 s2, $0x1;
	s16 =	sshrl.u32 s10, $0x2;
	s6 =	simm.s32 $0x8900  }
0xb: {  	s10 =	simm.s32 $0x1;
	s8 =	sshrl.u32 s5, $0x3;
	s7 =	sadd.s32 s11, s7  }
0xc: {  	s2 =	ssub.s32 s2, s13;
	s26 =	sadd.s32 s16, s4;
	[dreg:$0x13] =	wrdreg s5  }
0xd: {  	s23 =	sor.u32 $0x80, s5;
	s11 =	simm.s32 $0x5;
	s13 =	simm.s32 $0x7  }
0xe: {  	s16 =	simm.s32 $0x50;
	s15 =	sadd.s32 s12, s8;
	[dreg:$0x9] =	wrdreg s26  }
0xf: {  	s5 =	simm.s32 $0x0;
	s17 =	smax.u32 s2, $0x1;
	[dreg:$0x5] =	wrdreg s15  }
0x10: {  	s9 =	sadd.s32 s8, s0;
	s18 =	sadd.s32 $0x2800, s26;
	[dreg:$0xa] =	wrdreg s17  }
0x11: {  	s7 =	sshrl.u32 s7, $0x3;
	s19 =	sadd.s32 $0x5000, s26;
	[dreg:$0xb] =	wrdreg s18  }
0x12: {  	s20 =	sadd.s32 $0x7800, s26;
	s21 =	sadd.s32 $0xA000, s26;
	[dreg:$0xc] =	wrdreg s19  }
0x13: {  	s22 =	sadd.s32 $0xC800, s26;
	s24 =	sadd.s32 $0xF000, s26;
	[dreg:$0xd] =	wrdreg s20  }
0x14: {  	s25 =	sadd.s32 $0x11800, s26;
	s2 =	simm.s32 $0x6900;
	[dreg:$0xe] =	wrdreg s21  }
0x15: {  	s0 =	sadd.s32 s7, s0;
	s14 =	sadd.s32 $0x60800, s9;
	[dreg:$0xf] =	wrdreg s22  }
0x16: {  	s8 =	sadd.s32 $0x7B0, s15;
	s7 =	sadd.s32 $0x7C0, s15;
	[dreg:$0x10] =	wrdreg s24  }
0x17: {  	[dreg:$0x11] =	wrdreg s25;
	s22 =	simm.s32 $0xB;
	s24 =	simm.s32 $0x4000  }
0x18: {  	s25 =	simm.s32 $0x18;
	s15 =	simm.s32 $0x3;
	[dreg:$0x4] =	wrdreg s14  }
0x19: {  	s17 =	simm.s32 $0x2;
	s18 =	simm.s32 $0x6;
	[dreg:$0x6] =	wrdreg s8  }
0x1a: {  	s19 =	simm.s32 $0x9;
	[dreg:$0x7] =	wrdreg s7;
	s0 =	sadd.s32 $0x70800, s0  }
0x1b: {  	s20 =	simm.s32 $0xA;
	[dreg:$0x8] =	wrdreg s0;
	s0 =	sshrl.u32 s23, $0x3  }
0x1c: {  	s7 =	simm.s32 $0x4D00;
	s14 =	simm.s32 $0x8;
	s0 =	sadd.s32 s0, s12  }
0x1d: {  	v0 =	vimm.f32 $0.0e+00;
	s8 =	simm.s32 $0x4;
	s23 =	simm.s32 $0x4100;
	[dreg:$0x12] =	wrdreg s0  }
.LBB2_1:
0x1e: {  	[dreg:$0x15] =	wrdreg s5  }
0x1f: {  	s0 =	rddreg [dreg:$0x4]  }
0x20: {  	[tilespmem:s3], [sflag:$0xB] =	stream.linear.gather [hbm4b:s0+s3], $0x3E80, $0x38;
	[tilespmem:$0x1C980] =	vst v63  }
0x21: {  	_ =	swait.ge [sflag:s22], $0x3E80  }
0x22: {  	[sflag:s22] =	ssyncset.done $0x0  }
0x23: {  	s12 =	simm.s32 $0x70;
	s21 =	simm.s32 $0x3C0;
	[sflag:s22] =	ssyncadd.s32 $0xFFFFC180  }
.LBB2_2:
0x24: {  	p0 =	sne.s32 s21, $0x9FC0;
	[tilespmem:s12+$0x4100] =	vst v0  }
0x25: {  	[tilespmem:s12+$0x4090] =	vst v0  }
0x26: {  	[tilespmem:s12+$0x40A0] =	vst v0  }
.Ltmp0:
0x27: {  	[tilespmem:s12+$0x40B0] =	vst v0;
	(pc) =	sbr.rel @p0 .LBB2_2-.Ltmp0, $4  }
0x28: {  	[tilespmem:s12+$0x40C0] =	vst v0  }
0x29: {  	[tilespmem:s12+$0x40D0] =	vst v0  }
0x2a: {  	[tilespmem:s12+$0x40E0] =	vst v0  }
0x2b: {  	[tilespmem:s12+$0x40F0] =	vst v0;
	s12 =	sshra.s32 s21, $0x2;
	s21 =	sadd.s32 $0x200, s21  }
0x2c: {  	[tilespmem:s12+$0x4100] =	vst v0  }
0x2d: {  	[tilespmem:s12+$0x4090] =	vst v0  }
0x2e: {  	[tilespmem:s12+$0x40A0] =	vst v0  }
0x2f: {  	[tilespmem:s12+$0x40B0] =	vst v0  }
0x30: {  	[tilespmem:s12+$0x40C0] =	vst v0  }
0x31: {  	[tilespmem:s12+$0x40D0] =	vst v0  }
0x32: {  	[tilespmem:s12+$0x40E0] =	vst v0  }
0x33: {  	[tilespmem:s12+$0x40F0] =	vst v0  }
0x34: {  	[spmem:s26] =	stream.linear.scatter [tilespmem:s23], [sflag:$0xB], $0x2800, $0x38;
	[tilespmem:$0x1C980] =	vst v63  }
0x35: {  	_ =	swait.ge [sflag:s22], $0x2800  }
0x36: {  	[sflag:s22] =	ssyncset.done $0x0  }
0x37: {  	s0 =	rddreg [dreg:$0xb];
	[sflag:s22] =	ssyncadd.s32 $0xFFFFD800  }
0x38: {  	[spmem:s0] =	stream.linear.scatter [tilespmem:s23], [sflag:$0xB], $0x2800, $0x38;
	[tilespmem:$0x1C980] =	vst v63  }
0x39: {  	_ =	swait.ge [sflag:s22], $0x2800  }
0x3a: {  	[sflag:s22] =	ssyncset.done $0x0  }
0x3b: {  	s5 =	rddreg [dreg:$0xc];
	[sflag:s22] =	ssyncadd.s32 $0xFFFFD800  }
0x3c: {  	[spmem:s5] =	stream.linear.scatter [tilespmem:s23], [sflag:$0xB], $0x2800, $0x38;
	[tilespmem:$0x1C980] =	vst v63  }
0x3d: {  	_ =	swait.ge [sflag:s22], $0x2800  }
0x3e: {  	[sflag:s22] =	ssyncset.done $0x0  }
0x3f: {  	s9 =	rddreg [dreg:$0xd];
	[sflag:s22] =	ssyncadd.s32 $0xFFFFD800  }
0x40: {  	[spmem:s9] =	stream.linear.scatter [tilespmem:s23], [sflag:$0xB], $0x2800, $0x38;
	[tilespmem:$0x1C980] =	vst v63  }
0x41: {  	_ =	swait.ge [sflag:s22], $0x2800  }
0x42: {  	[sflag:s22] =	ssyncset.done $0x0  }
0x43: {  	s12 =	rddreg [dreg:$0xe];
	[sflag:s22] =	ssyncadd.s32 $0xFFFFD800  }
0x44: {  	[spmem:s12] =	stream.linear.scatter [tilespmem:s23], [sflag:$0xB], $0x2800, $0x38;
	[tilespmem:$0x1C980] =	vst v63  }
0x45: {  	_ =	swait.ge [sflag:s22], $0x2800  }
0x46: {  	[sflag:s22] =	ssyncset.done $0x0  }
0x47: {  	s21 =	rddreg [dreg:$0xf];
	[sflag:s22] =	ssyncadd.s32 $0xFFFFD800  }
0x48: {  	[spmem:s21] =	stream.linear.scatter [tilespmem:s23], [sflag:$0xB], $0x2800, $0x38;
	[tilespmem:$0x1C980] =	vst v63  }
0x49: {  	_ =	swait.ge [sflag:s22], $0x2800  }
0x4a: {  	[sflag:s22] =	ssyncset.done $0x0  }
0x4b: {  	s26 =	rddreg [dreg:$0x10];
	[sflag:s22] =	ssyncadd.s32 $0xFFFFD800  }
0x4c: {  	[spmem:s26] =	stream.linear.scatter [tilespmem:s23], [sflag:$0xB], $0x2800, $0x38;
	[tilespmem:$0x1C980] =	vst v63  }
0x4d: {  	_ =	swait.ge [sflag:s22], $0x2800  }
0x4e: {  	[sflag:s22] =	ssyncset.done $0x0  }
0x4f: {  	s5 =	rddreg [dreg:$0x11];
	[sflag:s22] =	ssyncadd.s32 $0xFFFFD800  }
0x50: {  	[spmem:s5] =	stream.linear.scatter [tilespmem:s23], [sflag:$0xB], $0x2800, $0x38;
	[tilespmem:$0x1C980] =	vst v63  }
0x51: {  	_ =	swait.ge [sflag:s22], $0x2800  }
0x52: {  	[sflag:s22] =	ssyncset.done $0x0  }
0x53: {  	[sflag:s22] =	ssyncadd.s32 $0xFFFFD800  }
0x54: {  	[bflag:$0x0] =	sbarrier.arrive $0xFFFF  }
0x55: {  	s9 =	simm.s32 $0x0;
	s21 =	rddreg [dreg:$0x5]  }
0x56: {  	[tilespmem:s24], [sflag:$0x3] =	stream.linear.gather [hbm4b:s21+s9], $0x80, $0x38;
	[tilespmem:$0x1C980] =	vst v63  }
0x57: {  	_ = 	snop  }
0x58: {  	[tilespmem:s23], [sflag:$0x1] =	stream.indirect.gather [hbm4b:s1+s25], $0x80, s9, s25, $0xb8;
	[tilespmem:$0x1C980] =	vst v63  }
0x59: {  	_ = 	snop  }
0x5a: {  	[tilespmem:s7], [sflag:$0x5] =	stream.indirect.gather [hbm4b:s1+s25], $0x80, s25, s25, $0xb8;
	[tilespmem:$0x1C980] =	vst v63  }
0x5b: {  	s26 =	simm.s32 $0x30  }
0x5c: {  	[tilespmem:s30], [sflag:$0x7] =	stream.indirect.gather [hbm4b:s1+s28], $0x80, s26, s28, $0xb8;
	[tilespmem:$0x1C980] =	vst v63  }
0x5d: {  	s5 =	simm.s32 $0x40  }
0x5e: {  	[tilespmem:s31], [sflag:$0x8] =	stream.indirect.gather [hbm4b:s1+s28], $0x80, s5, s28, $0xb8;
	[tilespmem:$0x1C980] =	vst v63  }
0x5f: {  	s21 =	rddreg [dreg:$0x12]  }
0x60: {  	[tilespmem:s29], [sflag:$0x4] =	stream.linear.gather [hbm4b:s21+s3], $0x80, $0x38;
	[tilespmem:$0x1C980] =	vst v63  }
0x61: {  	s9 =	simm.s32 $0x80  }
0x62: {  	[tilespmem:s2], [sflag:$0x2] =	stream.indirect.gather [hbm4b:s1+s25], $0x80, s9, s25, $0xb8;
	[tilespmem:$0x1C980] =	vst v63  }
0x63: {  	s12 =	simm.s32 $0x98;
	s26 =	simm.s32 $0x7500  }
0x64: {  	[tilespmem:s26], [sflag:$0x6] =	stream.indirect.gather [hbm4b:s1+s25], $0x80, s12, s25, $0xb8;
	[tilespmem:$0x1C980] =	vst v63  }
0x65: {  	s3 =	simm.s32 $0xB0;
	s9 =	simm.s32 $0x8100  }
0x66: {  	[tilespmem:s9], [sflag:$0x9] =	stream.indirect.gather [hbm4b:s1+s28], $0x80, s3, s28, $0xb8;
	[tilespmem:$0x1C980] =	vst v63  }
0x67: {  	s12 =	simm.s32 $0xC0  }
0x68: {  	[tilespmem:s6], [sflag:$0xA] =	stream.indirect.gather [hbm4b:s1+s28], $0x80, s12, s28, $0xb8;
	[tilespmem:$0x1C980] =	vst v63  }
0x69: {  	_ =	swait.ge [sflag:s10], $0xC00  }
0x6a: {  	[sflag:s10] =	ssyncset.done $0x0  }
0x6b: {  	[sflag:s10] =	ssyncadd.s32 $0xFFFFF400  }
0x6c: {  	_ =	swait.ge [sflag:s11], $0xC00  }
0x6d: {  	[sflag:s11] =	ssyncset.done $0x0  }
0x6e: {  	[sflag:s11] =	ssyncadd.s32 $0xFFFFF400  }
0x6f: {  	_ =	swait.ge [sflag:s13], $0x800  }
0x70: {  	[sflag:s13] =	ssyncset.done $0x0  }
0x71: {  	[sflag:s13] =	ssyncadd.s32 $0xFFFFF800  }
0x72: {  	_ =	swait.ge [sflag:s14], $0x800  }
0x73: {  	[sflag:s14] =	ssyncset.done $0x0  }
0x74: {  	[sflag:s14] =	ssyncadd.s32 $0xFFFFF800  }
0x75: {  	s26 =	simm.s32 $0x100;
	_ =	swait.ge [sflag:s15], $0x80  }
0x76: {  	s9 =	sand.u32 $0x7C00, s26;
	[sflag:s15] =	ssyncset.done $0x0;
	s6 =	rddreg [dreg:$0x13]  }
0x77: {  	s0 =	sand.u32 $0x300, s26;
	[sflag:s15] =	ssyncadd.s32 $0xFFFFFF80;
	s12 =	sadd.s32 s6, s9  }
0x78: {  	[spmem:s4] =	stream.indirect.scatter.add.f32 [tilespmem:s23], [sflag:$0xB], $0x80, s24, s16, $0xb8;
	[tilespmem:$0x1C980] =	vst v63  }
0x79: {  	s0 =	sor.u32 s0, s12;
	_ =	swait.ge [sflag:s22], $0x2800  }
0x7a: {  	s0 =	sshrl.u32 s0, $0x3;
	[sflag:s22] =	ssyncset.done $0x0;
	s9 =	rddreg [dreg:$0x14]  }
0x7b: {  	s5 =	simm.s32 $0x0;
	[sflag:s22] =	ssyncadd.s32 $0xFFFFD800;
	s0 =	sadd.s32 s9, s0  }
0x7c: {  	[tilespmem:s24], [sflag:$0x3] =	stream.linear.gather [hbm4b:s0+s5], $0x80, $0x38;
	[tilespmem:$0x1C980] =	vst v63  }
0x7d: {  	s26 =	simm.s32 $0x100  }
0x7e: {  	[tilespmem:s23], [sflag:$0x1] =	stream.indirect.gather [hbm4b:s1+s25], $0x80, s26, s25, $0xb8;
	[tilespmem:$0x1C980] =	vst v63  }
0x7f: {  	s12 =	simm.s32 $0x118  }
0x80: {  	[tilespmem:s7], [sflag:$0x5] =	stream.indirect.gather [hbm4b:s1+s25], $0x80, s12, s25, $0xb8;
	[tilespmem:$0x1C980] =	vst v63  }
0x81: {  	s26 =	simm.s32 $0x130  }
0x82: {  	[tilespmem:s30], [sflag:$0x7] =	stream.indirect.gather [hbm4b:s1+s28], $0x80, s26, s28, $0xb8;
	[tilespmem:$0x1C980] =	vst v63  }
0x83: {  	s30 =	simm.s32 $0x140  }
0x84: {  	[tilespmem:s31], [sflag:$0x8] =	stream.indirect.gather [hbm4b:s1+s28], $0x80, s30, s28, $0xb8;
	[tilespmem:$0x1C980] =	vst v63  }
0x85: {  	_ =	swait.ge [sflag:s17], $0xC00  }
0x86: {  	[sflag:s17] =	ssyncset.done $0x0  }
0x87: {  	[sflag:s17] =	ssyncadd.s32 $0xFFFFF400  }
0x88: {  	_ =	swait.ge [sflag:s18], $0xC00  }
0x89: {  	[sflag:s18] =	ssyncset.done $0x0  }
0x8a: {  	[sflag:s18] =	ssyncadd.s32 $0xFFFFF400  }
0x8b: {  	_ =	swait.ge [sflag:s19], $0x800  }
0x8c: {  	[sflag:s19] =	ssyncset.done $0x0  }
0x8d: {  	[sflag:s19] =	ssyncadd.s32 $0xFFFFF800  }
0x8e: {  	_ =	swait.ge [sflag:s20], $0x800  }
0x8f: {  	[sflag:s20] =	ssyncset.done $0x0  }
0x90: {  	[sflag:s20] =	ssyncadd.s32 $0xFFFFF800  }
0x91: {  	_ =	swait.ge [sflag:s8], $0x80  }
0x92: {  	s3 =	simm.s32 $0x8900;
	[sflag:s8] =	ssyncset.done $0x0  }
0x93: {  	s12 =	sadd.s32 $0x20, s21;
	s21 =	simm.s32 $0x200;
	[sflag:s8] =	ssyncadd.s32 $0xFFFFFF80  }
0x94: {  	[spmem:s4] =	stream.indirect.scatter.add.f32 [tilespmem:s2], [sflag:$0xB], $0x80, s29, s16, $0xb8;
	[tilespmem:$0x1C980] =	vst v63  }
0x95: {  	s7 =	simm.s32 $0x4D00;
	s26 =	simm.s32 $0x400;
	_ =	swait.ge [sflag:s22], $0x2800  }
.LBB2_4:
0x96: {  	s0 =	smov.u32 s26  }
0x97: {  	s30 =	sshra.s32 s26, $0x2;
	[sflag:s22] =	ssyncset.done $0x0;
	s0 =	sadd.s32 $0x400, s26  }
0x98: {  	p0 =	sne.s32 s26, $0xF000;
	[sflag:s22] =	ssyncadd.s32 $0xFFFFD800  }
0x99: {  	[tilespmem:s29], [sflag:$0x4] =	stream.linear.gather [hbm4b:s12+s5], $0x80, $0x38;
	[tilespmem:$0x1C980] =	vst v63  }
0x9a: {  	s26 =	sadd.s32 $0x80, s30  }
0x9b: {  	[tilespmem:s2], [sflag:$0x2] =	stream.indirect.gather [hbm4b:s1+s25], $0x80, s26, s25, $0xb8;
	[tilespmem:$0x1C980] =	vst v63  }
0x9c: {  	s31 =	simm.s32 $0x7500;
	s26 =	sadd.s32 $0x98, s30  }
0x9d: {  	[tilespmem:s31], [sflag:$0x6] =	stream.indirect.gather [hbm4b:s1+s25], $0x80, s26, s25, $0xb8;
	[tilespmem:$0x1C980] =	vst v63  }
0x9e: {  	s26 =	sadd.s32 $0xB0, s30;
	s31 =	simm.s32 $0x8100  }
0x9f: {  	[tilespmem:s31], [sflag:$0x9] =	stream.indirect.gather [hbm4b:s1+s28], $0x80, s26, s28, $0xb8;
	[tilespmem:$0x1C980] =	vst v63  }
0xa0: {  	s26 =	sadd.s32 $0xC0, s30  }
0xa1: {  	[tilespmem:s3], [sflag:$0xA] =	stream.indirect.gather [hbm4b:s1+s28], $0x80, s26, s28, $0xb8;
	[tilespmem:$0x1C980] =	vst v63  }
0xa2: {  	_ =	swait.ge [sflag:s10], $0xC00  }
0xa3: {  	[sflag:s10] =	ssyncset.done $0x0  }
0xa4: {  	[sflag:s10] =	ssyncadd.s32 $0xFFFFF400  }
0xa5: {  	_ =	swait.ge [sflag:s11], $0xC00  }
0xa6: {  	[sflag:s11] =	ssyncset.done $0x0  }
0xa7: {  	[sflag:s11] =	ssyncadd.s32 $0xFFFFF400  }
0xa8: {  	_ =	swait.ge [sflag:s13], $0x800  }
0xa9: {  	[sflag:s13] =	ssyncset.done $0x0  }
0xaa: {  	[sflag:s13] =	ssyncadd.s32 $0xFFFFF800  }
0xab: {  	_ =	swait.ge [sflag:s14], $0x800  }
0xac: {  	[sflag:s14] =	ssyncset.done $0x0  }
0xad: {  	[sflag:s14] =	ssyncadd.s32 $0xFFFFF800  }
0xae: {  	_ =	swait.ge [sflag:s15], $0x80  }
0xaf: {  	s26 =	sand.u32 $0x7C00, s21;
	[sflag:s15] =	ssyncset.done $0x0  }
0xb0: {  	s31 =	sand.u32 $0x300, s21;
	s26 =	sadd.s32 s6, s26;
	[sflag:s15] =	ssyncadd.s32 $0xFFFFFF80  }
0xb1: {  	[spmem:s4] =	stream.indirect.scatter.add.f32 [tilespmem:s23], [sflag:$0xB], $0x80, s24, s16, $0xb8;
	[tilespmem:$0x1C980] =	vst v63  }
0xb2: {  	s26 =	sor.u32 s31, s26;
	_ =	swait.ge [sflag:s22], $0x2800  }
0xb3: {  	s26 =	sshrl.u32 s26, $0x3;
	[sflag:s22] =	ssyncset.done $0x0  }
0xb4: {  	s31 =	sadd.s32 $0x100, s30;
	s26 =	sadd.s32 s9, s26;
	[sflag:s22] =	ssyncadd.s32 $0xFFFFD800  }
0xb5: {  	[tilespmem:s24], [sflag:$0x3] =	stream.linear.gather [hbm4b:s26+s5], $0x80, $0x38;
	[tilespmem:$0x1C980] =	vst v63  }
0xb6: {  	s26 =	sadd.s32 $0x118, s30  }
0xb7: {  	[tilespmem:s23], [sflag:$0x1] =	stream.indirect.gather [hbm4b:s1+s25], $0x80, s31, s25, $0xb8;
	[tilespmem:$0x1C980] =	vst v63  }
0xb8: {  	s31 =	sadd.s32 $0x130, s30  }
0xb9: {  	[tilespmem:s7], [sflag:$0x5] =	stream.indirect.gather [hbm4b:s1+s25], $0x80, s26, s25, $0xb8;
	[tilespmem:$0x1C980] =	vst v63  }
0xba: {  	s26 =	sadd.s32 $0x140, s30;
	s30 =	simm.s32 $0x5900  }
0xbb: {  	[tilespmem:s30], [sflag:$0x7] =	stream.indirect.gather [hbm4b:s1+s28], $0x80, s31, s28, $0xb8;
	[tilespmem:$0x1C980] =	vst v63  }
0xbc: {  	s31 =	simm.s32 $0x6100;
	_ =	sdelay $0x1  }
0xbd: {  	[tilespmem:s31], [sflag:$0x8] =	stream.indirect.gather [hbm4b:s1+s28], $0x80, s26, s28, $0xb8;
	[tilespmem:$0x1C980] =	vst v63  }
0xbe: {  	_ =	swait.ge [sflag:s17], $0xC00  }
0xbf: {  	[sflag:s17] =	ssyncset.done $0x0  }
0xc0: {  	[sflag:s17] =	ssyncadd.s32 $0xFFFFF400  }
0xc1: {  	_ =	swait.ge [sflag:s18], $0xC00  }
0xc2: {  	[sflag:s18] =	ssyncset.done $0x0  }
0xc3: {  	[sflag:s18] =	ssyncadd.s32 $0xFFFFF400  }
0xc4: {  	_ =	swait.ge [sflag:s19], $0x800  }
0xc5: {  	[sflag:s19] =	ssyncset.done $0x0  }
0xc6: {  	[sflag:s19] =	ssyncadd.s32 $0xFFFFF800  }
0xc7: {  	_ =	swait.ge [sflag:s20], $0x800  }
0xc8: {  	[sflag:s20] =	ssyncset.done $0x0  }
0xc9: {  	[sflag:s20] =	ssyncadd.s32 $0xFFFFF800  }
.Ltmp1:
0xca: {  	_ =	swait.ge [sflag:s8], $0x80;
	(pc) =	sbr.rel @p0 .LBB2_4-.Ltmp1, $4  }
0xcb: {  	[sflag:s8] =	ssyncset.done $0x0  }
0xcc: {  	s12 =	sadd.s32 $0x20, s12;
	[sflag:s8] =	ssyncadd.s32 $0xFFFFFF80  }
0xcd: {  	[spmem:s4] =	stream.indirect.scatter.add.f32 [tilespmem:s2], [sflag:$0xB], $0x80, s29, s16, $0xb8;
	[tilespmem:$0x1C980] =	vst v63  }
0xce: {  	s21 =	sadd.s32 $0x100, s21;
	s26 =	smov.u32 s0;
	_ =	swait.ge [sflag:s22], $0x2800  }
0xcf: {  	[sflag:s22] =	ssyncset.done $0x0  }
0xd0: {  	s0 =	rddreg [dreg:$0x6];
	[sflag:s22] =	ssyncadd.s32 $0xFFFFD800  }
0xd1: {  	[tilespmem:s29], [sflag:$0x4] =	stream.linear.gather [hbm4b:s0+s5], $0x80, $0x38;
	[tilespmem:$0x1C980] =	vst v63  }
0xd2: {  	s21 =	simm.s32 $0x3D80  }
0xd3: {  	[tilespmem:s2], [sflag:$0x2] =	stream.indirect.gather [hbm4b:s1+s25], $0x80, s21, s25, $0xb8;
	[tilespmem:$0x1C980] =	vst v63  }
0xd4: {  	s26 =	simm.s32 $0x3D98;
	s6 =	simm.s32 $0x7500  }
0xd5: {  	[tilespmem:s6], [sflag:$0x6] =	stream.indirect.gather [hbm4b:s1+s25], $0x80, s26, s25, $0xb8;
	[tilespmem:$0x1C980] =	vst v63  }
0xd6: {  	s9 =	simm.s32 $0x3DB0;
	s12 =	simm.s32 $0x8100  }
0xd7: {  	[tilespmem:s12], [sflag:$0x9] =	stream.indirect.gather [hbm4b:s1+s28], $0x80, s9, s28, $0xb8;
	[tilespmem:$0x1C980] =	vst v63  }
0xd8: {  	s21 =	simm.s32 $0x3DC0  }
0xd9: {  	[tilespmem:s3], [sflag:$0xA] =	stream.indirect.gather [hbm4b:s1+s28], $0x80, s21, s28, $0xb8;
	[tilespmem:$0x1C980] =	vst v63  }
0xda: {  	_ =	swait.ge [sflag:s10], $0xC00  }
0xdb: {  	[sflag:s10] =	ssyncset.done $0x0  }
0xdc: {  	[sflag:s10] =	ssyncadd.s32 $0xFFFFF400  }
0xdd: {  	_ =	swait.ge [sflag:s11], $0xC00  }
0xde: {  	[sflag:s11] =	ssyncset.done $0x0  }
0xdf: {  	[sflag:s11] =	ssyncadd.s32 $0xFFFFF400  }
0xe0: {  	_ =	swait.ge [sflag:s13], $0x800  }
0xe1: {  	[sflag:s13] =	ssyncset.done $0x0  }
0xe2: {  	[sflag:s13] =	ssyncadd.s32 $0xFFFFF800  }
0xe3: {  	_ =	swait.ge [sflag:s14], $0x800  }
0xe4: {  	[sflag:s14] =	ssyncset.done $0x0  }
0xe5: {  	[sflag:s14] =	ssyncadd.s32 $0xFFFFF800  }
0xe6: {  	_ =	swait.ge [sflag:s15], $0x80  }
0xe7: {  	[sflag:s15] =	ssyncset.done $0x0  }
0xe8: {  	[sflag:s15] =	ssyncadd.s32 $0xFFFFFF80  }
0xe9: {  	[spmem:s4] =	stream.indirect.scatter.add.f32 [tilespmem:s23], [sflag:$0xB], $0x80, s24, s16, $0xb8;
	[tilespmem:$0x1C980] =	vst v63  }
0xea: {  	_ =	swait.ge [sflag:s22], $0x2800  }
0xeb: {  	[sflag:s22] =	ssyncset.done $0x0  }
0xec: {  	s26 =	rddreg [dreg:$0x7];
	[sflag:s22] =	ssyncadd.s32 $0xFFFFD800  }
0xed: {  	[tilespmem:s24], [sflag:$0x3] =	stream.linear.gather [hbm4b:s26+s5], $0x80, $0x38;
	[tilespmem:$0x1C980] =	vst v63  }
0xee: {  	s3 =	simm.s32 $0x3E00  }
0xef: {  	[tilespmem:s23], [sflag:$0x1] =	stream.indirect.gather [hbm4b:s1+s25], $0x80, s3, s25, $0xb8;
	[tilespmem:$0x1C980] =	vst v63  }
0xf0: {  	s5 =	simm.s32 $0x3E18  }
0xf1: {  	[tilespmem:s7], [sflag:$0x5] =	stream.indirect.gather [hbm4b:s1+s25], $0x80, s5, s25, $0xb8;
	[tilespmem:$0x1C980] =	vst v63  }
0xf2: {  	s6 =	simm.s32 $0x3E30  }
0xf3: {  	[tilespmem:s30], [sflag:$0x7] =	stream.indirect.gather [hbm4b:s1+s28], $0x80, s6, s28, $0xb8;
	[tilespmem:$0x1C980] =	vst v63  }
0xf4: {  	s7 =	simm.s32 $0x3E40  }
0xf5: {  	[tilespmem:s31], [sflag:$0x8] =	stream.indirect.gather [hbm4b:s1+s28], $0x80, s7, s28, $0xb8;
	[tilespmem:$0x1C980] =	vst v63  }
0xf6: {  	_ =	swait.ge [sflag:s17], $0xC00  }
0xf7: {  	[sflag:s17] =	ssyncset.done $0x0  }
0xf8: {  	[sflag:s17] =	ssyncadd.s32 $0xFFFFF400  }
0xf9: {  	_ =	swait.ge [sflag:s18], $0xC00  }
0xfa: {  	[sflag:s18] =	ssyncset.done $0x0  }
0xfb: {  	[sflag:s18] =	ssyncadd.s32 $0xFFFFF400  }
0xfc: {  	_ =	swait.ge [sflag:s19], $0x800  }
0xfd: {  	[sflag:s19] =	ssyncset.done $0x0  }
0xfe: {  	[sflag:s19] =	ssyncadd.s32 $0xFFFFF800  }
0xff: {  	_ =	swait.ge [sflag:s20], $0x800  }
0x100: {  	[sflag:s20] =	ssyncset.done $0x0  }
0x101: {  	[sflag:s20] =	ssyncadd.s32 $0xFFFFF800  }
0x102: {  	_ =	swait.ge [sflag:s8], $0x80  }
0x103: {  	[sflag:s8] =	ssyncset.done $0x0  }
0x104: {  	[sflag:s8] =	ssyncadd.s32 $0xFFFFFF80  }
0x105: {  	[spmem:s4] =	stream.indirect.scatter.add.f32 [tilespmem:s2], [sflag:$0xB], $0x80, s29, s16, $0xb8;
	[tilespmem:$0x1C980] =	vst v63  }
0x106: {  	_ =	swait.ge [sflag:s22], $0x2800  }
0x107: {  	[sflag:s22] =	ssyncset.done $0x0  }
0x108: {  	[sflag:s22] =	ssyncadd.s32 $0xFFFFD800  }
0x109: {  	_ =	swait.ge [sflag:s10], $0xC00  }
0x10a: {  	[sflag:s10] =	ssyncset.done $0x0  }
0x10b: {  	[sflag:s10] =	ssyncadd.s32 $0xFFFFF400  }
0x10c: {  	_ =	swait.ge [sflag:s11], $0xC00  }
0x10d: {  	[sflag:s11] =	ssyncset.done $0x0  }
0x10e: {  	[sflag:s11] =	ssyncadd.s32 $0xFFFFF400  }
0x10f: {  	_ =	swait.ge [sflag:s13], $0x800  }
0x110: {  	[sflag:s13] =	ssyncset.done $0x0  }
0x111: {  	[sflag:s13] =	ssyncadd.s32 $0xFFFFF800  }
0x112: {  	_ =	swait.ge [sflag:s14], $0x800  }
0x113: {  	[sflag:s14] =	ssyncset.done $0x0  }
0x114: {  	[sflag:s14] =	ssyncadd.s32 $0xFFFFF800  }
0x115: {  	_ =	swait.ge [sflag:s15], $0x80  }
0x116: {  	[sflag:s15] =	ssyncset.done $0x0  }
0x117: {  	[sflag:s15] =	ssyncadd.s32 $0xFFFFFF80  }
0x118: {  	[spmem:s4] =	stream.indirect.scatter.add.f32 [tilespmem:s23], [sflag:$0xB], $0x80, s24, s16, $0xb8;
	[tilespmem:$0x1C980] =	vst v63  }
0x119: {  	_ =	swait.ge [sflag:s22], $0x2800  }
0x11a: {  	[sflag:s22] =	ssyncset.done $0x0  }
0x11b: {  	[sflag:s22] =	ssyncadd.s32 $0xFFFFD800  }
0x11c: {  	s9 =	stileid.u32;
	[bflag:$0x0] =	sbarrier.arrive $0xFFFF  }
0x11d: {  	s0 =	sshll.u32 s9, $0x6;
	s26 =	rddreg [dreg:$0x9]  }
0x11e: {  	s0 =	sor.u32 $0x1C0B, s0;
	s21 =	rddreg [dreg:$0x8];
	s12 =	sshrl.u32 s26, $0x3  }
0x11f: {  	[hbm:s21], [sflag:s0] =	dma.local [spmem:s12], $0x2800  }
0x120: {  	_ =	swait.ge [sflag:s22], $0x2800  }
0x121: {  	s12 =	rddreg [dreg:$0x15]  }
0x122: {  	s21 =	rddreg [dreg:$0xa];
	s5 =	sadd.s32 $0x1, s12  }
0x123: {  	p0 =	sne.s32 s5, s21  }
.Ltmp2:
0x124: {  	_ = 	snop;
	(pc) =	sbr.rel @p0 .LBB2_1-.Ltmp2, $3  }
0x125: {  	_ =	sdelay $0x1  }
0x126: {  	s3 =	simm.s32 $0x0;
	[sflag:s22] =	ssyncset.done $0x0  }
0x127: {  	s6 =	simm.s32 $0x8900;
	s7 =	simm.s32 $0x4D00;
	[sflag:s22] =	ssyncadd.s32 $0xFFFFD800  }
0x128: {  	_ =	sfence.sel $0x180000  }
0x129: {  	[bflag:$0x0] =	sbarrier.arrive $0xFFFF  }
0x12a: {  	_ =	strace $0x9000004A  }
0x12b: {  	s0 =	stileid.u32;
	[bflag:$0x2] =	sbarrier.arrive $0xFFFF  }
0x12c: {  	p0 =	sne.s32 s0, $0x0;
	s0 =	rddreg [dreg:$0x3]  }
0x12d: {  	s0 =	sadd.s32 @!p0 $0x100000, s0  }
0x12e: {  	[sflag:s0] =	ssyncadd.tile.s32 @!p0 $0x1;
	_ =	shalt  }
.Lfunc_end2:
_tile_overlayer_lowered:
.L_overlay_start_2:
0x12f: {  	(tag) =	ssettag $0x2  }
0x130: {  	s0 =	rddreg [dreg:$0x0];
	s2 =	stileid.u32  }
0x131: {  	s1 =	rddreg [dreg:$0x1];
	p0 =	sne.s32 s2, $0x0  }
0x132: {  	s3 =	rddreg [dreg:$0x2];
	[bflag:$0x3] =	sbarrier.arrive $0xFFFF;
	s2 =	simm.s32 @!p0 $0x1C0B  }
0x133: {  	[timem:s3], [sflag:s2] =	dma.local @!p0 [hbm:s0], s1  }
0x134: {  	s0 =	simm.s32 @!p0 $0xB  }
0x135: {  	_ =	swait.ge @!p0 [sflag:s0], s1  }
0x136: {  	s1 =	ssub.s32 @!p0 $0x0, s1;
	[sflag:s0] =	ssyncset.done @!p0 $0x0  }
0x137: {  	[sflag:s0] =	ssyncadd.s32 @!p0 s1  }
0x138: {  	[bflag:$0x3] =	sbarrier.arrive $0xFFFF  }
0x139: {  	_ =	shalt  }

// kernel: kernel.14.cloned.1.call-start
scs
__scs_entry_jumppad:
0x0: {  	(pc) =	sbr.rel $0x88, $3  }
0x1: {  	(tag) =	ssettag $0x0;
	lr =	simm.s32 $0x1  }
0x2: {  	[smem:$0x3F99] =	sst lr;
	_ =	strace $0xD0000000  }
0x3: {  	_ = 	snop  }
0x4: {  	_ = 	snop  }
0x5: {  	_ = 	snop  }
0x6: {  	_ = 	snop  }
0x7: {  	_ = 	snop  }
__scs_overlays_trampoline_lowered:
0x8: {  	[smem:$0x3FA8] =	sst s0  }
0x9: {  	[smem:$0x3FA9] =	sst s1  }
0xa: {  	[smem:$0x3FAA] =	sst s2  }
0xb: {  	[smem:$0x3FAB] =	sst s3  }
0xc: {  	[smem:$0x3FAC] =	sst s4  }
0xd: {  	[smem:$0x3FAD] =	sst s5  }
0xe: {  	[smem:$0x3FAE] =	sst s6  }
0xf: {  	[smem:$0x3FAF] =	sst s7  }
0x10: {  	[smem:$0x3FB0] =	sst s8  }
0x11: {  	[smem:$0x3FB1] =	sst s9;
	s0 =	simm.s32 @!p0 $0x0  }
0x12: {  	s1 =	sld [smem:$0x3F97];
	s0 =	simm.s32 @p0 $0x1  }
0x13: {  	[smem:$0x3FB2] =	sst s0;
	s0 =	simm.s32 @!p1 $0x0  }
0x14: {  	s2 =	sld [smem:$0x3F96];
	s0 =	simm.s32 @p1 $0x1  }
0x15: {  	[smem:$0x3FB3] =	sst s0;
	s0 =	simm.s32 @!p2 $0x0  }
0x16: {  	s3 =	sld [smem:$0x3FDB];
	s0 =	simm.s32 @p2 $0x1  }
0x17: {  	s4 =	simm.s32 $0x1BF5;
	[smem:$0x3FB5] =	sst s0  }
0x18: {  	s0 =	sld [smem:$0x3F98];
	_ =	swait.ge [sflag:s4], $0x0  }
0x19: {  	s7 =	sld [smem:$0x3F99]  }
0x1a: {  	s8 =	sadd.s32 $0xFFFFE003, lr  }
0x1b: {  	s9 =	sadd.s32 $0xFFFFFEF7, lr;
	s5 =	simm.s32 $0xFFFFFFFF;
	p2 =	slt.u32 s8, $0xFFFFF086  }
0x1c: {  	p1 =	slt.u32 s9, $0xF7A;
	s5 =	simm.s32 @!p2 $0x0  }
0x1d: {  	s5 =	simm.s32 @p1 $0x1;
	p0 =	seq.s32 s7, s2  }
0x1e: {  	s7 =	smul.u32 @!p0 $0xF7A, s2;
	p2 =	seq.s32 @!p0 s5, $0x0  }
0x1f: {  	s9 =	smul.u32 $0xF7A, s1;
	s8 =	simm.s32 @!p0 $0x1BF5;
	p2 =	por !p2, p0  }
0x20: {  	[sflag:s8] =	ssyncset.s32 @!p0 $0xFFFFF086;
	s6 =	sadd.s32 @!p0 s3, s7;
	s7 =	simm.s32 @!p0 $0x108  }
0x21: {  	s3 =	sadd.s32 s3, s9;
	s6 =	sadd.s32 @!p0 $0x88, s6;
	s7 =	simm.s32 @p2 $0x1082  }
0x22: {  	[simem:s7], [sflag:s8] =	dma.local @!p0 [hbm:s6], $0xF7A  }
0x23: {  	s9 =	sor.u32 $0xD0000000, s2;
	s6 =	simm.s32 $0x108;
	_ =	swait.ge @!p0 [sflag:s8], $0x0  }
0x24: {  	s3 =	sadd.s32 $0x88, s3;
	s6 =	simm.s32 @!p1 $0x1082;
	[sflag:s4] =	ssyncset.s32 $0xFFFFF086  }
0x25: {  	[simem:s6], [sflag:s4] =	dma.local [hbm:s3], $0xF7A  }
0x26: {  	[smem:$0x3F99] =	sst s1;
	(tag) =	ssettag s2;
	_ =	strace s9  }
0x27: {  	s1 =	sld [smem:$0x3FA9]  }
0x28: {  	s2 =	sld [smem:$0x3FAA]  }
0x29: {  	s4 =	sld [smem:$0x3FAC]  }
0x2a: {  	p0 =	seq.s32 s5, $0x0;
	s5 =	sld [smem:$0x3FAD]  }
0x2b: {  	s6 =	sld [smem:$0x3FAE]  }
0x2c: {  	s7 =	sld [smem:$0x3FAF]  }
0x2d: {  	s3 =	simm.s32 $0x108;
	s8 =	sld [smem:$0x3FB0]  }
0x2e: {  	s3 =	simm.s32 @!p0 $0x1082;
	s9 =	sld [smem:$0x3FB1]  }
0x2f: {  	lr =	sadd.s32 s0, s3;
	s0 =	sld [smem:$0x3FA8]  }
0x30: {  	s3 =	sld [smem:$0x3FAB]  }
0x31: {  	[smem:$0x3FB4] =	sst s10  }
0x32: {  	s10 =	sld [smem:$0x3FB2];
	_ =	sdelay $0x3  }
0x33: {  	p0 =	seq.s32 s10, $0x1;
	s10 =	sld [smem:$0x3FB4];
	_ =	sdelay $0x3  }
0x34: {  	[smem:$0x3FB4] =	sst s10  }
0x35: {  	s10 =	sld [smem:$0x3FB3];
	_ =	sdelay $0x3  }
0x36: {  	p1 =	seq.s32 s10, $0x1;
	s10 =	sld [smem:$0x3FB4];
	_ =	sdelay $0x3  }
0x37: {  	[smem:$0x3FB4] =	sst s10  }
0x38: {  	s10 =	sld [smem:$0x3FB5]  }
0x39: {  	_ = 	snop;
	(pc) =	sbr.ind lr, $3  }
0x3a: {  	_ = 	snop  }
0x3b: {  	_ = 	snop  }
0x3c: {  	p2 =	seq.s32 s10, $0x1;
	s10 =	sld [smem:$0x3FB4]  }
0x3d: {  	_ =	shalt  }
0x3e: {  	_ =	shalt  }
0x3f: {  	_ =	shalt  }
0x40: {  	_ =	shalt  }
0x41: {  	_ =	shalt  }
0x42: {  	_ =	shalt  }
0x43: {  	_ =	shalt  }
0x44: {  	_ =	shalt  }
0x45: {  	_ =	shalt  }
0x46: {  	_ =	shalt  }
0x47: {  	_ =	shalt  }
0x48: {  	_ =	shalt  }
0x49: {  	_ =	shalt  }
0x4a: {  	_ =	shalt  }
0x4b: {  	_ =	shalt  }
0x4c: {  	_ =	shalt  }
0x4d: {  	_ =	shalt  }
0x4e: {  	_ =	shalt  }
0x4f: {  	_ =	shalt  }
0x50: {  	_ =	shalt  }
0x51: {  	_ =	shalt  }
0x52: {  	_ =	shalt  }
0x53: {  	_ =	shalt  }
0x54: {  	_ =	shalt  }
0x55: {  	_ =	shalt  }
0x56: {  	_ =	shalt  }
0x57: {  	_ =	shalt  }
0x58: {  	_ =	shalt  }
0x59: {  	_ =	shalt  }
0x5a: {  	_ =	shalt  }
0x5b: {  	_ =	shalt  }
0x5c: {  	_ =	shalt  }
0x5d: {  	_ =	shalt  }
0x5e: {  	_ =	shalt  }
0x5f: {  	_ =	shalt  }
0x60: {  	_ =	shalt  }
0x61: {  	_ =	shalt  }
0x62: {  	_ =	shalt  }
0x63: {  	_ =	shalt  }
0x64: {  	_ =	shalt  }
0x65: {  	_ =	shalt  }
0x66: {  	_ =	shalt  }
0x67: {  	_ =	shalt  }
0x68: {  	_ =	shalt  }
0x69: {  	_ =	shalt  }
0x6a: {  	_ =	shalt  }
0x6b: {  	_ =	shalt  }
0x6c: {  	_ =	shalt  }
0x6d: {  	_ =	shalt  }
0x6e: {  	_ =	shalt  }
0x6f: {  	_ =	shalt  }
0x70: {  	_ =	shalt  }
0x71: {  	_ =	shalt  }
0x72: {  	_ =	shalt  }
0x73: {  	_ =	shalt  }
0x74: {  	_ =	shalt  }
0x75: {  	_ =	shalt  }
0x76: {  	_ =	shalt  }
0x77: {  	_ =	shalt  }
0x78: {  	_ =	shalt  }
0x79: {  	_ =	shalt  }
0x7a: {  	_ =	shalt  }
0x7b: {  	_ =	shalt  }
0x7c: {  	_ =	shalt  }
0x7d: {  	_ =	shalt  }
0x7e: {  	_ =	shalt  }
0x7f: {  	_ =	shalt  }
0x80: {  	_ =	shalt  }
0x81: {  	_ =	shalt  }
0x82: {  	_ =	shalt  }
0x83: {  	_ =	shalt  }
0x84: {  	_ =	shalt  }
0x85: {  	_ =	shalt  }
0x86: {  	_ =	shalt  }
0x87: {  	_ =	shalt  }
.Lfunc_end0:
.L_simem_size_0:
called_computation.2_lowered:
.L_overlay_start_0:
0x88: {  	s2 =	sld [smem:$0x3FD9]  }
0x89: {  	s3 =	sld [smem:$0x3FFE];
	_ =	sdelay $0x1  }
0x8a: {  	s1 =	srdreg.scid  }
0x8b: {  	s0 =	sand.u32 $0x1, s1  }
0x8c: {  	s17 =	sshll.u32 s0, $0xA;
	s2 =	sadd.s32 s3, s2  }
0x8d: {  	s2 =	sadd.s32 s2, s17  }
0x8e: {  	[smem:$0x3FC0] =	sst s2  }
0x8f: {  	_ = 	snop  }
0x90: {  	s2 =	sld [smem:$0x3FD0];
	(tm) =	ssettm $0x1  }
0x91: {  	s18 =	sld [smem:$0x3FFB];
	_ =	sdelay $0x3  }
0x92: {  	_ =	strace s18  }
0x93: {  	s3 =	sld [smem:$0x3FFC];
	_ =	sdelay $0x3  }
0x94: {  	_ =	strace s3  }
0x95: {  	s3 =	sld [smem:$0x3FFD];
	_ =	sdelay $0x3  }
0x96: {  	_ =	strace s3  }
0x97: {  	_ =	strace $0x8FFFFFFF  }
0x98: {  	s19 =	sld [smem:$0x3FDB];
	_ =	sdelay $0x1  }
0x99: {  	s4 =	simm.s32 $_scs_section_size  }
0x9a: {  	s5 =	simm.s32 $_size__tile_overlayer_lowered;
	s6 =	simm.s32 $_tile_overlayer_lowered  }
0x9b: {  	s22 =	simm.s32 $0x1BFF;
	s21 =	sshll.u32 s6, $0x1;
	s3 =	sadd.s32 s4, s19  }
0x9c: {  	s7 =	simm.s32 $0x0;
	s20 =	sshll.u32 s5, $0x1;
	s5 =	sadd.s32 s21, s3  }
0x9d: {  	[timem:s7], [sflag:s22] =	dma.local [hbm:s5], s20  }
0x9e: {  	_ =	swait.ge [sflag:s22], s20  }
0x9f: {  	s4 =	ssub.s32 $0x0, s20;
	[sflag:s22] =	ssyncset.done $0x0  }
0xa0: {  	[sflag:s22] =	ssyncadd.s32 s4;
	_ =	sdelay $0x1  }
0xa1: {  	s23 =	simm.s32 $0x1B8B  }
0xa2: {  	_ =	swait.ge [sflag:s23], $0x1  }
0xa3: {  	[sflag:s23] =	ssyncset.done $0x0  }
0xa4: {  	s25 =	simm.s32 $0x1B8E;
	s24 =	sld [smem:$0x3FFE];
	[sflag:s23] =	ssyncadd.s32 $0xFFFFFFFF  }
0xa5: {  	s26 =	simm.s32 $execute0_lowered;
	[smem:$0x3FD2] =	sst s25  }
0xa6: {  	s5 =	sshll.u32 s26, $0x1;
	_ =	strace $0x8000004C;
	[dreg:$0x1] =	wrdreg $0xFFFFFFFF  }
0xa7: {  	s28 =	simm.s32 $_size_execute0_lowered;
	s3 =	sadd.s32 s3, s5;
	[dreg:$0x0] =	wrdreg $0x0  }
0xa8: {  	s5 =	sshll.u32 s28, $0x1;
	[dreg:$0x2] =	wrdreg s3  }
0xa9: {  	[dreg:$0x3] =	wrdreg s5  }
0xaa: {  	[dreg:$0x4] =	wrdreg $0xC0  }
0xab: {  	_ =	task [dreg:s7], $0x5FFFF  }
0xac: {  	[dreg:$0x1] =	wrdreg $0xFFFFFFFF  }
0xad: {  	[dreg:$0x0] =	wrdreg $0x60  }
0xae: {  	[dreg:$0x2] =	wrdreg s2  }
0xaf: {  	[dreg:$0x3] =	wrdreg s24  }
0xb0: {  	[dreg:$0x4] =	wrdreg $0x91000  }
0xb1: {  	[dreg:$0x5] =	wrdreg $0x9  }
0xb2: {  	_ =	task.clear_ibuf [dreg:s7], $0x6FFFF;
	_ =	strace $0x9000004C  }
0xb3: {  	s29 =	simm.s32 $0x9;
	_ =	strace $0x8000004E  }
0xb4: {  	_ =	swait.ge [sflag:s29], $0x1  }
0xb5: {  	[sflag:s29] =	ssyncadd.s32 $0xFFFFFFFF  }
0xb6: {  	_ =	strace $0x9000004E  }
0xb7: {  	_ =	sfence  }
0xb8: {  	s30 =	sld [smem:$0x0];
	_ =	sdelay $0x2  }
0xb9: {  	s31 =	sshll.u32 s1, $0xD;
	s1 =	sshrl.u32 s1, $0x2  }
0xba: {  	s3 =	sand.u32 $0x4000, s31;
	s1 =	sadd.s32 s1, s30  }
0xbb: {  	s0 =	sor.u32 s3, s0;
	s1 =	sshll.u32 s1, $0x11  }
0xbc: {  	s0 =	sor.u32 s1, s0  }
0xbd: {  	s0 =	sadd.s32 $0x8F2B, s0  }
0xbe: {  	[sflag:s0] =	ssyncadd.remote.s32 $0x1  }
0xbf: {  	_ =	sfence.sel $0xFFFF  }
0xc0: {  	[dreg:$0x0] =	wrdreg $0xFFFFFFFF;
	(pc) =	sbr.abs _section_cstart, $3  }
0xc1: {  	[dreg:$0x1] =	wrdreg $0xFFFFFFFF  }
0xc2: {  	_ =	task.clear_ibuf [dreg:s7], $0x2FFFF;
	_ =	strace $0x9FFFFFFF  }
0xc3: {  	(tm) =	ssettm $0x7FFFFFFF  }
tec
execute0_lowered:
.L_overlay_start_1:
0x0: {  	(tag) =	ssettag $0x1  }
0x1: {  	s1 =	rddreg [dreg:$0x0]  }
0x2: {  	s0 =	rddreg [dreg:$0x1]  }
0x3: {  	s4 =	rddreg [dreg:$0x2];
	s2 =	srdreg.scid  }
0x4: {  	s10 =	stileid.u32;
	s3 =	simm.s32 $0x0;
	s30 =	simm.s32 $0x5900  }
0x5: {  	s31 =	simm.s32 $0x6100;
	s29 =	simm.s32 $0x4080;
	s2 =	sand.u32 $0x1, s2  }
0x6: {  	s6 =	sshll.u32 s10, $0xE;
	s11 =	smul.u32 $0x13800, s10;
	[smem:$0x7FF] =	sst s3  }
0x7: {  	s12 =	sadd.s32 $0x2600, s0;
	s10 =	smul.u32 $0x4E000, s10;
	s5 =	sshll.u32 s2, $0x12  }
0x8: {  	s28 =	simm.s32 $0x10;
	s7 =	smul.u32 $0x138800, s2;
	_ =	strace $0x8000004D  }
0x9: {  	s2 =	ssub.s32 $0x2, s2;
	[dreg:$0x14] =	wrdreg s12;
	s5 =	sor.u32 s6, s5  }
0xa: {  	s13 =	sshrl.u32 s2, $0x1;
	s16 =	sshrl.u32 s10, $0x2;
	s6 =	simm.s32 $0x8900  }
0xb: {  	s10 =	simm.s32 $0x1;
	s8 =	sshrl.u32 s5, $0x3;
	s7 =	sadd.s32 s11, s7  }
0xc: {  	s2 =	ssub.s32 s2, s13;
	s26 =	sadd.s32 s16, s4;
	[dreg:$0x13] =	wrdreg s5  }
0xd: {  	s23 =	sor.u32 $0x80, s5;
	s11 =	simm.s32 $0x5;
	s13 =	simm.s32 $0x7  }
0xe: {  	s16 =	simm.s32 $0x50;
	s15 =	sadd.s32 s12, s8;
	[dreg:$0x9] =	wrdreg s26  }
0xf: {  	s5 =	simm.s32 $0x0;
	s17 =	smax.u32 s2, $0x1;
	[dreg:$0x5] =	wrdreg s15  }
0x10: {  	s9 =	sadd.s32 s8, s0;
	s18 =	sadd.s32 $0x2800, s26;
	[dreg:$0xa] =	wrdreg s17  }
0x11: {  	s7 =	sshrl.u32 s7, $0x3;
	s19 =	sadd.s32 $0x5000, s26;
	[dreg:$0xb] =	wrdreg s18  }
0x12: {  	s20 =	sadd.s32 $0x7800, s26;
	s21 =	sadd.s32 $0xA000, s26;
	[dreg:$0xc] =	wrdreg s19  }
0x13: {  	s22 =	sadd.s32 $0xC800, s26;
	s24 =	sadd.s32 $0xF000, s26;
	[dreg:$0xd] =	wrdreg s20  }
0x14: {  	s25 =	sadd.s32 $0x11800, s26;
	s2 =	simm.s32 $0x6900;
	[dreg:$0xe] =	wrdreg s21  }
0x15: {  	s0 =	sadd.s32 s7, s0;
	s14 =	sadd.s32 $0x60800, s9;
	[dreg:$0xf] =	wrdreg s22  }
0x16: {  	s8 =	sadd.s32 $0x7B0, s15;
	s7 =	sadd.s32 $0x7C0, s15;
	[dreg:$0x10] =	wrdreg s24  }
0x17: {  	[dreg:$0x11] =	wrdreg s25;
	s22 =	simm.s32 $0xB;
	s24 =	simm.s32 $0x4000  }
0x18: {  	s25 =	simm.s32 $0x18;
	s15 =	simm.s32 $0x3;
	[dreg:$0x4] =	wrdreg s14  }
0x19: {  	s17 =	simm.s32 $0x2;
	s18 =	simm.s32 $0x6;
	[dreg:$0x6] =	wrdreg s8  }
0x1a: {  	s19 =	simm.s32 $0x9;
	[dreg:$0x7] =	wrdreg s7;
	s0 =	sadd.s32 $0x70800, s0  }
0x1b: {  	s20 =	simm.s32 $0xA;
	[dreg:$0x8] =	wrdreg s0;
	s0 =	sshrl.u32 s23, $0x3  }
0x1c: {  	s7 =	simm.s32 $0x4D00;
	s14 =	simm.s32 $0x8;
	s0 =	sadd.s32 s0, s12  }
0x1d: {  	v0 =	vimm.f32 $0.0e+00;
	s8 =	simm.s32 $0x4;
	s23 =	simm.s32 $0x4100;
	[dreg:$0x12] =	wrdreg s0  }
.LBB2_1:
0x1e: {  	[dreg:$0x15] =	wrdreg s5  }
0x1f: {  	s0 =	rddreg [dreg:$0x4]  }
0x20: {  	[tilespmem:s3], [sflag:$0xB] =	stream.linear.gather [hbm4b:s0+s3], $0x3E80, $0x38;
	[tilespmem:$0x1C980] =	vst v63  }
0x21: {  	_ =	swait.ge [sflag:s22], $0x3E80  }
0x22: {  	[sflag:s22] =	ssyncset.done $0x0  }
0x23: {  	s12 =	simm.s32 $0x70;
	s21 =	simm.s32 $0x3C0;
	[sflag:s22] =	ssyncadd.s32 $0xFFFFC180  }
.LBB2_2:
0x24: {  	p0 =	sne.s32 s21, $0x9FC0;
	[tilespmem:s12+$0x4100] =	vst v0  }
0x25: {  	[tilespmem:s12+$0x4090] =	vst v0  }
0x26: {  	[tilespmem:s12+$0x40A0] =	vst v0  }
.Ltmp0:
0x27: {  	[tilespmem:s12+$0x40B0] =	vst v0;
	(pc) =	sbr.rel @p0 .LBB2_2-.Ltmp0, $4  }
0x28: {  	[tilespmem:s12+$0x40C0] =	vst v0  }
0x29: {  	[tilespmem:s12+$0x40D0] =	vst v0  }
0x2a: {  	[tilespmem:s12+$0x40E0] =	vst v0  }
0x2b: {  	[tilespmem:s12+$0x40F0] =	vst v0;
	s12 =	sshra.s32 s21, $0x2;
	s21 =	sadd.s32 $0x200, s21  }
0x2c: {  	[tilespmem:s12+$0x4100] =	vst v0  }
0x2d: {  	[tilespmem:s12+$0x4090] =	vst v0  }
0x2e: {  	[tilespmem:s12+$0x40A0] =	vst v0  }
0x2f: {  	[tilespmem:s12+$0x40B0] =	vst v0  }
0x30: {  	[tilespmem:s12+$0x40C0] =	vst v0  }
0x31: {  	[tilespmem:s12+$0x40D0] =	vst v0  }
0x32: {  	[tilespmem:s12+$0x40E0] =	vst v0  }
0x33: {  	[tilespmem:s12+$0x40F0] =	vst v0  }
0x34: {  	[spmem:s26] =	stream.linear.scatter [tilespmem:s23], [sflag:$0xB], $0x2800, $0x38;
	[tilespmem:$0x1C980] =	vst v63  }
0x35: {  	_ =	swait.ge [sflag:s22], $0x2800  }
0x36: {  	[sflag:s22] =	ssyncset.done $0x0  }
0x37: {  	s0 =	rddreg [dreg:$0xb];
	[sflag:s22] =	ssyncadd.s32 $0xFFFFD800  }
0x38: {  	[spmem:s0] =	stream.linear.scatter [tilespmem:s23], [sflag:$0xB], $0x2800, $0x38;
	[tilespmem:$0x1C980] =	vst v63  }
0x39: {  	_ =	swait.ge [sflag:s22], $0x2800  }
0x3a: {  	[sflag:s22] =	ssyncset.done $0x0  }
0x3b: {  	s5 =	rddreg [dreg:$0xc];
	[sflag:s22] =	ssyncadd.s32 $0xFFFFD800  }
0x3c: {  	[spmem:s5] =	stream.linear.scatter [tilespmem:s23], [sflag:$0xB], $0x2800, $0x38;
	[tilespmem:$0x1C980] =	vst v63  }
0x3d: {  	_ =	swait.ge [sflag:s22], $0x2800  }
0x3e: {  	[sflag:s22] =	ssyncset.done $0x0  }
0x3f: {  	s9 =	rddreg [dreg:$0xd];
	[sflag:s22] =	ssyncadd.s32 $0xFFFFD800  }
0x40: {  	[spmem:s9] =	stream.linear.scatter [tilespmem:s23], [sflag:$0xB], $0x2800, $0x38;
	[tilespmem:$0x1C980] =	vst v63  }
0x41: {  	_ =	swait.ge [sflag:s22], $0x2800  }
0x42: {  	[sflag:s22] =	ssyncset.done $0x0  }
0x43: {  	s12 =	rddreg [dreg:$0xe];
	[sflag:s22] =	ssyncadd.s32 $0xFFFFD800  }
0x44: {  	[spmem:s12] =	stream.linear.scatter [tilespmem:s23], [sflag:$0xB], $0x2800, $0x38;
	[tilespmem:$0x1C980] =	vst v63  }
0x45: {  	_ =	swait.ge [sflag:s22], $0x2800  }
0x46: {  	[sflag:s22] =	ssyncset.done $0x0  }
0x47: {  	s21 =	rddreg [dreg:$0xf];
	[sflag:s22] =	ssyncadd.s32 $0xFFFFD800  }
0x48: {  	[spmem:s21] =	stream.linear.scatter [tilespmem:s23], [sflag:$0xB], $0x2800, $0x38;
	[tilespmem:$0x1C980] =	vst v63  }
0x49: {  	_ =	swait.ge [sflag:s22], $0x2800  }
0x4a: {  	[sflag:s22] =	ssyncset.done $0x0  }
0x4b: {  	s26 =	rddreg [dreg:$0x10];
	[sflag:s22] =	ssyncadd.s32 $0xFFFFD800  }
0x4c: {  	[spmem:s26] =	stream.linear.scatter [tilespmem:s23], [sflag:$0xB], $0x2800, $0x38;
	[tilespmem:$0x1C980] =	vst v63  }
0x4d: {  	_ =	swait.ge [sflag:s22], $0x2800  }
0x4e: {  	[sflag:s22] =	ssyncset.done $0x0  }
0x4f: {  	s5 =	rddreg [dreg:$0x11];
	[sflag:s22] =	ssyncadd.s32 $0xFFFFD800  }
0x50: {  	[spmem:s5] =	stream.linear.scatter [tilespmem:s23], [sflag:$0xB], $0x2800, $0x38;
	[tilespmem:$0x1C980] =	vst v63  }
0x51: {  	_ =	swait.ge [sflag:s22], $0x2800  }
0x52: {  	[sflag:s22] =	ssyncset.done $0x0  }
0x53: {  	[sflag:s22] =	ssyncadd.s32 $0xFFFFD800  }
0x54: {  	[bflag:$0x0] =	sbarrier.arrive $0xFFFF  }
0x55: {  	s9 =	simm.s32 $0x0;
	s21 =	rddreg [dreg:$0x5]  }
0x56: {  	[tilespmem:s24], [sflag:$0x3] =	stream.linear.gather [hbm4b:s21+s9], $0x80, $0x38;
	[tilespmem:$0x1C980] =	vst v63  }
0x57: {  	_ = 	snop  }
0x58: {  	[tilespmem:s23], [sflag:$0x1] =	stream.indirect.gather [hbm4b:s1+s25], $0x80, s9, s25, $0xb8;
	[tilespmem:$0x1C980] =	vst v63  }
0x59: {  	_ = 	snop  }
0x5a: {  	[tilespmem:s7], [sflag:$0x5] =	stream.indirect.gather [hbm4b:s1+s25], $0x80, s25, s25, $0xb8;
	[tilespmem:$0x1C980] =	vst v63  }
0x5b: {  	s26 =	simm.s32 $0x30  }
0x5c: {  	[tilespmem:s30], [sflag:$0x7] =	stream.indirect.gather [hbm4b:s1+s28], $0x80, s26, s28, $0xb8;
	[tilespmem:$0x1C980] =	vst v63  }
0x5d: {  	s5 =	simm.s32 $0x40  }
0x5e: {  	[tilespmem:s31], [sflag:$0x8] =	stream.indirect.gather [hbm4b:s1+s28], $0x80, s5, s28, $0xb8;
	[tilespmem:$0x1C980] =	vst v63  }
0x5f: {  	s21 =	rddreg [dreg:$0x12]  }
0x60: {  	[tilespmem:s29], [sflag:$0x4] =	stream.linear.gather [hbm4b:s21+s3], $0x80, $0x38;
	[tilespmem:$0x1C980] =	vst v63  }
0x61: {  	s9 =	simm.s32 $0x80  }
0x62: {  	[tilespmem:s2], [sflag:$0x2] =	stream.indirect.gather [hbm4b:s1+s25], $0x80, s9, s25, $0xb8;
	[tilespmem:$0x1C980] =	vst v63  }
0x63: {  	s12 =	simm.s32 $0x98;
	s26 =	simm.s32 $0x7500  }
0x64: {  	[tilespmem:s26], [sflag:$0x6] =	stream.indirect.gather [hbm4b:s1+s25], $0x80, s12, s25, $0xb8;
	[tilespmem:$0x1C980] =	vst v63  }
0x65: {  	s3 =	simm.s32 $0xB0;
	s9 =	simm.s32 $0x8100  }
0x66: {  	[tilespmem:s9], [sflag:$0x9] =	stream.indirect.gather [hbm4b:s1+s28], $0x80, s3, s28, $0xb8;
	[tilespmem:$0x1C980] =	vst v63  }
0x67: {  	s12 =	simm.s32 $0xC0  }
0x68: {  	[tilespmem:s6], [sflag:$0xA] =	stream.indirect.gather [hbm4b:s1+s28], $0x80, s12, s28, $0xb8;
	[tilespmem:$0x1C980] =	vst v63  }
0x69: {  	_ =	swait.ge [sflag:s10], $0xC00  }
0x6a: {  	[sflag:s10] =	ssyncset.done $0x0  }
0x6b: {  	[sflag:s10] =	ssyncadd.s32 $0xFFFFF400  }
0x6c: {  	_ =	swait.ge [sflag:s11], $0xC00  }
0x6d: {  	[sflag:s11] =	ssyncset.done $0x0  }
0x6e: {  	[sflag:s11] =	ssyncadd.s32 $0xFFFFF400  }
0x6f: {  	_ =	swait.ge [sflag:s13], $0x800  }
0x70: {  	[sflag:s13] =	ssyncset.done $0x0  }
0x71: {  	[sflag:s13] =	ssyncadd.s32 $0xFFFFF800  }
0x72: {  	_ =	swait.ge [sflag:s14], $0x800  }
0x73: {  	[sflag:s14] =	ssyncset.done $0x0  }
0x74: {  	[sflag:s14] =	ssyncadd.s32 $0xFFFFF800  }
0x75: {  	s26 =	simm.s32 $0x100;
	_ =	swait.ge [sflag:s15], $0x80  }
0x76: {  	s9 =	sand.u32 $0x7C00, s26;
	[sflag:s15] =	ssyncset.done $0x0;
	s6 =	rddreg [dreg:$0x13]  }
0x77: {  	s0 =	sand.u32 $0x300, s26;
	[sflag:s15] =	ssyncadd.s32 $0xFFFFFF80;
	s12 =	sadd.s32 s6, s9  }
0x78: {  	[spmem:s4] =	stream.indirect.scatter.add.f32 [tilespmem:s23], [sflag:$0xB], $0x80, s24, s16, $0xb8;
	[tilespmem:$0x1C980] =	vst v63  }
0x79: {  	s0 =	sor.u32 s0, s12;
	_ =	swait.ge [sflag:s22], $0x2800  }
0x7a: {  	s0 =	sshrl.u32 s0, $0x3;
	[sflag:s22] =	ssyncset.done $0x0;
	s9 =	rddreg [dreg:$0x14]  }
0x7b: {  	s5 =	simm.s32 $0x0;
	[sflag:s22] =	ssyncadd.s32 $0xFFFFD800;
	s0 =	sadd.s32 s9, s0  }
0x7c: {  	[tilespmem:s24], [sflag:$0x3] =	stream.linear.gather [hbm4b:s0+s5], $0x80, $0x38;
	[tilespmem:$0x1C980] =	vst v63  }
0x7d: {  	s26 =	simm.s32 $0x100  }
0x7e: {  	[tilespmem:s23], [sflag:$0x1] =	stream.indirect.gather [hbm4b:s1+s25], $0x80, s26, s25, $0xb8;
	[tilespmem:$0x1C980] =	vst v63  }
0x7f: {  	s12 =	simm.s32 $0x118  }
0x80: {  	[tilespmem:s7], [sflag:$0x5] =	stream.indirect.gather [hbm4b:s1+s25], $0x80, s12, s25, $0xb8;
	[tilespmem:$0x1C980] =	vst v63  }
0x81: {  	s26 =	simm.s32 $0x130  }
0x82: {  	[tilespmem:s30], [sflag:$0x7] =	stream.indirect.gather [hbm4b:s1+s28], $0x80, s26, s28, $0xb8;
	[tilespmem:$0x1C980] =	vst v63  }
0x83: {  	s30 =	simm.s32 $0x140  }
0x84: {  	[tilespmem:s31], [sflag:$0x8] =	stream.indirect.gather [hbm4b:s1+s28], $0x80, s30, s28, $0xb8;
	[tilespmem:$0x1C980] =	vst v63  }
0x85: {  	_ =	swait.ge [sflag:s17], $0xC00  }
0x86: {  	[sflag:s17] =	ssyncset.done $0x0  }
0x87: {  	[sflag:s17] =	ssyncadd.s32 $0xFFFFF400  }
0x88: {  	_ =	swait.ge [sflag:s18], $0xC00  }
0x89: {  	[sflag:s18] =	ssyncset.done $0x0  }
0x8a: {  	[sflag:s18] =	ssyncadd.s32 $0xFFFFF400  }
0x8b: {  	_ =	swait.ge [sflag:s19], $0x800  }
0x8c: {  	[sflag:s19] =	ssyncset.done $0x0  }
0x8d: {  	[sflag:s19] =	ssyncadd.s32 $0xFFFFF800  }
0x8e: {  	_ =	swait.ge [sflag:s20], $0x800  }
0x8f: {  	[sflag:s20] =	ssyncset.done $0x0  }
0x90: {  	[sflag:s20] =	ssyncadd.s32 $0xFFFFF800  }
0x91: {  	_ =	swait.ge [sflag:s8], $0x80  }
0x92: {  	s3 =	simm.s32 $0x8900;
	[sflag:s8] =	ssyncset.done $0x0  }
0x93: {  	s12 =	sadd.s32 $0x20, s21;
	s21 =	simm.s32 $0x200;
	[sflag:s8] =	ssyncadd.s32 $0xFFFFFF80  }
0x94: {  	[spmem:s4] =	stream.indirect.scatter.add.f32 [tilespmem:s2], [sflag:$0xB], $0x80, s29, s16, $0xb8;
	[tilespmem:$0x1C980] =	vst v63  }
0x95: {  	s7 =	simm.s32 $0x4D00;
	s26 =	simm.s32 $0x400;
	_ =	swait.ge [sflag:s22], $0x2800  }
.LBB2_4:
0x96: {  	s0 =	smov.u32 s26  }
0x97: {  	s30 =	sshra.s32 s26, $0x2;
	[sflag:s22] =	ssyncset.done $0x0;
	s0 =	sadd.s32 $0x400, s26  }
0x98: {  	p0 =	sne.s32 s26, $0xF000;
	[sflag:s22] =	ssyncadd.s32 $0xFFFFD800  }
0x99: {  	[tilespmem:s29], [sflag:$0x4] =	stream.linear.gather [hbm4b:s12+s5], $0x80, $0x38;
	[tilespmem:$0x1C980] =	vst v63  }
0x9a: {  	s26 =	sadd.s32 $0x80, s30  }
0x9b: {  	[tilespmem:s2], [sflag:$0x2] =	stream.indirect.gather [hbm4b:s1+s25], $0x80, s26, s25, $0xb8;
	[tilespmem:$0x1C980] =	vst v63  }
0x9c: {  	s31 =	simm.s32 $0x7500;
	s26 =	sadd.s32 $0x98, s30  }
0x9d: {  	[tilespmem:s31], [sflag:$0x6] =	stream.indirect.gather [hbm4b:s1+s25], $0x80, s26, s25, $0xb8;
	[tilespmem:$0x1C980] =	vst v63  }
0x9e: {  	s26 =	sadd.s32 $0xB0, s30;
	s31 =	simm.s32 $0x8100  }
0x9f: {  	[tilespmem:s31], [sflag:$0x9] =	stream.indirect.gather [hbm4b:s1+s28], $0x80, s26, s28, $0xb8;
	[tilespmem:$0x1C980] =	vst v63  }
0xa0: {  	s26 =	sadd.s32 $0xC0, s30  }
0xa1: {  	[tilespmem:s3], [sflag:$0xA] =	stream.indirect.gather [hbm4b:s1+s28], $0x80, s26, s28, $0xb8;
	[tilespmem:$0x1C980] =	vst v63  }
0xa2: {  	_ =	swait.ge [sflag:s10], $0xC00  }
0xa3: {  	[sflag:s10] =	ssyncset.done $0x0  }
0xa4: {  	[sflag:s10] =	ssyncadd.s32 $0xFFFFF400  }
0xa5: {  	_ =	swait.ge [sflag:s11], $0xC00  }
0xa6: {  	[sflag:s11] =	ssyncset.done $0x0  }
0xa7: {  	[sflag:s11] =	ssyncadd.s32 $0xFFFFF400  }
0xa8: {  	_ =	swait.ge [sflag:s13], $0x800  }
0xa9: {  	[sflag:s13] =	ssyncset.done $0x0  }
0xaa: {  	[sflag:s13] =	ssyncadd.s32 $0xFFFFF800  }
0xab: {  	_ =	swait.ge [sflag:s14], $0x800  }
0xac: {  	[sflag:s14] =	ssyncset.done $0x0  }
0xad: {  	[sflag:s14] =	ssyncadd.s32 $0xFFFFF800  }
0xae: {  	_ =	swait.ge [sflag:s15], $0x80  }
0xaf: {  	s26 =	sand.u32 $0x7C00, s21;
	[sflag:s15] =	ssyncset.done $0x0  }
0xb0: {  	s31 =	sand.u32 $0x300, s21;
	s26 =	sadd.s32 s6, s26;
	[sflag:s15] =	ssyncadd.s32 $0xFFFFFF80  }
0xb1: {  	[spmem:s4] =	stream.indirect.scatter.add.f32 [tilespmem:s23], [sflag:$0xB], $0x80, s24, s16, $0xb8;
	[tilespmem:$0x1C980] =	vst v63  }
0xb2: {  	s26 =	sor.u32 s31, s26;
	_ =	swait.ge [sflag:s22], $0x2800  }
0xb3: {  	s26 =	sshrl.u32 s26, $0x3;
	[sflag:s22] =	ssyncset.done $0x0  }
0xb4: {  	s31 =	sadd.s32 $0x100, s30;
	s26 =	sadd.s32 s9, s26;
	[sflag:s22] =	ssyncadd.s32 $0xFFFFD800  }
0xb5: {  	[tilespmem:s24], [sflag:$0x3] =	stream.linear.gather [hbm4b:s26+s5], $0x80, $0x38;
	[tilespmem:$0x1C980] =	vst v63  }
0xb6: {  	s26 =	sadd.s32 $0x118, s30  }
0xb7: {  	[tilespmem:s23], [sflag:$0x1] =	stream.indirect.gather [hbm4b:s1+s25], $0x80, s31, s25, $0xb8;
	[tilespmem:$0x1C980] =	vst v63  }
0xb8: {  	s31 =	sadd.s32 $0x130, s30  }
0xb9: {  	[tilespmem:s7], [sflag:$0x5] =	stream.indirect.gather [hbm4b:s1+s25], $0x80, s26, s25, $0xb8;
	[tilespmem:$0x1C980] =	vst v63  }
0xba: {  	s26 =	sadd.s32 $0x140, s30;
	s30 =	simm.s32 $0x5900  }
0xbb: {  	[tilespmem:s30], [sflag:$0x7] =	stream.indirect.gather [hbm4b:s1+s28], $0x80, s31, s28, $0xb8;
	[tilespmem:$0x1C980] =	vst v63  }
0xbc: {  	s31 =	simm.s32 $0x6100;
	_ =	sdelay $0x1  }
0xbd: {  	[tilespmem:s31], [sflag:$0x8] =	stream.indirect.gather [hbm4b:s1+s28], $0x80, s26, s28, $0xb8;
	[tilespmem:$0x1C980] =	vst v63  }
0xbe: {  	_ =	swait.ge [sflag:s17], $0xC00  }
0xbf: {  	[sflag:s17] =	ssyncset.done $0x0  }
0xc0: {  	[sflag:s17] =	ssyncadd.s32 $0xFFFFF400  }
0xc1: {  	_ =	swait.ge [sflag:s18], $0xC00  }
0xc2: {  	[sflag:s18] =	ssyncset.done $0x0  }
0xc3: {  	[sflag:s18] =	ssyncadd.s32 $0xFFFFF400  }
0xc4: {  	_ =	swait.ge [sflag:s19], $0x800  }
0xc5: {  	[sflag:s19] =	ssyncset.done $0x0  }
0xc6: {  	[sflag:s19] =	ssyncadd.s32 $0xFFFFF800  }
0xc7: {  	_ =	swait.ge [sflag:s20], $0x800  }
0xc8: {  	[sflag:s20] =	ssyncset.done $0x0  }
0xc9: {  	[sflag:s20] =	ssyncadd.s32 $0xFFFFF800  }
.Ltmp1:
0xca: {  	_ =	swait.ge [sflag:s8], $0x80;
	(pc) =	sbr.rel @p0 .LBB2_4-.Ltmp1, $4  }
0xcb: {  	[sflag:s8] =	ssyncset.done $0x0  }
0xcc: {  	s12 =	sadd.s32 $0x20, s12;
	[sflag:s8] =	ssyncadd.s32 $0xFFFFFF80  }
0xcd: {  	[spmem:s4] =	stream.indirect.scatter.add.f32 [tilespmem:s2], [sflag:$0xB], $0x80, s29, s16, $0xb8;
	[tilespmem:$0x1C980] =	vst v63  }
0xce: {  	s21 =	sadd.s32 $0x100, s21;
	s26 =	smov.u32 s0;
	_ =	swait.ge [sflag:s22], $0x2800  }
0xcf: {  	[sflag:s22] =	ssyncset.done $0x0  }
0xd0: {  	s0 =	rddreg [dreg:$0x6];
	[sflag:s22] =	ssyncadd.s32 $0xFFFFD800  }
0xd1: {  	[tilespmem:s29], [sflag:$0x4] =	stream.linear.gather [hbm4b:s0+s5], $0x80, $0x38;
	[tilespmem:$0x1C980] =	vst v63  }
0xd2: {  	s21 =	simm.s32 $0x3D80  }
0xd3: {  	[tilespmem:s2], [sflag:$0x2] =	stream.indirect.gather [hbm4b:s1+s25], $0x80, s21, s25, $0xb8;
	[tilespmem:$0x1C980] =	vst v63  }
0xd4: {  	s26 =	simm.s32 $0x3D98;
	s6 =	simm.s32 $0x7500  }
0xd5: {  	[tilespmem:s6], [sflag:$0x6] =	stream.indirect.gather [hbm4b:s1+s25], $0x80, s26, s25, $0xb8;
	[tilespmem:$0x1C980] =	vst v63  }
0xd6: {  	s9 =	simm.s32 $0x3DB0;
	s12 =	simm.s32 $0x8100  }
0xd7: {  	[tilespmem:s12], [sflag:$0x9] =	stream.indirect.gather [hbm4b:s1+s28], $0x80, s9, s28, $0xb8;
	[tilespmem:$0x1C980] =	vst v63  }
0xd8: {  	s21 =	simm.s32 $0x3DC0  }
0xd9: {  	[tilespmem:s3], [sflag:$0xA] =	stream.indirect.gather [hbm4b:s1+s28], $0x80, s21, s28, $0xb8;
	[tilespmem:$0x1C980] =	vst v63  }
0xda: {  	_ =	swait.ge [sflag:s10], $0xC00  }
0xdb: {  	[sflag:s10] =	ssyncset.done $0x0  }
0xdc: {  	[sflag:s10] =	ssyncadd.s32 $0xFFFFF400  }
0xdd: {  	_ =	swait.ge [sflag:s11], $0xC00  }
0xde: {  	[sflag:s11] =	ssyncset.done $0x0  }
0xdf: {  	[sflag:s11] =	ssyncadd.s32 $0xFFFFF400  }
0xe0: {  	_ =	swait.ge [sflag:s13], $0x800  }
0xe1: {  	[sflag:s13] =	ssyncset.done $0x0  }
0xe2: {  	[sflag:s13] =	ssyncadd.s32 $0xFFFFF800  }
0xe3: {  	_ =	swait.ge [sflag:s14], $0x800  }
0xe4: {  	[sflag:s14] =	ssyncset.done $0x0  }
0xe5: {  	[sflag:s14] =	ssyncadd.s32 $0xFFFFF800  }
0xe6: {  	_ =	swait.ge [sflag:s15], $0x80  }
0xe7: {  	[sflag:s15] =	ssyncset.done $0x0  }
0xe8: {  	[sflag:s15] =	ssyncadd.s32 $0xFFFFFF80  }
0xe9: {  	[spmem:s4] =	stream.indirect.scatter.add.f32 [tilespmem:s23], [sflag:$0xB], $0x80, s24, s16, $0xb8;
	[tilespmem:$0x1C980] =	vst v63  }
0xea: {  	_ =	swait.ge [sflag:s22], $0x2800  }
0xeb: {  	[sflag:s22] =	ssyncset.done $0x0  }
0xec: {  	s26 =	rddreg [dreg:$0x7];
	[sflag:s22] =	ssyncadd.s32 $0xFFFFD800  }
0xed: {  	[tilespmem:s24], [sflag:$0x3] =	stream.linear.gather [hbm4b:s26+s5], $0x80, $0x38;
	[tilespmem:$0x1C980] =	vst v63  }
0xee: {  	s3 =	simm.s32 $0x3E00  }
0xef: {  	[tilespmem:s23], [sflag:$0x1] =	stream.indirect.gather [hbm4b:s1+s25], $0x80, s3, s25, $0xb8;
	[tilespmem:$0x1C980] =	vst v63  }
0xf0: {  	s5 =	simm.s32 $0x3E18  }
0xf1: {  	[tilespmem:s7], [sflag:$0x5] =	stream.indirect.gather [hbm4b:s1+s25], $0x80, s5, s25, $0xb8;
	[tilespmem:$0x1C980] =	vst v63  }
0xf2: {  	s6 =	simm.s32 $0x3E30  }
0xf3: {  	[tilespmem:s30], [sflag:$0x7] =	stream.indirect.gather [hbm4b:s1+s28], $0x80, s6, s28, $0xb8;
	[tilespmem:$0x1C980] =	vst v63  }
0xf4: {  	s7 =	simm.s32 $0x3E40  }
0xf5: {  	[tilespmem:s31], [sflag:$0x8] =	stream.indirect.gather [hbm4b:s1+s28], $0x80, s7, s28, $0xb8;
	[tilespmem:$0x1C980] =	vst v63  }
0xf6: {  	_ =	swait.ge [sflag:s17], $0xC00  }
0xf7: {  	[sflag:s17] =	ssyncset.done $0x0  }
0xf8: {  	[sflag:s17] =	ssyncadd.s32 $0xFFFFF400  }
0xf9: {  	_ =	swait.ge [sflag:s18], $0xC00  }
0xfa: {  	[sflag:s18] =	ssyncset.done $0x0  }
0xfb: {  	[sflag:s18] =	ssyncadd.s32 $0xFFFFF400  }
0xfc: {  	_ =	swait.ge [sflag:s19], $0x800  }
0xfd: {  	[sflag:s19] =	ssyncset.done $0x0  }
0xfe: {  	[sflag:s19] =	ssyncadd.s32 $0xFFFFF800  }
0xff: {  	_ =	swait.ge [sflag:s20], $0x800  }
0x100: {  	[sflag:s20] =	ssyncset.done $0x0  }
0x101: {  	[sflag:s20] =	ssyncadd.s32 $0xFFFFF800  }
0x102: {  	_ =	swait.ge [sflag:s8], $0x80  }
0x103: {  	[sflag:s8] =	ssyncset.done $0x0  }
0x104: {  	[sflag:s8] =	ssyncadd.s32 $0xFFFFFF80  }
0x105: {  	[spmem:s4] =	stream.indirect.scatter.add.f32 [tilespmem:s2], [sflag:$0xB], $0x80, s29, s16, $0xb8;
	[tilespmem:$0x1C980] =	vst v63  }
0x106: {  	_ =	swait.ge [sflag:s22], $0x2800  }
0x107: {  	[sflag:s22] =	ssyncset.done $0x0  }
0x108: {  	[sflag:s22] =	ssyncadd.s32 $0xFFFFD800  }
0x109: {  	_ =	swait.ge [sflag:s10], $0xC00  }
0x10a: {  	[sflag:s10] =	ssyncset.done $0x0  }
0x10b: {  	[sflag:s10] =	ssyncadd.s32 $0xFFFFF400  }
0x10c: {  	_ =	swait.ge [sflag:s11], $0xC00  }
0x10d: {  	[sflag:s11] =	ssyncset.done $0x0  }
0x10e: {  	[sflag:s11] =	ssyncadd.s32 $0xFFFFF400  }
0x10f: {  	_ =	swait.ge [sflag:s13], $0x800  }
0x110: {  	[sflag:s13] =	ssyncset.done $0x0  }
0x111: {  	[sflag:s13] =	ssyncadd.s32 $0xFFFFF800  }
0x112: {  	_ =	swait.ge [sflag:s14], $0x800  }
0x113: {  	[sflag:s14] =	ssyncset.done $0x0  }
0x114: {  	[sflag:s14] =	ssyncadd.s32 $0xFFFFF800  }
0x115: {  	_ =	swait.ge [sflag:s15], $0x80  }
0x116: {  	[sflag:s15] =	ssyncset.done $0x0  }
0x117: {  	[sflag:s15] =	ssyncadd.s32 $0xFFFFFF80  }
0x118: {  	[spmem:s4] =	stream.indirect.scatter.add.f32 [tilespmem:s23], [sflag:$0xB], $0x80, s24, s16, $0xb8;
	[tilespmem:$0x1C980] =	vst v63  }
0x119: {  	_ =	swait.ge [sflag:s22], $0x2800  }
0x11a: {  	[sflag:s22] =	ssyncset.done $0x0  }
0x11b: {  	[sflag:s22] =	ssyncadd.s32 $0xFFFFD800  }
0x11c: {  	s9 =	stileid.u32;
	[bflag:$0x0] =	sbarrier.arrive $0xFFFF  }
0x11d: {  	s0 =	sshll.u32 s9, $0x6;
	s26 =	rddreg [dreg:$0x9]  }
0x11e: {  	s0 =	sor.u32 $0x1C0B, s0;
	s21 =	rddreg [dreg:$0x8];
	s12 =	sshrl.u32 s26, $0x3  }
0x11f: {  	[hbm:s21], [sflag:s0] =	dma.local [spmem:s12], $0x2800  }
0x120: {  	_ =	swait.ge [sflag:s22], $0x2800  }
0x121: {  	s12 =	rddreg [dreg:$0x15]  }
0x122: {  	s21 =	rddreg [dreg:$0xa];
	s5 =	sadd.s32 $0x1, s12  }
0x123: {  	p0 =	sne.s32 s5, s21  }
.Ltmp2:
0x124: {  	_ = 	snop;
	(pc) =	sbr.rel @p0 .LBB2_1-.Ltmp2, $3  }
0x125: {  	_ =	sdelay $0x1  }
0x126: {  	s3 =	simm.s32 $0x0;
	[sflag:s22] =	ssyncset.done $0x0  }
0x127: {  	s6 =	simm.s32 $0x8900;
	s7 =	simm.s32 $0x4D00;
	[sflag:s22] =	ssyncadd.s32 $0xFFFFD800  }
0x128: {  	_ =	sfence.sel $0x180000  }
0x129: {  	[bflag:$0x0] =	sbarrier.arrive $0xFFFF  }
0x12a: {  	_ =	strace $0x9000004D  }
0x12b: {  	s0 =	stileid.u32;
	[bflag:$0x2] =	sbarrier.arrive $0xFFFF  }
0x12c: {  	p0 =	sne.s32 s0, $0x0;
	s0 =	rddreg [dreg:$0x3]  }
0x12d: {  	s0 =	sadd.s32 @!p0 $0x100000, s0  }
0x12e: {  	[sflag:s0] =	ssyncadd.tile.s32 @!p0 $0x1;
	_ =	shalt  }
.Lfunc_end2:
_tile_overlayer_lowered:
.L_overlay_start_2:
0x12f: {  	(tag) =	ssettag $0x2  }
0x130: {  	s0 =	rddreg [dreg:$0x0];
	s2 =	stileid.u32  }
0x131: {  	s1 =	rddreg [dreg:$0x1];
	p0 =	sne.s32 s2, $0x0  }
0x132: {  	s3 =	rddreg [dreg:$0x2];
	[bflag:$0x3] =	sbarrier.arrive $0xFFFF;
	s2 =	simm.s32 @!p0 $0x1C0B  }
0x133: {  	[timem:s3], [sflag:s2] =	dma.local @!p0 [hbm:s0], s1  }
0x134: {  	s0 =	simm.s32 @!p0 $0xB  }
0x135: {  	_ =	swait.ge @!p0 [sflag:s0], s1  }
0x136: {  	s1 =	ssub.s32 @!p0 $0x0, s1;
	[sflag:s0] =	ssyncset.done @!p0 $0x0  }
0x137: {  	[sflag:s0] =	ssyncadd.s32 @!p0 s1  }
0x138: {  	[bflag:$0x3] =	sbarrier.arrive $0xFFFF  }
0x139: {  	_ =	shalt  }

// kernel: kernel.8.cloned.1.call-start
scs
__scs_entry_jumppad:
0x0: {  	(pc) =	sbr.rel $0x88, $3  }
0x1: {  	(tag) =	ssettag $0x0;
	lr =	simm.s32 $0x1  }
0x2: {  	[smem:$0x3F99] =	sst lr;
	_ =	strace $0xD0000000  }
0x3: {  	_ = 	snop  }
0x4: {  	_ = 	snop  }
0x5: {  	_ = 	snop  }
0x6: {  	_ = 	snop  }
0x7: {  	_ = 	snop  }
__scs_overlays_trampoline_lowered:
0x8: {  	[smem:$0x3FA8] =	sst s0  }
0x9: {  	[smem:$0x3FA9] =	sst s1  }
0xa: {  	[smem:$0x3FAA] =	sst s2  }
0xb: {  	[smem:$0x3FAB] =	sst s3  }
0xc: {  	[smem:$0x3FAC] =	sst s4  }
0xd: {  	[smem:$0x3FAD] =	sst s5  }
0xe: {  	[smem:$0x3FAE] =	sst s6  }
0xf: {  	[smem:$0x3FAF] =	sst s7  }
0x10: {  	[smem:$0x3FB0] =	sst s8  }
0x11: {  	[smem:$0x3FB1] =	sst s9;
	s0 =	simm.s32 @!p0 $0x0  }
0x12: {  	s1 =	sld [smem:$0x3F97];
	s0 =	simm.s32 @p0 $0x1  }
0x13: {  	[smem:$0x3FB2] =	sst s0;
	s0 =	simm.s32 @!p1 $0x0  }
0x14: {  	s2 =	sld [smem:$0x3F96];
	s0 =	simm.s32 @p1 $0x1  }
0x15: {  	[smem:$0x3FB3] =	sst s0;
	s0 =	simm.s32 @!p2 $0x0  }
0x16: {  	s3 =	sld [smem:$0x3FDB];
	s0 =	simm.s32 @p2 $0x1  }
0x17: {  	s4 =	simm.s32 $0x1BF5;
	[smem:$0x3FB5] =	sst s0  }
0x18: {  	s0 =	sld [smem:$0x3F98];
	_ =	swait.ge [sflag:s4], $0x0  }
0x19: {  	s7 =	sld [smem:$0x3F99]  }
0x1a: {  	s8 =	sadd.s32 $0xFFFFE003, lr  }
0x1b: {  	s9 =	sadd.s32 $0xFFFFFEF7, lr;
	s5 =	simm.s32 $0xFFFFFFFF;
	p2 =	slt.u32 s8, $0xFFFFF086  }
0x1c: {  	p1 =	slt.u32 s9, $0xF7A;
	s5 =	simm.s32 @!p2 $0x0  }
0x1d: {  	s5 =	simm.s32 @p1 $0x1;
	p0 =	seq.s32 s7, s2  }
0x1e: {  	s7 =	smul.u32 @!p0 $0xF7A, s2;
	p2 =	seq.s32 @!p0 s5, $0x0  }
0x1f: {  	s9 =	smul.u32 $0xF7A, s1;
	s8 =	simm.s32 @!p0 $0x1BF5;
	p2 =	por !p2, p0  }
0x20: {  	[sflag:s8] =	ssyncset.s32 @!p0 $0xFFFFF086;
	s6 =	sadd.s32 @!p0 s3, s7;
	s7 =	simm.s32 @!p0 $0x108  }
0x21: {  	s3 =	sadd.s32 s3, s9;
	s6 =	sadd.s32 @!p0 $0x88, s6;
	s7 =	simm.s32 @p2 $0x1082  }
0x22: {  	[simem:s7], [sflag:s8] =	dma.local @!p0 [hbm:s6], $0xF7A  }
0x23: {  	s9 =	sor.u32 $0xD0000000, s2;
	s6 =	simm.s32 $0x108;
	_ =	swait.ge @!p0 [sflag:s8], $0x0  }
0x24: {  	s3 =	sadd.s32 $0x88, s3;
	s6 =	simm.s32 @!p1 $0x1082;
	[sflag:s4] =	ssyncset.s32 $0xFFFFF086  }
0x25: {  	[simem:s6], [sflag:s4] =	dma.local [hbm:s3], $0xF7A  }
0x26: {  	[smem:$0x3F99] =	sst s1;
	(tag) =	ssettag s2;
	_ =	strace s9  }
0x27: {  	s1 =	sld [smem:$0x3FA9]  }
0x28: {  	s2 =	sld [smem:$0x3FAA]  }
0x29: {  	s4 =	sld [smem:$0x3FAC]  }
0x2a: {  	p0 =	seq.s32 s5, $0x0;
	s5 =	sld [smem:$0x3FAD]  }
0x2b: {  	s6 =	sld [smem:$0x3FAE]  }
0x2c: {  	s7 =	sld [smem:$0x3FAF]  }
0x2d: {  	s3 =	simm.s32 $0x108;
	s8 =	sld [smem:$0x3FB0]  }
0x2e: {  	s3 =	simm.s32 @!p0 $0x1082;
	s9 =	sld [smem:$0x3FB1]  }
0x2f: {  	lr =	sadd.s32 s0, s3;
	s0 =	sld [smem:$0x3FA8]  }
0x30: {  	s3 =	sld [smem:$0x3FAB]  }
0x31: {  	[smem:$0x3FB4] =	sst s10  }
0x32: {  	s10 =	sld [smem:$0x3FB2];
	_ =	sdelay $0x3  }
0x33: {  	p0 =	seq.s32 s10, $0x1;
	s10 =	sld [smem:$0x3FB4];
	_ =	sdelay $0x3  }
0x34: {  	[smem:$0x3FB4] =	sst s10  }
0x35: {  	s10 =	sld [smem:$0x3FB3];
	_ =	sdelay $0x3  }
0x36: {  	p1 =	seq.s32 s10, $0x1;
	s10 =	sld [smem:$0x3FB4];
	_ =	sdelay $0x3  }
0x37: {  	[smem:$0x3FB4] =	sst s10  }
0x38: {  	s10 =	sld [smem:$0x3FB5]  }
0x39: {  	_ = 	snop;
	(pc) =	sbr.ind lr, $3  }
0x3a: {  	_ = 	snop  }
0x3b: {  	_ = 	snop  }
0x3c: {  	p2 =	seq.s32 s10, $0x1;
	s10 =	sld [smem:$0x3FB4]  }
0x3d: {  	_ =	shalt  }
0x3e: {  	_ =	shalt  }
0x3f: {  	_ =	shalt  }
0x40: {  	_ =	shalt  }
0x41: {  	_ =	shalt  }
0x42: {  	_ =	shalt  }
0x43: {  	_ =	shalt  }
0x44: {  	_ =	shalt  }
0x45: {  	_ =	shalt  }
0x46: {  	_ =	shalt  }
0x47: {  	_ =	shalt  }
0x48: {  	_ =	shalt  }
0x49: {  	_ =	shalt  }
0x4a: {  	_ =	shalt  }
0x4b: {  	_ =	shalt  }
0x4c: {  	_ =	shalt  }
0x4d: {  	_ =	shalt  }
0x4e: {  	_ =	shalt  }
0x4f: {  	_ =	shalt  }
0x50: {  	_ =	shalt  }
0x51: {  	_ =	shalt  }
0x52: {  	_ =	shalt  }
0x53: {  	_ =	shalt  }
0x54: {  	_ =	shalt  }
0x55: {  	_ =	shalt  }
0x56: {  	_ =	shalt  }
0x57: {  	_ =	shalt  }
0x58: {  	_ =	shalt  }
0x59: {  	_ =	shalt  }
0x5a: {  	_ =	shalt  }
0x5b: {  	_ =	shalt  }
0x5c: {  	_ =	shalt  }
0x5d: {  	_ =	shalt  }
0x5e: {  	_ =	shalt  }
0x5f: {  	_ =	shalt  }
0x60: {  	_ =	shalt  }
0x61: {  	_ =	shalt  }
0x62: {  	_ =	shalt  }
0x63: {  	_ =	shalt  }
0x64: {  	_ =	shalt  }
0x65: {  	_ =	shalt  }
0x66: {  	_ =	shalt  }
0x67: {  	_ =	shalt  }
0x68: {  	_ =	shalt  }
0x69: {  	_ =	shalt  }
0x6a: {  	_ =	shalt  }
0x6b: {  	_ =	shalt  }
0x6c: {  	_ =	shalt  }
0x6d: {  	_ =	shalt  }
0x6e: {  	_ =	shalt  }
0x6f: {  	_ =	shalt  }
0x70: {  	_ =	shalt  }
0x71: {  	_ =	shalt  }
0x72: {  	_ =	shalt  }
0x73: {  	_ =	shalt  }
0x74: {  	_ =	shalt  }
0x75: {  	_ =	shalt  }
0x76: {  	_ =	shalt  }
0x77: {  	_ =	shalt  }
0x78: {  	_ =	shalt  }
0x79: {  	_ =	shalt  }
0x7a: {  	_ =	shalt  }
0x7b: {  	_ =	shalt  }
0x7c: {  	_ =	shalt  }
0x7d: {  	_ =	shalt  }
0x7e: {  	_ =	shalt  }
0x7f: {  	_ =	shalt  }
0x80: {  	_ =	shalt  }
0x81: {  	_ =	shalt  }
0x82: {  	_ =	shalt  }
0x83: {  	_ =	shalt  }
0x84: {  	_ =	shalt  }
0x85: {  	_ =	shalt  }
0x86: {  	_ =	shalt  }
0x87: {  	_ =	shalt  }
.Lfunc_end0:
.L_simem_size_0:
called_computation_lowered:
.L_overlay_start_0:
0x88: {  	s2 =	sld [smem:$0x3FD9]  }
0x89: {  	s3 =	sld [smem:$0x3FFE];
	_ =	sdelay $0x1  }
0x8a: {  	s1 =	srdreg.scid  }
0x8b: {  	s0 =	sand.u32 $0x1, s1  }
0x8c: {  	s16 =	sshll.u32 s0, $0xA;
	s2 =	sadd.s32 s3, s2  }
0x8d: {  	s2 =	sadd.s32 s2, s16  }
0x8e: {  	[smem:$0x3FC0] =	sst s2  }
0x8f: {  	_ = 	snop  }
0x90: {  	(tm) =	ssettm $0x1  }
0x91: {  	s17 =	sld [smem:$0x3FFB];
	_ =	sdelay $0x3  }
0x92: {  	_ =	strace s17  }
0x93: {  	s2 =	sld [smem:$0x3FFC];
	_ =	sdelay $0x3  }
0x94: {  	_ =	strace s2  }
0x95: {  	s2 =	sld [smem:$0x3FFD];
	_ =	sdelay $0x3  }
0x96: {  	_ =	strace s2  }
0x97: {  	_ =	strace $0x8FFFFFFF  }
0x98: {  	s18 =	sld [smem:$0x3FDB];
	_ =	sdelay $0x1  }
0x99: {  	s19 =	simm.s32 $_scs_section_size  }
0x9a: {  	s4 =	simm.s32 $_size__tile_overlayer_lowered;
	s5 =	simm.s32 $_tile_overlayer_lowered  }
0x9b: {  	s22 =	simm.s32 $0x1BFF;
	s21 =	sshll.u32 s5, $0x1;
	s2 =	sadd.s32 s19, s18  }
0x9c: {  	s6 =	simm.s32 $0x0;
	s20 =	sshll.u32 s4, $0x1;
	s4 =	sadd.s32 s21, s2  }
0x9d: {  	[timem:s6], [sflag:s22] =	dma.local [hbm:s4], s20  }
0x9e: {  	_ =	swait.ge [sflag:s22], s20  }
0x9f: {  	s3 =	ssub.s32 $0x0, s20;
	[sflag:s22] =	ssyncset.done $0x0  }
0xa0: {  	[sflag:s22] =	ssyncadd.s32 s3;
	_ =	sdelay $0x1  }
0xa1: {  	s23 =	simm.s32 $0x1B8B  }
0xa2: {  	_ =	swait.ge [sflag:s23], $0x1  }
0xa3: {  	[sflag:s23] =	ssyncset.done $0x0  }
0xa4: {  	s25 =	simm.s32 $0x1B8E;
	s24 =	sld [smem:$0x3FFE];
	[sflag:s23] =	ssyncadd.s32 $0xFFFFFFFF  }
0xa5: {  	s26 =	simm.s32 $execute0_lowered;
	[smem:$0x3FD2] =	sst s25  }
0xa6: {  	s4 =	sshll.u32 s26, $0x1;
	_ =	strace $0x80000046;
	[dreg:$0x1] =	wrdreg $0xFFFFFFFF  }
0xa7: {  	s28 =	simm.s32 $_size_execute0_lowered;
	s2 =	sadd.s32 s2, s4;
	[dreg:$0x0] =	wrdreg $0x0  }
0xa8: {  	s4 =	sshll.u32 s28, $0x1;
	[dreg:$0x2] =	wrdreg s2  }
0xa9: {  	[dreg:$0x3] =	wrdreg s4  }
0xaa: {  	[dreg:$0x4] =	wrdreg $0xC0  }
0xab: {  	_ =	task [dreg:s6], $0x5FFFF  }
0xac: {  	[dreg:$0x1] =	wrdreg $0xFFFFFFFF  }
0xad: {  	[dreg:$0x0] =	wrdreg $0x60  }
0xae: {  	[dreg:$0x2] =	wrdreg s24  }
0xaf: {  	[dreg:$0x3] =	wrdreg $0x88000  }
0xb0: {  	[dreg:$0x4] =	wrdreg $0x9  }
0xb1: {  	_ =	task.clear_ibuf [dreg:s6], $0x5FFFF;
	_ =	strace $0x90000046  }
0xb2: {  	s29 =	simm.s32 $0x9;
	_ =	strace $0x80000048  }
0xb3: {  	_ =	swait.ge [sflag:s29], $0x1  }
0xb4: {  	[sflag:s29] =	ssyncadd.s32 $0xFFFFFFFF  }
0xb5: {  	_ =	strace $0x90000048  }
0xb6: {  	_ =	sfence  }
0xb7: {  	s30 =	sld [smem:$0x0];
	_ =	sdelay $0x2  }
0xb8: {  	s31 =	sshll.u32 s1, $0xD;
	s1 =	sshrl.u32 s1, $0x2  }
0xb9: {  	s3 =	sand.u32 $0x4000, s31;
	s1 =	sadd.s32 s1, s30  }
0xba: {  	s0 =	sor.u32 s3, s0;
	s1 =	sshll.u32 s1, $0x11  }
0xbb: {  	s0 =	sor.u32 s1, s0  }
0xbc: {  	s0 =	sadd.s32 $0x8F2B, s0  }
0xbd: {  	[sflag:s0] =	ssyncadd.remote.s32 $0x1  }
0xbe: {  	_ =	sfence.sel $0xFFFF  }
0xbf: {  	[dreg:$0x0] =	wrdreg $0xFFFFFFFF;
	(pc) =	sbr.abs _section_cstart, $3  }
0xc0: {  	[dreg:$0x1] =	wrdreg $0xFFFFFFFF  }
0xc1: {  	_ =	task.clear_ibuf [dreg:s6], $0x2FFFF;
	_ =	strace $0x9FFFFFFF  }
0xc2: {  	(tm) =	ssettm $0x7FFFFFFF  }
0xc3: {  	_ =	shalt  }
tec
execute0_lowered:
.L_overlay_start_1:
0x0: {  	(tag) =	ssettag $0x1  }
0x1: {  	s0 =	rddreg [dreg:$0x0]  }
0x2: {  	s1 =	srdreg.scid;
	s2 =	rddreg [dreg:$0x1]  }
0x3: {  	s3 =	simm.s32 $0x0;
	s17 =	simm.s32 $0x2;
	s18 =	simm.s32 $0x6800  }
0x4: {  	s19 =	simm.s32 $0x50;
	s20 =	simm.s32 $0x4000;
	s21 =	simm.s32 $0x80  }
0x5: {  	s22 =	simm.s32 $0x100;
	s28 =	simm.s32 $0x380;
	s4 =	sand.u32 $0x1, s1  }
0x6: {  	s29 =	simm.s32 $0x1;
	s1 =	stileid.u32;
	s5 =	smul.u32 $0x138800, s4  }
0x7: {  	s30 =	simm.s32 $0x0;
	[smem:$0x7FF] =	sst s3;
	s6 =	smul.u32 $0x13800, s1  }
0x8: {  	_ =	strace $0x80000047;
	s7 =	sshll.u32 s1, $0xB;
	s24 =	smul.u32 $0x4E000, s1  }
0x9: {  	s25 =	ssub.s32 $0x2, s4;
	s4 =	sshll.u32 s4, $0xF;
	s23 =	sadd.s32 s7, s0  }
0xa: {  	s8 =	sshrl.u32 s25, $0x1;
	s5 =	sadd.s32 s6, s5;
	s4 =	sadd.s32 s4, s23  }
0xb: {  	s26 =	sshrl.u32 s24, $0x2;
	s31 =	ssub.s32 s25, s8;
	s23 =	simm.s32 $0x180  }
0xc: {  	s24 =	simm.s32 $0x200;
	s25 =	simm.s32 $0x280;
	s5 =	sshrl.u32 s5, $0x3  }
0xd: {  	s4 =	sadd.s32 $0x2600, s4;
	s7 =	smax.u32 s31, $0x1;
	s0 =	sadd.s32 s5, s0  }
0xe: {  	s5 =	sadd.s32 s26, s2;
	s26 =	simm.s32 $0x300;
	s6 =	sadd.s32 $0x12600, s0  }
0xf: {  	s8 =	sadd.s32 $0x2000, s5;
	s9 =	sadd.s32 $0x4000, s5;
	s10 =	sadd.s32 $0x6000, s5  }
0x10: {  	s11 =	sadd.s32 $0x8000, s5;
	s12 =	sadd.s32 $0xA000, s5;
	s13 =	sadd.s32 $0xC000, s5  }
0x11: {  	v0 =	vimm.f32 $1.000000000e+00;
	v1 =	vimm.f32 $0.0e+00;
	s14 =	sadd.s32 $0xE000, s5;
	s15 =	sadd.s32 $0x10000, s5;
	s16 =	sadd.s32 $0x12000, s5  }
.LBB2_1:
0x12: {  	s31 =	simm.s32 $0x70;
	s0 =	simm.s32 $0x3C0  }
.LBB2_2:
0x13: {  	p0 =	sne.s32 s0, $0x9FC0;
	[tilespmem:s31+$0x4000] =	vst v0  }
0x14: {  	[tilespmem:s31+$0x3F90] =	vst v0  }
0x15: {  	[tilespmem:s31+$0x3FA0] =	vst v0  }
.Ltmp0:
0x16: {  	[tilespmem:s31+$0x3FB0] =	vst v0;
	(pc) =	sbr.rel @p0 .LBB2_2-.Ltmp0, $4  }
0x17: {  	[tilespmem:s31+$0x3FC0] =	vst v0  }
0x18: {  	[tilespmem:s31+$0x3FD0] =	vst v0  }
0x19: {  	[tilespmem:s31+$0x3FE0] =	vst v0  }
0x1a: {  	[tilespmem:s31+$0x3FF0] =	vst v0;
	s31 =	sshra.s32 s0, $0x2;
	s0 =	sadd.s32 $0x200, s0  }
0x1b: {  	[tilespmem:s31+$0x4000] =	vst v0  }
0x1c: {  	[tilespmem:s31+$0x3F90] =	vst v0  }
0x1d: {  	[tilespmem:s31+$0x3FA0] =	vst v0  }
0x1e: {  	[tilespmem:s31+$0x3FB0] =	vst v0  }
0x1f: {  	[tilespmem:s31+$0x3FC0] =	vst v0  }
0x20: {  	[tilespmem:s31+$0x3FD0] =	vst v0  }
0x21: {  	[tilespmem:s31+$0x3FE0] =	vst v0  }
0x22: {  	[tilespmem:s31+$0x3FF0] =	vst v0;
	s0 =	simm.s32 $0x0  }
0x23: {  	[tilespmem:s0], [sflag:$0x2] =	stream.linear.gather [hbm4b:s4+s0], $0x3E80, $0x38;
	[tilespmem:$0x1C080] =	vst v63  }
0x24: {  	_ =	swait.ge [sflag:s17], $0x3E80  }
0x25: {  	[sflag:s17] =	ssyncset.done $0x0  }
0x26: {  	s31 =	simm.s32 $0x0;
	s0 =	simm.s32 $0x200;
	[sflag:s17] =	ssyncadd.s32 $0xFFFFC180  }
.LBB2_4:
0x27: {  	p0 =	sne.s32 s0, $0x7E00;
	[tilespmem:s31+$0x6870] =	vst v1  }
0x28: {  	[tilespmem:s31+$0x6800] =	vst v1  }
0x29: {  	[tilespmem:s31+$0x6810] =	vst v1  }
.Ltmp1:
0x2a: {  	[tilespmem:s31+$0x6820] =	vst v1;
	(pc) =	sbr.rel @p0 .LBB2_4-.Ltmp1, $4  }
0x2b: {  	[tilespmem:s31+$0x6830] =	vst v1  }
0x2c: {  	[tilespmem:s31+$0x6840] =	vst v1  }
0x2d: {  	[tilespmem:s31+$0x6850] =	vst v1  }
0x2e: {  	[tilespmem:s31+$0x6860] =	vst v1;
	s31 =	sshra.s32 s0, $0x2;
	s0 =	sadd.s32 $0x200, s0  }
0x2f: {  	[tilespmem:s31+$0x6870] =	vst v1  }
0x30: {  	[tilespmem:s31+$0x6800] =	vst v1  }
0x31: {  	[tilespmem:s31+$0x6810] =	vst v1  }
0x32: {  	[tilespmem:s31+$0x6820] =	vst v1  }
0x33: {  	[tilespmem:s31+$0x6830] =	vst v1  }
0x34: {  	[tilespmem:s31+$0x6840] =	vst v1  }
0x35: {  	[tilespmem:s31+$0x6850] =	vst v1  }
0x36: {  	[tilespmem:s31+$0x6860] =	vst v1  }
0x37: {  	[spmem:s5] =	stream.linear.scatter [tilespmem:s18], [sflag:$0x2], $0x2000, $0x38;
	[tilespmem:$0x1C080] =	vst v63  }
0x38: {  	_ =	swait.ge [sflag:s17], $0x2000  }
0x39: {  	[sflag:s17] =	ssyncset.done $0x0  }
0x3a: {  	[sflag:s17] =	ssyncadd.s32 $0xFFFFE000  }
0x3b: {  	[spmem:s8] =	stream.linear.scatter [tilespmem:s18], [sflag:$0x2], $0x2000, $0x38;
	[tilespmem:$0x1C080] =	vst v63  }
0x3c: {  	_ =	swait.ge [sflag:s17], $0x2000  }
0x3d: {  	[sflag:s17] =	ssyncset.done $0x0  }
0x3e: {  	[sflag:s17] =	ssyncadd.s32 $0xFFFFE000  }
0x3f: {  	[spmem:s9] =	stream.linear.scatter [tilespmem:s18], [sflag:$0x2], $0x2000, $0x38;
	[tilespmem:$0x1C080] =	vst v63  }
0x40: {  	_ =	swait.ge [sflag:s17], $0x2000  }
0x41: {  	[sflag:s17] =	ssyncset.done $0x0  }
0x42: {  	[sflag:s17] =	ssyncadd.s32 $0xFFFFE000  }
0x43: {  	[spmem:s10] =	stream.linear.scatter [tilespmem:s18], [sflag:$0x2], $0x2000, $0x38;
	[tilespmem:$0x1C080] =	vst v63  }
0x44: {  	_ =	swait.ge [sflag:s17], $0x2000  }
0x45: {  	[sflag:s17] =	ssyncset.done $0x0  }
0x46: {  	[sflag:s17] =	ssyncadd.s32 $0xFFFFE000  }
0x47: {  	[spmem:s11] =	stream.linear.scatter [tilespmem:s18], [sflag:$0x2], $0x2000, $0x38;
	[tilespmem:$0x1C080] =	vst v63  }
0x48: {  	_ =	swait.ge [sflag:s17], $0x2000  }
0x49: {  	[sflag:s17] =	ssyncset.done $0x0  }
0x4a: {  	[sflag:s17] =	ssyncadd.s32 $0xFFFFE000  }
0x4b: {  	[spmem:s12] =	stream.linear.scatter [tilespmem:s18], [sflag:$0x2], $0x2000, $0x38;
	[tilespmem:$0x1C080] =	vst v63  }
0x4c: {  	_ =	swait.ge [sflag:s17], $0x2000  }
0x4d: {  	[sflag:s17] =	ssyncset.done $0x0  }
0x4e: {  	[sflag:s17] =	ssyncadd.s32 $0xFFFFE000  }
0x4f: {  	[spmem:s13] =	stream.linear.scatter [tilespmem:s18], [sflag:$0x2], $0x2000, $0x38;
	[tilespmem:$0x1C080] =	vst v63  }
0x50: {  	_ =	swait.ge [sflag:s17], $0x2000  }
0x51: {  	[sflag:s17] =	ssyncset.done $0x0  }
0x52: {  	[sflag:s17] =	ssyncadd.s32 $0xFFFFE000  }
0x53: {  	[spmem:s14] =	stream.linear.scatter [tilespmem:s18], [sflag:$0x2], $0x2000, $0x38;
	[tilespmem:$0x1C080] =	vst v63  }
0x54: {  	_ =	swait.ge [sflag:s17], $0x2000  }
0x55: {  	[sflag:s17] =	ssyncset.done $0x0  }
0x56: {  	[sflag:s17] =	ssyncadd.s32 $0xFFFFE000  }
0x57: {  	[spmem:s15] =	stream.linear.scatter [tilespmem:s18], [sflag:$0x2], $0x2000, $0x38;
	[tilespmem:$0x1C080] =	vst v63  }
0x58: {  	_ =	swait.ge [sflag:s17], $0x2000  }
0x59: {  	[sflag:s17] =	ssyncset.done $0x0  }
0x5a: {  	[sflag:s17] =	ssyncadd.s32 $0xFFFFE000  }
0x5b: {  	[spmem:s16] =	stream.linear.scatter [tilespmem:s18], [sflag:$0x2], $0x2000, $0x38;
	[tilespmem:$0x1C080] =	vst v63  }
0x5c: {  	_ =	swait.ge [sflag:s17], $0x2000  }
0x5d: {  	[sflag:s17] =	ssyncset.done $0x0  }
0x5e: {  	[sflag:s17] =	ssyncadd.s32 $0xFFFFE000  }
0x5f: {  	[bflag:$0x0] =	sbarrier.arrive $0xFFFF  }
0x60: {  	[spmem:s2] =	stream.indirect.scatter.add.f32 [tilespmem:s20], [sflag:$0x1], $0x80, s3, s19, $0xb8;
	[tilespmem:$0x1C080] =	vst v63  }
0x61: {  	_ = 	snop  }
0x62: {  	[spmem:s2] =	stream.indirect.scatter.add.f32 [tilespmem:s20], [sflag:$0x1], $0x80, s21, s19, $0xb8;
	[tilespmem:$0x1C080] =	vst v63  }
0x63: {  	_ = 	snop  }
0x64: {  	[spmem:s2] =	stream.indirect.scatter.add.f32 [tilespmem:s20], [sflag:$0x1], $0x80, s22, s19, $0xb8;
	[tilespmem:$0x1C080] =	vst v63  }
0x65: {  	_ = 	snop  }
0x66: {  	[spmem:s2] =	stream.indirect.scatter.add.f32 [tilespmem:s20], [sflag:$0x1], $0x80, s23, s19, $0xb8;
	[tilespmem:$0x1C080] =	vst v63  }
0x67: {  	_ = 	snop  }
0x68: {  	[spmem:s2] =	stream.indirect.scatter.add.f32 [tilespmem:s20], [sflag:$0x1], $0x80, s24, s19, $0xb8;
	[tilespmem:$0x1C080] =	vst v63  }
0x69: {  	_ = 	snop  }
0x6a: {  	[spmem:s2] =	stream.indirect.scatter.add.f32 [tilespmem:s20], [sflag:$0x1], $0x80, s25, s19, $0xb8;
	[tilespmem:$0x1C080] =	vst v63  }
0x6b: {  	_ = 	snop  }
0x6c: {  	[spmem:s2] =	stream.indirect.scatter.add.f32 [tilespmem:s20], [sflag:$0x1], $0x80, s26, s19, $0xb8;
	[tilespmem:$0x1C080] =	vst v63  }
0x6d: {  	_ = 	snop  }
0x6e: {  	[spmem:s2] =	stream.indirect.scatter.add.f32 [tilespmem:s20], [sflag:$0x1], $0x80, s28, s19, $0xb8;
	[tilespmem:$0x1C080] =	vst v63  }
0x6f: {  	_ =	swait.ge [sflag:s29], $0x2800  }
0x70: {  	[sflag:s29] =	ssyncset.done $0x0  }
0x71: {  	s0 =	simm.s32 $0x1200;
	s31 =	simm.s32 $0x400;
	[sflag:s29] =	ssyncadd.s32 $0xFFFFD800  }
.LBB2_6:
0x72: {  	[spmem:s2] =	stream.indirect.scatter.add.f32 [tilespmem:s20], [sflag:$0x1], $0x80, s31, s19, $0xb8;
	[tilespmem:$0x1C080] =	vst v63  }
0x73: {  	s31 =	smov.u32 s0;
	p0 =	sne.s32 s0, $0xF800  }
.Ltmp2:
0x74: {  	s0 =	sadd.s32 $0x200, s0;
	(pc) =	sbr.rel @p0 .LBB2_6-.Ltmp2, $4  }
0x75: {  	_ = 	snop  }
0x76: {  	_ =	swait.ge [sflag:s29], $0x2800  }
0x77: {  	[sflag:s29] =	ssyncset.done $0x0  }
0x78: {  	s31 =	sshra.s32 s31, $0x2;
	[sflag:s29] =	ssyncadd.s32 $0xFFFFD800  }
0x79: {  	[spmem:s2] =	stream.indirect.scatter.add.f32 [tilespmem:s20], [sflag:$0x1], $0x80, s31, s19, $0xb8;
	[tilespmem:$0x1C080] =	vst v63  }
0x7a: {  	_ =	swait.ge [sflag:s29], $0x2800  }
0x7b: {  	[sflag:s29] =	ssyncset.done $0x0  }
0x7c: {  	[sflag:s29] =	ssyncadd.s32 $0xFFFFD800  }
0x7d: {  	_ =	swait.ge [sflag:s29], $0x2800  }
0x7e: {  	[sflag:s29] =	ssyncset.done $0x0  }
0x7f: {  	[sflag:s29] =	ssyncadd.s32 $0xFFFFD800  }
0x80: {  	_ =	swait.ge [sflag:s29], $0x2800  }
0x81: {  	[sflag:s29] =	ssyncset.done $0x0  }
0x82: {  	[sflag:s29] =	ssyncadd.s32 $0xFFFFD800  }
0x83: {  	_ =	swait.ge [sflag:s29], $0x2800  }
0x84: {  	[sflag:s29] =	ssyncset.done $0x0  }
0x85: {  	[sflag:s29] =	ssyncadd.s32 $0xFFFFD800  }
0x86: {  	_ =	swait.ge [sflag:s29], $0x2800  }
0x87: {  	[sflag:s29] =	ssyncset.done $0x0  }
0x88: {  	[sflag:s29] =	ssyncadd.s32 $0xFFFFD800  }
0x89: {  	_ =	swait.ge [sflag:s29], $0x2800  }
0x8a: {  	[sflag:s29] =	ssyncset.done $0x0  }
0x8b: {  	[sflag:s29] =	ssyncadd.s32 $0xFFFFD800  }
0x8c: {  	_ =	swait.ge [sflag:s29], $0x2800  }
0x8d: {  	[sflag:s29] =	ssyncset.done $0x0  }
0x8e: {  	[sflag:s29] =	ssyncadd.s32 $0xFFFFD800  }
0x8f: {  	_ =	swait.ge [sflag:s29], $0x2800  }
0x90: {  	s0 =	sshll.u32 s1, $0x6;
	s30 =	sadd.s32 $0x1, s30;
	[sflag:s29] =	ssyncset.done $0x0  }
0x91: {  	s31 =	sshrl.u32 s5, $0x3;
	p0 =	sne.s32 s30, s7;
	[sflag:s29] =	ssyncadd.s32 $0xFFFFD800  }
.Ltmp3:
0x92: {  	s0 =	sor.u32 $0x1C02, s0;
	[bflag:$0x0] =	sbarrier.arrive $0xFFFF;
	(pc) =	sbr.rel @p0 .LBB2_1-.Ltmp3, $4  }
0x93: {  	[hbm:s6], [sflag:s0] =	dma.local [spmem:s31], $0x2800  }
0x94: {  	_ =	swait.ge [sflag:s17], $0x2800  }
0x95: {  	[sflag:s17] =	ssyncset.done $0x0  }
0x96: {  	[sflag:s17] =	ssyncadd.s32 $0xFFFFD800  }
0x97: {  	_ =	sfence.sel $0x180000  }
0x98: {  	[bflag:$0x0] =	sbarrier.arrive $0xFFFF  }
0x99: {  	_ =	strace $0x90000047  }
0x9a: {  	[bflag:$0x2] =	sbarrier.arrive $0xFFFF  }
0x9b: {  	p0 =	sne.s32 s1, $0x0;
	s0 =	rddreg [dreg:$0x2]  }
0x9c: {  	s0 =	sadd.s32 @!p0 $0x100000, s0  }
0x9d: {  	[sflag:s0] =	ssyncadd.tile.s32 @!p0 $0x1;
	_ =	shalt  }
.Lfunc_end2:
_tile_overlayer_lowered:
.L_overlay_start_2:
0x9e: {  	(tag) =	ssettag $0x2  }
0x9f: {  	s0 =	rddreg [dreg:$0x0];
	s2 =	stileid.u32  }
0xa0: {  	s1 =	rddreg [dreg:$0x1];
	p0 =	sne.s32 s2, $0x0  }
0xa1: {  	s3 =	rddreg [dreg:$0x2];
	[bflag:$0x3] =	sbarrier.arrive $0xFFFF;
	s2 =	simm.s32 @!p0 $0x1C02  }
0xa2: {  	[timem:s3], [sflag:s2] =	dma.local @!p0 [hbm:s0], s1  }
0xa3: {  	s0 =	simm.s32 @!p0 $0x2  }
0xa4: {  	_ =	swait.ge @!p0 [sflag:s0], s1  }
0xa5: {  	s1 =	ssub.s32 @!p0 $0x0, s1;
	[sflag:s0] =	ssyncset.done @!p0 $0x0  }
0xa6: {  	[sflag:s0] =	ssyncadd.s32 @!p0 s1  }
0xa7: {  	[bflag:$0x3] =	sbarrier.arrive $0xFFFF  }
0xa8: {  	_ =	shalt  }

</sc_bundles>
